<compile_context>
chip_gen: v7x
topology: tpu7x:2x2x1
jax: 0.10.2.dev20260603
libtpu: 0.0.44.dev20260713+nightly
codegen_flags: <defaults>
</compile_context>

<pallas_src>
import functools
import math

import jax
import jax.numpy as jnp
from jax import lax
from jax.experimental import pallas as pl
from jax.experimental.pallas import tpu as pltpu
from jax.experimental.pallas import tpu_sc as plsc

D_MODEL = 128
SCALE = math.sqrt(D_MODEL)

_NUM_CORES = 2
_NUM_SUBCORES = 16
_NW = _NUM_CORES * _NUM_SUBCORES

_NBUF = 3
_LA = 2
_SPLIT = 128


@functools.partial(jax.jit, static_argnums=(2, 3))
def _sc_gather(x, table, xrows, seq):
    d = table.shape[1]
    n_rows = xrows * seq
    rows_per_w = xrows // _NW
    n_chunks = rows_per_w
    b_per_w = rows_per_w * seq
    lag = _NBUF - _LA
    steady = ((n_chunks - lag - _LA) // _NBUF) * _NBUF
    tail_start = lag + steady
    assert steady > 0 and n_chunks >= _NBUF + lag

    mesh = plsc.VectorSubcoreMesh(
        core_axis_name="c", subcore_axis_name="s",
        num_cores=_NUM_CORES, num_subcores=_NUM_SUBCORES,
    )

    @functools.partial(
        pl.kernel,
        out_type=jax.ShapeDtypeStruct((n_rows, d), jnp.float32),
        mesh=mesh,
        scratch_types=[
            pltpu.VMEM((rows_per_w, seq), jnp.int32),
            pltpu.VMEM((_NBUF, seq, d), jnp.float32),
        ] + [pltpu.SemaphoreType.DMA] * (2 * _NBUF),
    )
    def gather_kernel(idx_hbm, tab_hbm, out_hbm, idx_v, rows_v, *sems):
        sem_g = sems[:_NBUF]
        sem_o = sems[_NBUF:]
        wid = lax.axis_index("s") * _NUM_CORES + lax.axis_index("c")
        base = wid * b_per_w

        pltpu.sync_copy(idx_hbm.at[pl.ds(wid * rows_per_w, rows_per_w)],
                        idx_v)

        def gather_parts(i, b):
            yield (tab_hbm.at[idx_v.at[i, pl.ds(0, _SPLIT)]],
                   rows_v.at[b, pl.ds(0, _SPLIT)], sem_g[b])
            yield (tab_hbm.at[idx_v.at[i, pl.ds(_SPLIT, seq - _SPLIT)]],
                   rows_v.at[b, pl.ds(_SPLIT, seq - _SPLIT)], sem_g[b])

        def start_gather(i, b):
            for src, dst, sem in gather_parts(i, b):
                pltpu.async_copy(src, dst, sem)

        def wait_gather(i, b):
            for src, dst, sem in gather_parts(i, b):
                pltpu.make_async_copy(src, dst, sem).wait()

        def start_out(i, b):
            pltpu.async_copy(
                rows_v.at[b], out_hbm.at[pl.ds(base + i * seq, seq)],
                sem_o[b])

        def wait_out(i, b):
            pltpu.make_async_copy(
                rows_v.at[b], out_hbm.at[pl.ds(base + i * seq, seq)],
                sem_o[b]).wait()

        def scale_buf(b):
            @plsc.parallel_loop(0, seq, unroll=4)
            def _(r):
                for c in range(d // 16):
                    sl = pl.ds(c * 16, 16)
                    rows_v[b, r, sl] = rows_v[b, r, sl] * SCALE

        def step(i, slot, head=False, tail=False):
            gslot = (slot + _LA) % _NBUF
            if not head:
                wait_out(i - lag, gslot)
            if not tail:
                start_gather(i + _LA, gslot)
            wait_gather(i, slot)
            scale_buf(slot)
            start_out(i, slot)

        for j in range(_LA):
            start_gather(j, j % _NBUF)
        for i in range(lag):
            step(i, i % _NBUF, head=True)

        def steady_body(k, carry):
            i0 = lag + k * _NBUF
            for b in range(_NBUF):
                step(i0 + b, (lag + b) % _NBUF)
            return carry

        lax.fori_loop(0, steady // _NBUF, steady_body, 0)

        for i in range(tail_start, n_chunks):
            step(i, i % _NBUF, tail=(i + _LA >= n_chunks))
        for i in range(n_chunks - lag, n_chunks):
            wait_out(i, i % _NBUF)

    return gather_kernel(x, table)


def kernel(x, table):
    b, s = x.shape
    out = _sc_gather(x.astype(jnp.int32), table, b, s)
    return out.reshape(b, s, D_MODEL)

# --- scband reference (transcript-rebuilt; emitter-appended) ---
"""Pipeline reference for scband-input-embedding-56753697850000 (READ-ONLY COPY).

The authoritative reference and input builder live on the scoring server;
editing this copy changes nothing except your own understanding.
"""

import jax, jax.numpy as jnp
import numpy as np

D_MODEL = 128
VOCAB = 100000
BATCH = 4096
SEQ = 200

def setup_inputs(seed: int = 0) -> dict:
    key = jax.random.key(seed)
    k1, k2 = jax.random.split(key)
    x = jax.random.randint(k1, (BATCH, SEQ), 0, VOCAB, dtype=jnp.int64 if jax.config.jax_enable_x64 else jnp.int32)
    table = jax.random.normal(k2, (VOCAB, D_MODEL), dtype=jnp.float32) * 0.02
    return {"x": x, "table": table}

def reference(x, table):
    # nn.Embedding lookup -> gather rows from table, then scale by sqrt(d_model)
    emb = jnp.take(table, x, axis=0)
    return emb * (D_MODEL ** 0.5)

if __name__ == "__main__":
    import jax
    _d = setup_inputs()
    print(jax.jit(kernel)(*tuple(_d.values())))

</pallas_src>

<mosaic_0001>
#map = affine_map<(d0, d1) -> (0, 0)>
module attributes {stable_mosaic.version = 14 : i64} {
  func.func @gather_kernel(%arg0: i32, %arg1: i32, %arg2: memref<4096x200xi32, #tpu.memory_space<hbm>>, %arg3: memref<100000x128xf32, #tpu.memory_space<hbm>>, %arg4: memref<819200x128xf32, #tpu.memory_space<hbm>>, %arg5: memref<128x200xi32, #tpu.memory_space<vmem>>, %arg6: memref<3x200x128xf32, #tpu.memory_space<vmem>>, %arg7: memref<!tpu.dma_semaphore, #tpu.memory_space<semaphore_mem>>, %arg8: memref<!tpu.dma_semaphore, #tpu.memory_space<semaphore_mem>>, %arg9: memref<!tpu.dma_semaphore, #tpu.memory_space<semaphore_mem>>, %arg10: memref<!tpu.dma_semaphore, #tpu.memory_space<semaphore_mem>>, %arg11: memref<!tpu.dma_semaphore, #tpu.memory_space<semaphore_mem>>, %arg12: memref<!tpu.dma_semaphore, #tpu.memory_space<semaphore_mem>>) attributes {dimension_semantics = [#tpu.dimension_semantics<core_parallel>, #tpu.dimension_semantics<subcore_parallel>], iteration_bounds = array<i64: 2, 16>, scalar_prefetch = 0 : i64, scratch_operands = 8 : i64, tpu.core_type = #tpu.core_type<sc_vector_subcore>, window_params = [{transform_indices = #map}, {transform_indices = #map}, {transform_indices = #map}]} {
    %mul3A = arith.constant 2 : i32
    %mul3A_0 = arith.muli %arg1, %mul3A : i32
    %add3A = arith.addi %mul3A_0, %arg0 : i32
    %mul3A_1 = arith.constant 25600 : i32
    %mul3A_2 = arith.muli %add3A, %mul3A_1 : i32
    %mul3A_3 = arith.constant 128 : i32
    %mul3A_4 = arith.muli %add3A, %mul3A_3 : i32
    "tpu.region"() ({
      %run_scoped3A = tpu.sem_alloc : memref<!tpu.dma_semaphore, #tpu.memory_space<semaphore_mem>>
      %dma_start3A_412 = arith.constant 0 : i32
      %dma_start3A_413 = tpu.memref_slice %arg2[%mul3A_4, %dma_start3A_412] : memref<4096x200xi32, #tpu.memory_space<hbm>> -> memref<128x200xi32, #tpu.memory_space<hbm>>
      %dma_start3A_414 = arith.constant 0 : i32
      %dma_start3A_415 = tpu.memref_slice %arg2[%mul3A_4, %dma_start3A_414] : memref<4096x200xi32, #tpu.memory_space<hbm>> -> memref<128x200xi32, #tpu.memory_space<hbm>>
      tpu.enqueue_dma source(%dma_start3A_415 : memref<128x200xi32, #tpu.memory_space<hbm>>) target(%arg5 : memref<128x200xi32, #tpu.memory_space<vmem>>) target_semaphore(%run_scoped3A : memref<!tpu.dma_semaphore, #tpu.memory_space<semaphore_mem>>)
      %dma_wait3A_416 = arith.constant 0 : i32
      %dma_wait3A_417 = tpu.memref_slice %arg2[%mul3A_4, %dma_wait3A_416] : memref<4096x200xi32, #tpu.memory_space<hbm>> -> memref<128x200xi32, #tpu.memory_space<hbm>>
      %dma_wait3A_418 = arith.constant 0 : i32
      %dma_wait3A_419 = tpu.memref_slice %arg2[%mul3A_4, %dma_wait3A_418] : memref<4096x200xi32, #tpu.memory_space<hbm>> -> memref<128x200xi32, #tpu.memory_space<hbm>>
      tpu.wait_dma2 semaphore(%run_scoped3A : memref<!tpu.dma_semaphore, #tpu.memory_space<semaphore_mem>>) src(%dma_wait3A_419 : memref<128x200xi32, #tpu.memory_space<hbm>>) dst(%arg5 : memref<128x200xi32, #tpu.memory_space<vmem>>)
      tpu.yield
    }) : () -> ()
    %dma_start3A = arith.constant 0 : i32
    %dma_start3A_5 = arith.constant 0 : i32
    %dma_start3A_6 = arith.constant 0 : i32
    %dma_start3A_7 = arith.constant 0 : i32
    %dma_start3A_8 = tpu.memref_slice %arg6[%dma_start3A_5, %dma_start3A_6, %dma_start3A_7] : memref<3x200x128xf32, #tpu.memory_space<vmem>> -> memref<1x128x128xf32, #tpu.memory_space<vmem>>
    %dma_start3A_9 = tpu.memref_squeeze %dma_start3A_8 : memref<1x128x128xf32, #tpu.memory_space<vmem>> -> memref<128x128xf32, #tpu.memory_space<vmem>>
    %dma_start3A_10 = arith.constant 0 : i32
    %dma_start3A_11 = tpu.memref_slice %arg5[%dma_start3A, %dma_start3A_10] : memref<128x200xi32, #tpu.memory_space<vmem>> -> memref<1x128xi32, #tpu.memory_space<vmem>>
    %dma_start3A_12 = tpu.memref_squeeze %dma_start3A_11 : memref<1x128xi32, #tpu.memory_space<vmem>> -> memref<128xi32, #tpu.memory_space<vmem>>
    %dma_start3A_13 = arith.constant 0 : i32
    %dma_start3A_14 = arith.constant 0 : i32
    %dma_start3A_15 = tpu.memref_slice %arg3[%dma_start3A_13, %dma_start3A_14] : memref<100000x128xf32, #tpu.memory_space<hbm>> -> memref<100000x128xf32, #tpu.memory_space<hbm>>
    tpu.enqueue_indirect_dma source(%dma_start3A_15 : memref<100000x128xf32, #tpu.memory_space<hbm>>) target(%dma_start3A_9 : memref<128x128xf32, #tpu.memory_space<vmem>>) offsets(%dma_start3A_12 : memref<128xi32, #tpu.memory_space<vmem>>) semaphore(%arg7 : memref<!tpu.dma_semaphore, #tpu.memory_space<semaphore_mem>>)
    %dma_start3A_16 = arith.constant 0 : i32
    %dma_start3A_17 = arith.constant 0 : i32
    %dma_start3A_18 = arith.constant 128 : i32
    %dma_start3A_19 = arith.constant 0 : i32
    %dma_start3A_20 = tpu.memref_slice %arg6[%dma_start3A_17, %dma_start3A_18, %dma_start3A_19] : memref<3x200x128xf32, #tpu.memory_space<vmem>> -> memref<1x72x128xf32, #tpu.memory_space<vmem>>
    %dma_start3A_21 = tpu.memref_squeeze %dma_start3A_20 : memref<1x72x128xf32, #tpu.memory_space<vmem>> -> memref<72x128xf32, #tpu.memory_space<vmem>>
    %dma_start3A_22 = arith.constant 128 : i32
    %dma_start3A_23 = tpu.memref_slice %arg5[%dma_start3A_16, %dma_start3A_22] : memref<128x200xi32, #tpu.memory_space<vmem>> -> memref<1x72xi32, #tpu.memory_space<vmem>>
    %dma_start3A_24 = tpu.memref_squeeze %dma_start3A_23 : memref<1x72xi32, #tpu.memory_space<vmem>> -> memref<72xi32, #tpu.memory_space<vmem>>
    %dma_start3A_25 = arith.constant 0 : i32
    %dma_start3A_26 = arith.constant 0 : i32
    %dma_start3A_27 = tpu.memref_slice %arg3[%dma_start3A_25, %dma_start3A_26] : memref<100000x128xf32, #tpu.memory_space<hbm>> -> memref<100000x128xf32, #tpu.memory_space<hbm>>
    tpu.enqueue_indirect_dma source(%dma_start3A_27 : memref<100000x128xf32, #tpu.memory_space<hbm>>) target(%dma_start3A_21 : memref<72x128xf32, #tpu.memory_space<vmem>>) offsets(%dma_start3A_24 : memref<72xi32, #tpu.memory_space<vmem>>) semaphore(%arg7 : memref<!tpu.dma_semaphore, #tpu.memory_space<semaphore_mem>>)
    %dma_start3A_28 = arith.constant 1 : i32
    %dma_start3A_29 = arith.constant 1 : i32
    %dma_start3A_30 = arith.constant 0 : i32
    %dma_start3A_31 = arith.constant 0 : i32
    %dma_start3A_32 = tpu.memref_slice %arg6[%dma_start3A_29, %dma_start3A_30, %dma_start3A_31] : memref<3x200x128xf32, #tpu.memory_space<vmem>> -> memref<1x128x128xf32, #tpu.memory_space<vmem>>
    %dma_start3A_33 = tpu.memref_squeeze %dma_start3A_32 : memref<1x128x128xf32, #tpu.memory_space<vmem>> -> memref<128x128xf32, #tpu.memory_space<vmem>>
    %dma_start3A_34 = arith.constant 0 : i32
    %dma_start3A_35 = tpu.memref_slice %arg5[%dma_start3A_28, %dma_start3A_34] : memref<128x200xi32, #tpu.memory_space<vmem>> -> memref<1x128xi32, #tpu.memory_space<vmem>>
    %dma_start3A_36 = tpu.memref_squeeze %dma_start3A_35 : memref<1x128xi32, #tpu.memory_space<vmem>> -> memref<128xi32, #tpu.memory_space<vmem>>
    %dma_start3A_37 = arith.constant 0 : i32
    %dma_start3A_38 = arith.constant 0 : i32
    %dma_start3A_39 = tpu.memref_slice %arg3[%dma_start3A_37, %dma_start3A_38] : memref<100000x128xf32, #tpu.memory_space<hbm>> -> memref<100000x128xf32, #tpu.memory_space<hbm>>
    tpu.enqueue_indirect_dma source(%dma_start3A_39 : memref<100000x128xf32, #tpu.memory_space<hbm>>) target(%dma_start3A_33 : memref<128x128xf32, #tpu.memory_space<vmem>>) offsets(%dma_start3A_36 : memref<128xi32, #tpu.memory_space<vmem>>) semaphore(%arg8 : memref<!tpu.dma_semaphore, #tpu.memory_space<semaphore_mem>>)
    %dma_start3A_40 = arith.constant 1 : i32
    %dma_start3A_41 = arith.constant 1 : i32
    %dma_start3A_42 = arith.constant 128 : i32
    %dma_start3A_43 = arith.constant 0 : i32
    %dma_start3A_44 = tpu.memref_slice %arg6[%dma_start3A_41, %dma_start3A_42, %dma_start3A_43] : memref<3x200x128xf32, #tpu.memory_space<vmem>> -> memref<1x72x128xf32, #tpu.memory_space<vmem>>
    %dma_start3A_45 = tpu.memref_squeeze %dma_start3A_44 : memref<1x72x128xf32, #tpu.memory_space<vmem>> -> memref<72x128xf32, #tpu.memory_space<vmem>>
    %dma_start3A_46 = arith.constant 128 : i32
    %dma_start3A_47 = tpu.memref_slice %arg5[%dma_start3A_40, %dma_start3A_46] : memref<128x200xi32, #tpu.memory_space<vmem>> -> memref<1x72xi32, #tpu.memory_space<vmem>>
    %dma_start3A_48 = tpu.memref_squeeze %dma_start3A_47 : memref<1x72xi32, #tpu.memory_space<vmem>> -> memref<72xi32, #tpu.memory_space<vmem>>
    %dma_start3A_49 = arith.constant 0 : i32
    %dma_start3A_50 = arith.constant 0 : i32
    %dma_start3A_51 = tpu.memref_slice %arg3[%dma_start3A_49, %dma_start3A_50] : memref<100000x128xf32, #tpu.memory_space<hbm>> -> memref<100000x128xf32, #tpu.memory_space<hbm>>
    tpu.enqueue_indirect_dma source(%dma_start3A_51 : memref<100000x128xf32, #tpu.memory_space<hbm>>) target(%dma_start3A_45 : memref<72x128xf32, #tpu.memory_space<vmem>>) offsets(%dma_start3A_48 : memref<72xi32, #tpu.memory_space<vmem>>) semaphore(%arg8 : memref<!tpu.dma_semaphore, #tpu.memory_space<semaphore_mem>>)
    %dma_start3A_52 = arith.constant 2 : i32
    %dma_start3A_53 = arith.constant 2 : i32
    %dma_start3A_54 = arith.constant 0 : i32
    %dma_start3A_55 = arith.constant 0 : i32
    %dma_start3A_56 = tpu.memref_slice %arg6[%dma_start3A_53, %dma_start3A_54, %dma_start3A_55] : memref<3x200x128xf32, #tpu.memory_space<vmem>> -> memref<1x128x128xf32, #tpu.memory_space<vmem>>
    %dma_start3A_57 = tpu.memref_squeeze %dma_start3A_56 : memref<1x128x128xf32, #tpu.memory_space<vmem>> -> memref<128x128xf32, #tpu.memory_space<vmem>>
    %dma_start3A_58 = arith.constant 0 : i32
    %dma_start3A_59 = tpu.memref_slice %arg5[%dma_start3A_52, %dma_start3A_58] : memref<128x200xi32, #tpu.memory_space<vmem>> -> memref<1x128xi32, #tpu.memory_space<vmem>>
    %dma_start3A_60 = tpu.memref_squeeze %dma_start3A_59 : memref<1x128xi32, #tpu.memory_space<vmem>> -> memref<128xi32, #tpu.memory_space<vmem>>
    %dma_start3A_61 = arith.constant 0 : i32
    %dma_start3A_62 = arith.constant 0 : i32
    %dma_start3A_63 = tpu.memref_slice %arg3[%dma_start3A_61, %dma_start3A_62] : memref<100000x128xf32, #tpu.memory_space<hbm>> -> memref<100000x128xf32, #tpu.memory_space<hbm>>
    tpu.enqueue_indirect_dma source(%dma_start3A_63 : memref<100000x128xf32, #tpu.memory_space<hbm>>) target(%dma_start3A_57 : memref<128x128xf32, #tpu.memory_space<vmem>>) offsets(%dma_start3A_60 : memref<128xi32, #tpu.memory_space<vmem>>) semaphore(%arg9 : memref<!tpu.dma_semaphore, #tpu.memory_space<semaphore_mem>>)
    %dma_start3A_64 = arith.constant 2 : i32
    %dma_start3A_65 = arith.constant 2 : i32
    %dma_start3A_66 = arith.constant 128 : i32
    %dma_start3A_67 = arith.constant 0 : i32
    %dma_start3A_68 = tpu.memref_slice %arg6[%dma_start3A_65, %dma_start3A_66, %dma_start3A_67] : memref<3x200x128xf32, #tpu.memory_space<vmem>> -> memref<1x72x128xf32, #tpu.memory_space<vmem>>
    %dma_start3A_69 = tpu.memref_squeeze %dma_start3A_68 : memref<1x72x128xf32, #tpu.memory_space<vmem>> -> memref<72x128xf32, #tpu.memory_space<vmem>>
    %dma_start3A_70 = arith.constant 128 : i32
    %dma_start3A_71 = tpu.memref_slice %arg5[%dma_start3A_64, %dma_start3A_70] : memref<128x200xi32, #tpu.memory_space<vmem>> -> memref<1x72xi32, #tpu.memory_space<vmem>>
    %dma_start3A_72 = tpu.memref_squeeze %dma_start3A_71 : memref<1x72xi32, #tpu.memory_space<vmem>> -> memref<72xi32, #tpu.memory_space<vmem>>
    %dma_start3A_73 = arith.constant 0 : i32
    %dma_start3A_74 = arith.constant 0 : i32
    %dma_start3A_75 = tpu.memref_slice %arg3[%dma_start3A_73, %dma_start3A_74] : memref<100000x128xf32, #tpu.memory_space<hbm>> -> memref<100000x128xf32, #tpu.memory_space<hbm>>
    tpu.enqueue_indirect_dma source(%dma_start3A_75 : memref<100000x128xf32, #tpu.memory_space<hbm>>) target(%dma_start3A_69 : memref<72x128xf32, #tpu.memory_space<vmem>>) offsets(%dma_start3A_72 : memref<72xi32, #tpu.memory_space<vmem>>) semaphore(%arg9 : memref<!tpu.dma_semaphore, #tpu.memory_space<semaphore_mem>>)
    %dma_wait3A = arith.constant 0 : i32
    %dma_wait3A_76 = arith.constant 0 : i32
    %dma_wait3A_77 = arith.constant 0 : i32
    %dma_wait3A_78 = arith.constant 0 : i32
    %dma_wait3A_79 = tpu.memref_slice %arg6[%dma_wait3A_76, %dma_wait3A_77, %dma_wait3A_78] : memref<3x200x128xf32, #tpu.memory_space<vmem>> -> memref<1x128x128xf32, #tpu.memory_space<vmem>>
    %dma_wait3A_80 = tpu.memref_squeeze %dma_wait3A_79 : memref<1x128x128xf32, #tpu.memory_space<vmem>> -> memref<128x128xf32, #tpu.memory_space<vmem>>
    %dma_wait3A_81 = arith.constant 0 : i32
    %dma_wait3A_82 = tpu.memref_slice %arg5[%dma_wait3A, %dma_wait3A_81] : memref<128x200xi32, #tpu.memory_space<vmem>> -> memref<1x128xi32, #tpu.memory_space<vmem>>
    %dma_wait3A_83 = tpu.memref_squeeze %dma_wait3A_82 : memref<1x128xi32, #tpu.memory_space<vmem>> -> memref<128xi32, #tpu.memory_space<vmem>>
    %dma_wait3A_84 = arith.constant 0 : i32
    %dma_wait3A_85 = arith.constant 0 : i32
    %dma_wait3A_86 = tpu.memref_slice %arg3[%dma_wait3A_84, %dma_wait3A_85] : memref<100000x128xf32, #tpu.memory_space<hbm>> -> memref<100000x128xf32, #tpu.memory_space<hbm>>
    tpu.wait_indirect_dma semaphore(%arg7 : memref<!tpu.dma_semaphore, #tpu.memory_space<semaphore_mem>>) src(%dma_wait3A_86 : memref<100000x128xf32, #tpu.memory_space<hbm>>) dst(%dma_wait3A_80 : memref<128x128xf32, #tpu.memory_space<vmem>>)
    %dma_wait3A_87 = arith.constant 0 : i32
    %dma_wait3A_88 = arith.constant 0 : i32
    %dma_wait3A_89 = arith.constant 128 : i32
    %dma_wait3A_90 = arith.constant 0 : i32
    %dma_wait3A_91 = tpu.memref_slice %arg6[%dma_wait3A_88, %dma_wait3A_89, %dma_wait3A_90] : memref<3x200x128xf32, #tpu.memory_space<vmem>> -> memref<1x72x128xf32, #tpu.memory_space<vmem>>
    %dma_wait3A_92 = tpu.memref_squeeze %dma_wait3A_91 : memref<1x72x128xf32, #tpu.memory_space<vmem>> -> memref<72x128xf32, #tpu.memory_space<vmem>>
    %dma_wait3A_93 = arith.constant 128 : i32
    %dma_wait3A_94 = tpu.memref_slice %arg5[%dma_wait3A_87, %dma_wait3A_93] : memref<128x200xi32, #tpu.memory_space<vmem>> -> memref<1x72xi32, #tpu.memory_space<vmem>>
    %dma_wait3A_95 = tpu.memref_squeeze %dma_wait3A_94 : memref<1x72xi32, #tpu.memory_space<vmem>> -> memref<72xi32, #tpu.memory_space<vmem>>
    %dma_wait3A_96 = arith.constant 0 : i32
    %dma_wait3A_97 = arith.constant 0 : i32
    %dma_wait3A_98 = tpu.memref_slice %arg3[%dma_wait3A_96, %dma_wait3A_97] : memref<100000x128xf32, #tpu.memory_space<hbm>> -> memref<100000x128xf32, #tpu.memory_space<hbm>>
    tpu.wait_indirect_dma semaphore(%arg7 : memref<!tpu.dma_semaphore, #tpu.memory_space<semaphore_mem>>) src(%dma_wait3A_98 : memref<100000x128xf32, #tpu.memory_space<hbm>>) dst(%dma_wait3A_92 : memref<72x128xf32, #tpu.memory_space<vmem>>)
    %parallel_loop3A = arith.constant 0 : i32
    %parallel_loop3A_99 = arith.constant 200 : i32
    %parallel_loop3A_100 = arith.constant 1 : i32
    scf.for %parallel_loop3A_412 = %parallel_loop3A to %parallel_loop3A_99 step %parallel_loop3A_100  : i32 {
      %parallel_loop3A_413 = arith.constant 0 : i32
      %parallel_loop3A_414 = arith.index_cast %parallel_loop3A_413 : i32 to index
      %parallel_loop3A_415 = arith.index_cast %parallel_loop3A_412 : i32 to index
      %parallel_loop3A_416 = arith.constant 0 : index
      %parallel_loop3A_417 = tpu.vector_load %arg6[%parallel_loop3A_414, %parallel_loop3A_415, %parallel_loop3A_416] {strides = array<i32>} : memref<3x200x128xf32, #tpu.memory_space<vmem>>, vector<1x1x16xf32>,
      %parallel_loop3A_418 = vector.shape_cast %parallel_loop3A_417 : vector<1x1x16xf32> to vector<16xf32>
      %parallel_loop3A_419 = arith.constant 11.3137083 : f32
      %parallel_loop3A_420 = vector.broadcast %parallel_loop3A_419 : f32 to vector<16xf32>
      %parallel_loop3A_421 = arith.mulf %parallel_loop3A_418, %parallel_loop3A_420 : vector<16xf32>
      %parallel_loop3A_422 = arith.constant 0 : i32
      %parallel_loop3A_423 = arith.index_cast %parallel_loop3A_422 : i32 to index
      %parallel_loop3A_424 = arith.index_cast %parallel_loop3A_412 : i32 to index
      %parallel_loop3A_425 = arith.constant 0 : index
      %parallel_loop3A_426 = tpu.vector_load %arg6[%parallel_loop3A_423, %parallel_loop3A_424, %parallel_loop3A_425] {strides = array<i32>} : memref<3x200x128xf32, #tpu.memory_space<vmem>>, vector<1x1x16xf32>,
      %parallel_loop3A_427 = vector.shape_cast %parallel_loop3A_426 : vector<1x1x16xf32> to vector<16xf32>
      %parallel_loop3A_428 = vector.shape_cast %parallel_loop3A_421 : vector<16xf32> to vector<1x1x16xf32>
      tpu.vector_store %arg6[%parallel_loop3A_423, %parallel_loop3A_424, %parallel_loop3A_425], %parallel_loop3A_428 {strides = array<i32>} : memref<3x200x128xf32, #tpu.memory_space<vmem>>, vector<1x1x16xf32>,
      %parallel_loop3A_429 = arith.constant 0 : i32
      %parallel_loop3A_430 = arith.index_cast %parallel_loop3A_429 : i32 to index
      %parallel_loop3A_431 = arith.index_cast %parallel_loop3A_412 : i32 to index
      %parallel_loop3A_432 = arith.constant 16 : index
      %parallel_loop3A_433 = tpu.vector_load %arg6[%parallel_loop3A_430, %parallel_loop3A_431, %parallel_loop3A_432] {strides = array<i32>} : memref<3x200x128xf32, #tpu.memory_space<vmem>>, vector<1x1x16xf32>,
      %parallel_loop3A_434 = vector.shape_cast %parallel_loop3A_433 : vector<1x1x16xf32> to vector<16xf32>
      %parallel_loop3A_435 = arith.constant 11.3137083 : f32
      %parallel_loop3A_436 = vector.broadcast %parallel_loop3A_435 : f32 to vector<16xf32>
      %parallel_loop3A_437 = arith.mulf %parallel_loop3A_434, %parallel_loop3A_436 : vector<16xf32>
      %parallel_loop3A_438 = arith.constant 0 : i32
      %parallel_loop3A_439 = arith.index_cast %parallel_loop3A_438 : i32 to index
      %parallel_loop3A_440 = arith.index_cast %parallel_loop3A_412 : i32 to index
      %parallel_loop3A_441 = arith.constant 16 : index
      %parallel_loop3A_442 = tpu.vector_load %arg6[%parallel_loop3A_439, %parallel_loop3A_440, %parallel_loop3A_441] {strides = array<i32>} : memref<3x200x128xf32, #tpu.memory_space<vmem>>, vector<1x1x16xf32>,
      %parallel_loop3A_443 = vector.shape_cast %parallel_loop3A_442 : vector<1x1x16xf32> to vector<16xf32>
      %parallel_loop3A_444 = vector.shape_cast %parallel_loop3A_437 : vector<16xf32> to vector<1x1x16xf32>
      tpu.vector_store %arg6[%parallel_loop3A_439, %parallel_loop3A_440, %parallel_loop3A_441], %parallel_loop3A_444 {strides = array<i32>} : memref<3x200x128xf32, #tpu.memory_space<vmem>>, vector<1x1x16xf32>,
      %parallel_loop3A_445 = arith.constant 0 : i32
      %parallel_loop3A_446 = arith.index_cast %parallel_loop3A_445 : i32 to index
      %parallel_loop3A_447 = arith.index_cast %parallel_loop3A_412 : i32 to index
      %parallel_loop3A_448 = arith.constant 32 : index
      %parallel_loop3A_449 = tpu.vector_load %arg6[%parallel_loop3A_446, %parallel_loop3A_447, %parallel_loop3A_448] {strides = array<i32>} : memref<3x200x128xf32, #tpu.memory_space<vmem>>, vector<1x1x16xf32>,
      %parallel_loop3A_450 = vector.shape_cast %parallel_loop3A_449 : vector<1x1x16xf32> to vector<16xf32>
      %parallel_loop3A_451 = arith.constant 11.3137083 : f32
      %parallel_loop3A_452 = vector.broadcast %parallel_loop3A_451 : f32 to vector<16xf32>
      %parallel_loop3A_453 = arith.mulf %parallel_loop3A_450, %parallel_loop3A_452 : vector<16xf32>
      %parallel_loop3A_454 = arith.constant 0 : i32
      %parallel_loop3A_455 = arith.index_cast %parallel_loop3A_454 : i32 to index
      %parallel_loop3A_456 = arith.index_cast %parallel_loop3A_412 : i32 to index
      %parallel_loop3A_457 = arith.constant 32 : index
      %parallel_loop3A_458 = tpu.vector_load %arg6[%parallel_loop3A_455, %parallel_loop3A_456, %parallel_loop3A_457] {strides = array<i32>} : memref<3x200x128xf32, #tpu.memory_space<vmem>>, vector<1x1x16xf32>,
      %parallel_loop3A_459 = vector.shape_cast %parallel_loop3A_458 : vector<1x1x16xf32> to vector<16xf32>
      %parallel_loop3A_460 = vector.shape_cast %parallel_loop3A_453 : vector<16xf32> to vector<1x1x16xf32>
      tpu.vector_store %arg6[%parallel_loop3A_455, %parallel_loop3A_456, %parallel_loop3A_457], %parallel_loop3A_460 {strides = array<i32>} : memref<3x200x128xf32, #tpu.memory_space<vmem>>, vector<1x1x16xf32>,
      %parallel_loop3A_461 = arith.constant 0 : i32
      %parallel_loop3A_462 = arith.index_cast %parallel_loop3A_461 : i32 to index
      %parallel_loop3A_463 = arith.index_cast %parallel_loop3A_412 : i32 to index
      %parallel_loop3A_464 = arith.constant 48 : index
      %parallel_loop3A_465 = tpu.vector_load %arg6[%parallel_loop3A_462, %parallel_loop3A_463, %parallel_loop3A_464] {strides = array<i32>} : memref<3x200x128xf32, #tpu.memory_space<vmem>>, vector<1x1x16xf32>,
      %parallel_loop3A_466 = vector.shape_cast %parallel_loop3A_465 : vector<1x1x16xf32> to vector<16xf32>
      %parallel_loop3A_467 = arith.constant 11.3137083 : f32
      %parallel_loop3A_468 = vector.broadcast %parallel_loop3A_467 : f32 to vector<16xf32>
      %parallel_loop3A_469 = arith.mulf %parallel_loop3A_466, %parallel_loop3A_468 : vector<16xf32>
      %parallel_loop3A_470 = arith.constant 0 : i32
      %parallel_loop3A_471 = arith.index_cast %parallel_loop3A_470 : i32 to index
      %parallel_loop3A_472 = arith.index_cast %parallel_loop3A_412 : i32 to index
      %parallel_loop3A_473 = arith.constant 48 : index
      %parallel_loop3A_474 = tpu.vector_load %arg6[%parallel_loop3A_471, %parallel_loop3A_472, %parallel_loop3A_473] {strides = array<i32>} : memref<3x200x128xf32, #tpu.memory_space<vmem>>, vector<1x1x16xf32>,
      %parallel_loop3A_475 = vector.shape_cast %parallel_loop3A_474 : vector<1x1x16xf32> to vector<16xf32>
      %parallel_loop3A_476 = vector.shape_cast %parallel_loop3A_469 : vector<16xf32> to vector<1x1x16xf32>
      tpu.vector_store %arg6[%parallel_loop3A_471, %parallel_loop3A_472, %parallel_loop3A_473], %parallel_loop3A_476 {strides = array<i32>} : memref<3x200x128xf32, #tpu.memory_space<vmem>>, vector<1x1x16xf32>,
      %parallel_loop3A_477 = arith.constant 0 : i32
      %parallel_loop3A_478 = arith.index_cast %parallel_loop3A_477 : i32 to index
      %parallel_loop3A_479 = arith.index_cast %parallel_loop3A_412 : i32 to index
      %parallel_loop3A_480 = arith.constant 64 : index
      %parallel_loop3A_481 = tpu.vector_load %arg6[%parallel_loop3A_478, %parallel_loop3A_479, %parallel_loop3A_480] {strides = array<i32>} : memref<3x200x128xf32, #tpu.memory_space<vmem>>, vector<1x1x16xf32>,
      %parallel_loop3A_482 = vector.shape_cast %parallel_loop3A_481 : vector<1x1x16xf32> to vector<16xf32>
      %parallel_loop3A_483 = arith.constant 11.3137083 : f32
      %parallel_loop3A_484 = vector.broadcast %parallel_loop3A_483 : f32 to vector<16xf32>
      %parallel_loop3A_485 = arith.mulf %parallel_loop3A_482, %parallel_loop3A_484 : vector<16xf32>
      %parallel_loop3A_486 = arith.constant 0 : i32
      %parallel_loop3A_487 = arith.index_cast %parallel_loop3A_486 : i32 to index
      %parallel_loop3A_488 = arith.index_cast %parallel_loop3A_412 : i32 to index
      %parallel_loop3A_489 = arith.constant 64 : index
      %parallel_loop3A_490 = tpu.vector_load %arg6[%parallel_loop3A_487, %parallel_loop3A_488, %parallel_loop3A_489] {strides = array<i32>} : memref<3x200x128xf32, #tpu.memory_space<vmem>>, vector<1x1x16xf32>,
      %parallel_loop3A_491 = vector.shape_cast %parallel_loop3A_490 : vector<1x1x16xf32> to vector<16xf32>
      %parallel_loop3A_492 = vector.shape_cast %parallel_loop3A_485 : vector<16xf32> to vector<1x1x16xf32>
      tpu.vector_store %arg6[%parallel_loop3A_487, %parallel_loop3A_488, %parallel_loop3A_489], %parallel_loop3A_492 {strides = array<i32>} : memref<3x200x128xf32, #tpu.memory_space<vmem>>, vector<1x1x16xf32>,
      %parallel_loop3A_493 = arith.constant 0 : i32
      %parallel_loop3A_494 = arith.index_cast %parallel_loop3A_493 : i32 to index
      %parallel_loop3A_495 = arith.index_cast %parallel_loop3A_412 : i32 to index
      %parallel_loop3A_496 = arith.constant 80 : index
      %parallel_loop3A_497 = tpu.vector_load %arg6[%parallel_loop3A_494, %parallel_loop3A_495, %parallel_loop3A_496] {strides = array<i32>} : memref<3x200x128xf32, #tpu.memory_space<vmem>>, vector<1x1x16xf32>,
      %parallel_loop3A_498 = vector.shape_cast %parallel_loop3A_497 : vector<1x1x16xf32> to vector<16xf32>
      %parallel_loop3A_499 = arith.constant 11.3137083 : f32
      %parallel_loop3A_500 = vector.broadcast %parallel_loop3A_499 : f32 to vector<16xf32>
      %parallel_loop3A_501 = arith.mulf %parallel_loop3A_498, %parallel_loop3A_500 : vector<16xf32>
      %parallel_loop3A_502 = arith.constant 0 : i32
      %parallel_loop3A_503 = arith.index_cast %parallel_loop3A_502 : i32 to index
      %parallel_loop3A_504 = arith.index_cast %parallel_loop3A_412 : i32 to index
      %parallel_loop3A_505 = arith.constant 80 : index
      %parallel_loop3A_506 = tpu.vector_load %arg6[%parallel_loop3A_503, %parallel_loop3A_504, %parallel_loop3A_505] {strides = array<i32>} : memref<3x200x128xf32, #tpu.memory_space<vmem>>, vector<1x1x16xf32>,
      %parallel_loop3A_507 = vector.shape_cast %parallel_loop3A_506 : vector<1x1x16xf32> to vector<16xf32>
      %parallel_loop3A_508 = vector.shape_cast %parallel_loop3A_501 : vector<16xf32> to vector<1x1x16xf32>
      tpu.vector_store %arg6[%parallel_loop3A_503, %parallel_loop3A_504, %parallel_loop3A_505], %parallel_loop3A_508 {strides = array<i32>} : memref<3x200x128xf32, #tpu.memory_space<vmem>>, vector<1x1x16xf32>,
      %parallel_loop3A_509 = arith.constant 0 : i32
      %parallel_loop3A_510 = arith.index_cast %parallel_loop3A_509 : i32 to index
      %parallel_loop3A_511 = arith.index_cast %parallel_loop3A_412 : i32 to index
      %parallel_loop3A_512 = arith.constant 96 : index
      %parallel_loop3A_513 = tpu.vector_load %arg6[%parallel_loop3A_510, %parallel_loop3A_511, %parallel_loop3A_512] {strides = array<i32>} : memref<3x200x128xf32, #tpu.memory_space<vmem>>, vector<1x1x16xf32>,
      %parallel_loop3A_514 = vector.shape_cast %parallel_loop3A_513 : vector<1x1x16xf32> to vector<16xf32>
      %parallel_loop3A_515 = arith.constant 11.3137083 : f32
      %parallel_loop3A_516 = vector.broadcast %parallel_loop3A_515 : f32 to vector<16xf32>
      %parallel_loop3A_517 = arith.mulf %parallel_loop3A_514, %parallel_loop3A_516 : vector<16xf32>
      %parallel_loop3A_518 = arith.constant 0 : i32
      %parallel_loop3A_519 = arith.index_cast %parallel_loop3A_518 : i32 to index
      %parallel_loop3A_520 = arith.index_cast %parallel_loop3A_412 : i32 to index
      %parallel_loop3A_521 = arith.constant 96 : index
      %parallel_loop3A_522 = tpu.vector_load %arg6[%parallel_loop3A_519, %parallel_loop3A_520, %parallel_loop3A_521] {strides = array<i32>} : memref<3x200x128xf32, #tpu.memory_space<vmem>>, vector<1x1x16xf32>,
      %parallel_loop3A_523 = vector.shape_cast %parallel_loop3A_522 : vector<1x1x16xf32> to vector<16xf32>
      %parallel_loop3A_524 = vector.shape_cast %parallel_loop3A_517 : vector<16xf32> to vector<1x1x16xf32>
      tpu.vector_store %arg6[%parallel_loop3A_519, %parallel_loop3A_520, %parallel_loop3A_521], %parallel_loop3A_524 {strides = array<i32>} : memref<3x200x128xf32, #tpu.memory_space<vmem>>, vector<1x1x16xf32>,
      %parallel_loop3A_525 = arith.constant 0 : i32
      %parallel_loop3A_526 = arith.index_cast %parallel_loop3A_525 : i32 to index
      %parallel_loop3A_527 = arith.index_cast %parallel_loop3A_412 : i32 to index
      %parallel_loop3A_528 = arith.constant 112 : index
      %parallel_loop3A_529 = tpu.vector_load %arg6[%parallel_loop3A_526, %parallel_loop3A_527, %parallel_loop3A_528] {strides = array<i32>} : memref<3x200x128xf32, #tpu.memory_space<vmem>>, vector<1x1x16xf32>,
      %parallel_loop3A_530 = vector.shape_cast %parallel_loop3A_529 : vector<1x1x16xf32> to vector<16xf32>
      %parallel_loop3A_531 = arith.constant 11.3137083 : f32
      %parallel_loop3A_532 = vector.broadcast %parallel_loop3A_531 : f32 to vector<16xf32>
      %parallel_loop3A_533 = arith.mulf %parallel_loop3A_530, %parallel_loop3A_532 : vector<16xf32>
      %parallel_loop3A_534 = arith.constant 0 : i32
      %parallel_loop3A_535 = arith.index_cast %parallel_loop3A_534 : i32 to index
      %parallel_loop3A_536 = arith.index_cast %parallel_loop3A_412 : i32 to index
      %parallel_loop3A_537 = arith.constant 112 : index
      %parallel_loop3A_538 = tpu.vector_load %arg6[%parallel_loop3A_535, %parallel_loop3A_536, %parallel_loop3A_537] {strides = array<i32>} : memref<3x200x128xf32, #tpu.memory_space<vmem>>, vector<1x1x16xf32>,
      %parallel_loop3A_539 = vector.shape_cast %parallel_loop3A_538 : vector<1x1x16xf32> to vector<16xf32>
      %parallel_loop3A_540 = vector.shape_cast %parallel_loop3A_533 : vector<16xf32> to vector<1x1x16xf32>
      tpu.vector_store %arg6[%parallel_loop3A_535, %parallel_loop3A_536, %parallel_loop3A_537], %parallel_loop3A_540 {strides = array<i32>} : memref<3x200x128xf32, #tpu.memory_space<vmem>>, vector<1x1x16xf32>,
    } {sc.loop_unroll_factor = 4 : i64, sc.parallel_access}
    %add3A_101 = arith.constant 0 : i32
    %add3A_102 = arith.addi %mul3A_2, %add3A_101 : i32
    %dma_start3A_103 = arith.constant 0 : i32
    %dma_start3A_104 = arith.constant 0 : i32
    %dma_start3A_105 = arith.constant 0 : i32
    %dma_start3A_106 = tpu.memref_slice %arg6[%dma_start3A_103, %dma_start3A_104, %dma_start3A_105] : memref<3x200x128xf32, #tpu.memory_space<vmem>> -> memref<1x200x128xf32, #tpu.memory_space<vmem>>
    %dma_start3A_107 = tpu.memref_squeeze %dma_start3A_106 : memref<1x200x128xf32, #tpu.memory_space<vmem>> -> memref<200x128xf32, #tpu.memory_space<vmem>>
    %dma_start3A_108 = arith.constant 0 : i32
    %dma_start3A_109 = tpu.memref_slice %arg4[%add3A_102, %dma_start3A_108] : memref<819200x128xf32, #tpu.memory_space<hbm>> -> memref<200x128xf32, #tpu.memory_space<hbm>>
    %dma_start3A_110 = arith.constant 0 : i32
    %dma_start3A_111 = tpu.memref_slice %arg4[%add3A_102, %dma_start3A_110] : memref<819200x128xf32, #tpu.memory_space<hbm>> -> memref<200x128xf32, #tpu.memory_space<hbm>>
    %dma_start3A_112 = arith.constant 0 : i32
    %dma_start3A_113 = arith.constant 0 : i32
    %dma_start3A_114 = tpu.memref_slice %arg6[%dma_start3A_103, %dma_start3A_112, %dma_start3A_113] : memref<3x200x128xf32, #tpu.memory_space<vmem>> -> memref<1x200x128xf32, #tpu.memory_space<vmem>>
    %dma_start3A_115 = tpu.memref_squeeze %dma_start3A_114 : memref<1x200x128xf32, #tpu.memory_space<vmem>> -> memref<200x128xf32, #tpu.memory_space<vmem>>
    tpu.enqueue_dma source(%dma_start3A_115 : memref<200x128xf32, #tpu.memory_space<vmem>>) target(%dma_start3A_111 : memref<200x128xf32, #tpu.memory_space<hbm>>) target_semaphore(%arg10 : memref<!tpu.dma_semaphore, #tpu.memory_space<semaphore_mem>>)
    %scan3A = arith.constant 0 : i32
    %scan3A_116 = arith.constant 0 : i32
    %scan3A_117 = arith.constant 41 : i32
    %scan3A_118 = arith.addi %scan3A_116, %scan3A_117 : i32
    %scan3A_119 = arith.constant 1 : i32
    scf.for %scan3A_412 = %scan3A_116 to %scan3A_118 step %scan3A_119  : i32 {
      %mul3A_413 = arith.constant 3 : i32
      %mul3A_414 = arith.muli %scan3A_412, %mul3A_413 : i32
      %add3A_415 = arith.constant 1 : i32
      %add3A_416 = arith.addi %add3A_415, %mul3A_414 : i32
      %add3A_417 = arith.constant 0 : i32
      %add3A_418 = arith.addi %add3A_416, %add3A_417 : i32
      %sub3A = arith.constant 1 : i32
      %sub3A_419 = arith.subi %add3A_418, %sub3A : i32
      %mul3A_420 = arith.constant 200 : i32
      %mul3A_421 = arith.muli %sub3A_419, %mul3A_420 : i32
      %add3A_422 = arith.addi %mul3A_2, %mul3A_421 : i32
      %dma_wait3A_423 = arith.constant 0 : i32
      %dma_wait3A_424 = arith.constant 0 : i32
      %dma_wait3A_425 = arith.constant 0 : i32
      %dma_wait3A_426 = tpu.memref_slice %arg6[%dma_wait3A_423, %dma_wait3A_424, %dma_wait3A_425] : memref<3x200x128xf32, #tpu.memory_space<vmem>> -> memref<1x200x128xf32, #tpu.memory_space<vmem>>
      %dma_wait3A_427 = tpu.memref_squeeze %dma_wait3A_426 : memref<1x200x128xf32, #tpu.memory_space<vmem>> -> memref<200x128xf32, #tpu.memory_space<vmem>>
      %dma_wait3A_428 = arith.constant 0 : i32
      %dma_wait3A_429 = tpu.memref_slice %arg4[%add3A_422, %dma_wait3A_428] : memref<819200x128xf32, #tpu.memory_space<hbm>> -> memref<200x128xf32, #tpu.memory_space<hbm>>
      %dma_wait3A_430 = arith.constant 0 : i32
      %dma_wait3A_431 = tpu.memref_slice %arg4[%add3A_422, %dma_wait3A_430] : memref<819200x128xf32, #tpu.memory_space<hbm>> -> memref<200x128xf32, #tpu.memory_space<hbm>>
      %dma_wait3A_432 = arith.constant 0 : i32
      %dma_wait3A_433 = arith.constant 0 : i32
      %dma_wait3A_434 = tpu.memref_slice %arg6[%dma_wait3A_423, %dma_wait3A_432, %dma_wait3A_433] : memref<3x200x128xf32, #tpu.memory_space<vmem>> -> memref<1x200x128xf32, #tpu.memory_space<vmem>>
      %dma_wait3A_435 = tpu.memref_squeeze %dma_wait3A_434 : memref<1x200x128xf32, #tpu.memory_space<vmem>> -> memref<200x128xf32, #tpu.memory_space<vmem>>
      tpu.wait_dma2 semaphore(%arg10 : memref<!tpu.dma_semaphore, #tpu.memory_space<semaphore_mem>>) src(%dma_wait3A_435 : memref<200x128xf32, #tpu.memory_space<vmem>>) dst(%dma_wait3A_431 : memref<200x128xf32, #tpu.memory_space<hbm>>)
      %add3A_436 = arith.constant 2 : i32
      %add3A_437 = arith.addi %add3A_418, %add3A_436 : i32
      %dma_start3A_438 = arith.constant 0 : i32
      %dma_start3A_439 = arith.constant 0 : i32
      %dma_start3A_440 = arith.constant 0 : i32
      %dma_start3A_441 = tpu.memref_slice %arg6[%dma_start3A_438, %dma_start3A_439, %dma_start3A_440] : memref<3x200x128xf32, #tpu.memory_space<vmem>> -> memref<1x128x128xf32, #tpu.memory_space<vmem>>
      %dma_start3A_442 = tpu.memref_squeeze %dma_start3A_441 : memref<1x128x128xf32, #tpu.memory_space<vmem>> -> memref<128x128xf32, #tpu.memory_space<vmem>>
      %dma_start3A_443 = arith.constant 0 : i32
      %dma_start3A_444 = tpu.memref_slice %arg5[%add3A_437, %dma_start3A_443] : memref<128x200xi32, #tpu.memory_space<vmem>> -> memref<1x128xi32, #tpu.memory_space<vmem>>
      %dma_start3A_445 = tpu.memref_squeeze %dma_start3A_444 : memref<1x128xi32, #tpu.memory_space<vmem>> -> memref<128xi32, #tpu.memory_space<vmem>>
      %dma_start3A_446 = arith.constant 0 : i32
      %dma_start3A_447 = arith.constant 0 : i32
      %dma_start3A_448 = tpu.memref_slice %arg3[%dma_start3A_446, %dma_start3A_447] : memref<100000x128xf32, #tpu.memory_space<hbm>> -> memref<100000x128xf32, #tpu.memory_space<hbm>>
      tpu.enqueue_indirect_dma source(%dma_start3A_448 : memref<100000x128xf32, #tpu.memory_space<hbm>>) target(%dma_start3A_442 : memref<128x128xf32, #tpu.memory_space<vmem>>) offsets(%dma_start3A_445 : memref<128xi32, #tpu.memory_space<vmem>>) semaphore(%arg7 : memref<!tpu.dma_semaphore, #tpu.memory_space<semaphore_mem>>)
      %dma_start3A_449 = arith.constant 0 : i32
      %dma_start3A_450 = arith.constant 128 : i32
      %dma_start3A_451 = arith.constant 0 : i32
      %dma_start3A_452 = tpu.memref_slice %arg6[%dma_start3A_449, %dma_start3A_450, %dma_start3A_451] : memref<3x200x128xf32, #tpu.memory_space<vmem>> -> memref<1x72x128xf32, #tpu.memory_space<vmem>>
      %dma_start3A_453 = tpu.memref_squeeze %dma_start3A_452 : memref<1x72x128xf32, #tpu.memory_space<vmem>> -> memref<72x128xf32, #tpu.memory_space<vmem>>
      %dma_start3A_454 = arith.constant 128 : i32
      %dma_start3A_455 = tpu.memref_slice %arg5[%add3A_437, %dma_start3A_454] : memref<128x200xi32, #tpu.memory_space<vmem>> -> memref<1x72xi32, #tpu.memory_space<vmem>>
      %dma_start3A_456 = tpu.memref_squeeze %dma_start3A_455 : memref<1x72xi32, #tpu.memory_space<vmem>> -> memref<72xi32, #tpu.memory_space<vmem>>
      %dma_start3A_457 = arith.constant 0 : i32
      %dma_start3A_458 = arith.constant 0 : i32
      %dma_start3A_459 = tpu.memref_slice %arg3[%dma_start3A_457, %dma_start3A_458] : memref<100000x128xf32, #tpu.memory_space<hbm>> -> memref<100000x128xf32, #tpu.memory_space<hbm>>
      tpu.enqueue_indirect_dma source(%dma_start3A_459 : memref<100000x128xf32, #tpu.memory_space<hbm>>) target(%dma_start3A_453 : memref<72x128xf32, #tpu.memory_space<vmem>>) offsets(%dma_start3A_456 : memref<72xi32, #tpu.memory_space<vmem>>) semaphore(%arg7 : memref<!tpu.dma_semaphore, #tpu.memory_space<semaphore_mem>>)
      %dma_wait3A_460 = arith.constant 1 : i32
      %dma_wait3A_461 = arith.constant 0 : i32
      %dma_wait3A_462 = arith.constant 0 : i32
      %dma_wait3A_463 = tpu.memref_slice %arg6[%dma_wait3A_460, %dma_wait3A_461, %dma_wait3A_462] : memref<3x200x128xf32, #tpu.memory_space<vmem>> -> memref<1x128x128xf32, #tpu.memory_space<vmem>>
      %dma_wait3A_464 = tpu.memref_squeeze %dma_wait3A_463 : memref<1x128x128xf32, #tpu.memory_space<vmem>> -> memref<128x128xf32, #tpu.memory_space<vmem>>
      %dma_wait3A_465 = arith.constant 0 : i32
      %dma_wait3A_466 = tpu.memref_slice %arg5[%add3A_418, %dma_wait3A_465] : memref<128x200xi32, #tpu.memory_space<vmem>> -> memref<1x128xi32, #tpu.memory_space<vmem>>
      %dma_wait3A_467 = tpu.memref_squeeze %dma_wait3A_466 : memref<1x128xi32, #tpu.memory_space<vmem>> -> memref<128xi32, #tpu.memory_space<vmem>>
      %dma_wait3A_468 = arith.constant 0 : i32
      %dma_wait3A_469 = arith.constant 0 : i32
      %dma_wait3A_470 = tpu.memref_slice %arg3[%dma_wait3A_468, %dma_wait3A_469] : memref<100000x128xf32, #tpu.memory_space<hbm>> -> memref<100000x128xf32, #tpu.memory_space<hbm>>
      tpu.wait_indirect_dma semaphore(%arg8 : memref<!tpu.dma_semaphore, #tpu.memory_space<semaphore_mem>>) src(%dma_wait3A_470 : memref<100000x128xf32, #tpu.memory_space<hbm>>) dst(%dma_wait3A_464 : memref<128x128xf32, #tpu.memory_space<vmem>>)
      %dma_wait3A_471 = arith.constant 1 : i32
      %dma_wait3A_472 = arith.constant 128 : i32
      %dma_wait3A_473 = arith.constant 0 : i32
      %dma_wait3A_474 = tpu.memref_slice %arg6[%dma_wait3A_471, %dma_wait3A_472, %dma_wait3A_473] : memref<3x200x128xf32, #tpu.memory_space<vmem>> -> memref<1x72x128xf32, #tpu.memory_space<vmem>>
      %dma_wait3A_475 = tpu.memref_squeeze %dma_wait3A_474 : memref<1x72x128xf32, #tpu.memory_space<vmem>> -> memref<72x128xf32, #tpu.memory_space<vmem>>
      %dma_wait3A_476 = arith.constant 128 : i32
      %dma_wait3A_477 = tpu.memref_slice %arg5[%add3A_418, %dma_wait3A_476] : memref<128x200xi32, #tpu.memory_space<vmem>> -> memref<1x72xi32, #tpu.memory_space<vmem>>
      %dma_wait3A_478 = tpu.memref_squeeze %dma_wait3A_477 : memref<1x72xi32, #tpu.memory_space<vmem>> -> memref<72xi32, #tpu.memory_space<vmem>>
      %dma_wait3A_479 = arith.constant 0 : i32
      %dma_wait3A_480 = arith.constant 0 : i32
      %dma_wait3A_481 = tpu.memref_slice %arg3[%dma_wait3A_479, %dma_wait3A_480] : memref<100000x128xf32, #tpu.memory_space<hbm>> -> memref<100000x128xf32, #tpu.memory_space<hbm>>
      tpu.wait_indirect_dma semaphore(%arg8 : memref<!tpu.dma_semaphore, #tpu.memory_space<semaphore_mem>>) src(%dma_wait3A_481 : memref<100000x128xf32, #tpu.memory_space<hbm>>) dst(%dma_wait3A_475 : memref<72x128xf32, #tpu.memory_space<vmem>>)
      %parallel_loop3A_482 = arith.constant 0 : i32
      %parallel_loop3A_483 = arith.constant 200 : i32
      %parallel_loop3A_484 = arith.constant 1 : i32
      scf.for %parallel_loop3A_671 = %parallel_loop3A_482 to %parallel_loop3A_483 step %parallel_loop3A_484  : i32 {
        %parallel_loop3A_672 = arith.constant 1 : i32
        %parallel_loop3A_673 = arith.index_cast %parallel_loop3A_672 : i32 to index
        %parallel_loop3A_674 = arith.index_cast %parallel_loop3A_671 : i32 to index
        %parallel_loop3A_675 = arith.constant 0 : index
        %parallel_loop3A_676 = tpu.vector_load %arg6[%parallel_loop3A_673, %parallel_loop3A_674, %parallel_loop3A_675] {strides = array<i32>} : memref<3x200x128xf32, #tpu.memory_space<vmem>>, vector<1x1x16xf32>,
        %parallel_loop3A_677 = vector.shape_cast %parallel_loop3A_676 : vector<1x1x16xf32> to vector<16xf32>
        %parallel_loop3A_678 = arith.constant 11.3137083 : f32
        %parallel_loop3A_679 = vector.broadcast %parallel_loop3A_678 : f32 to vector<16xf32>
        %parallel_loop3A_680 = arith.mulf %parallel_loop3A_677, %parallel_loop3A_679 : vector<16xf32>
        %parallel_loop3A_681 = arith.constant 1 : i32
        %parallel_loop3A_682 = arith.index_cast %parallel_loop3A_681 : i32 to index
        %parallel_loop3A_683 = arith.index_cast %parallel_loop3A_671 : i32 to index
        %parallel_loop3A_684 = arith.constant 0 : index
        %parallel_loop3A_685 = tpu.vector_load %arg6[%parallel_loop3A_682, %parallel_loop3A_683, %parallel_loop3A_684] {strides = array<i32>} : memref<3x200x128xf32, #tpu.memory_space<vmem>>, vector<1x1x16xf32>,
        %parallel_loop3A_686 = vector.shape_cast %parallel_loop3A_685 : vector<1x1x16xf32> to vector<16xf32>
        %parallel_loop3A_687 = vector.shape_cast %parallel_loop3A_680 : vector<16xf32> to vector<1x1x16xf32>
        tpu.vector_store %arg6[%parallel_loop3A_682, %parallel_loop3A_683, %parallel_loop3A_684], %parallel_loop3A_687 {strides = array<i32>} : memref<3x200x128xf32, #tpu.memory_space<vmem>>, vector<1x1x16xf32>,
        %parallel_loop3A_688 = arith.constant 1 : i32
        %parallel_loop3A_689 = arith.index_cast %parallel_loop3A_688 : i32 to index
        %parallel_loop3A_690 = arith.index_cast %parallel_loop3A_671 : i32 to index
        %parallel_loop3A_691 = arith.constant 16 : index
        %parallel_loop3A_692 = tpu.vector_load %arg6[%parallel_loop3A_689, %parallel_loop3A_690, %parallel_loop3A_691] {strides = array<i32>} : memref<3x200x128xf32, #tpu.memory_space<vmem>>, vector<1x1x16xf32>,
        %parallel_loop3A_693 = vector.shape_cast %parallel_loop3A_692 : vector<1x1x16xf32> to vector<16xf32>
        %parallel_loop3A_694 = arith.constant 11.3137083 : f32
        %parallel_loop3A_695 = vector.broadcast %parallel_loop3A_694 : f32 to vector<16xf32>
        %parallel_loop3A_696 = arith.mulf %parallel_loop3A_693, %parallel_loop3A_695 : vector<16xf32>
        %parallel_loop3A_697 = arith.constant 1 : i32
        %parallel_loop3A_698 = arith.index_cast %parallel_loop3A_697 : i32 to index
        %parallel_loop3A_699 = arith.index_cast %parallel_loop3A_671 : i32 to index
        %parallel_loop3A_700 = arith.constant 16 : index
        %parallel_loop3A_701 = tpu.vector_load %arg6[%parallel_loop3A_698, %parallel_loop3A_699, %parallel_loop3A_700] {strides = array<i32>} : memref<3x200x128xf32, #tpu.memory_space<vmem>>, vector<1x1x16xf32>,
        %parallel_loop3A_702 = vector.shape_cast %parallel_loop3A_701 : vector<1x1x16xf32> to vector<16xf32>
        %parallel_loop3A_703 = vector.shape_cast %parallel_loop3A_696 : vector<16xf32> to vector<1x1x16xf32>
        tpu.vector_store %arg6[%parallel_loop3A_698, %parallel_loop3A_699, %parallel_loop3A_700], %parallel_loop3A_703 {strides = array<i32>} : memref<3x200x128xf32, #tpu.memory_space<vmem>>, vector<1x1x16xf32>,
        %parallel_loop3A_704 = arith.constant 1 : i32
        %parallel_loop3A_705 = arith.index_cast %parallel_loop3A_704 : i32 to index
        %parallel_loop3A_706 = arith.index_cast %parallel_loop3A_671 : i32 to index
        %parallel_loop3A_707 = arith.constant 32 : index
        %parallel_loop3A_708 = tpu.vector_load %arg6[%parallel_loop3A_705, %parallel_loop3A_706, %parallel_loop3A_707] {strides = array<i32>} : memref<3x200x128xf32, #tpu.memory_space<vmem>>, vector<1x1x16xf32>,
        %parallel_loop3A_709 = vector.shape_cast %parallel_loop3A_708 : vector<1x1x16xf32> to vector<16xf32>
        %parallel_loop3A_710 = arith.constant 11.3137083 : f32
        %parallel_loop3A_711 = vector.broadcast %parallel_loop3A_710 : f32 to vector<16xf32>
        %parallel_loop3A_712 = arith.mulf %parallel_loop3A_709, %parallel_loop3A_711 : vector<16xf32>
        %parallel_loop3A_713 = arith.constant 1 : i32
        %parallel_loop3A_714 = arith.index_cast %parallel_loop3A_713 : i32 to index
        %parallel_loop3A_715 = arith.index_cast %parallel_loop3A_671 : i32 to index
        %parallel_loop3A_716 = arith.constant 32 : index
        %parallel_loop3A_717 = tpu.vector_load %arg6[%parallel_loop3A_714, %parallel_loop3A_715, %parallel_loop3A_716] {strides = array<i32>} : memref<3x200x128xf32, #tpu.memory_space<vmem>>, vector<1x1x16xf32>,
        %parallel_loop3A_718 = vector.shape_cast %parallel_loop3A_717 : vector<1x1x16xf32> to vector<16xf32>
        %parallel_loop3A_719 = vector.shape_cast %parallel_loop3A_712 : vector<16xf32> to vector<1x1x16xf32>
        tpu.vector_store %arg6[%parallel_loop3A_714, %parallel_loop3A_715, %parallel_loop3A_716], %parallel_loop3A_719 {strides = array<i32>} : memref<3x200x128xf32, #tpu.memory_space<vmem>>, vector<1x1x16xf32>,
        %parallel_loop3A_720 = arith.constant 1 : i32
        %parallel_loop3A_721 = arith.index_cast %parallel_loop3A_720 : i32 to index
        %parallel_loop3A_722 = arith.index_cast %parallel_loop3A_671 : i32 to index
        %parallel_loop3A_723 = arith.constant 48 : index
        %parallel_loop3A_724 = tpu.vector_load %arg6[%parallel_loop3A_721, %parallel_loop3A_722, %parallel_loop3A_723] {strides = array<i32>} : memref<3x200x128xf32, #tpu.memory_space<vmem>>, vector<1x1x16xf32>,
        %parallel_loop3A_725 = vector.shape_cast %parallel_loop3A_724 : vector<1x1x16xf32> to vector<16xf32>
        %parallel_loop3A_726 = arith.constant 11.3137083 : f32
        %parallel_loop3A_727 = vector.broadcast %parallel_loop3A_726 : f32 to vector<16xf32>
        %parallel_loop3A_728 = arith.mulf %parallel_loop3A_725, %parallel_loop3A_727 : vector<16xf32>
        %parallel_loop3A_729 = arith.constant 1 : i32
        %parallel_loop3A_730 = arith.index_cast %parallel_loop3A_729 : i32 to index
        %parallel_loop3A_731 = arith.index_cast %parallel_loop3A_671 : i32 to index
        %parallel_loop3A_732 = arith.constant 48 : index
        %parallel_loop3A_733 = tpu.vector_load %arg6[%parallel_loop3A_730, %parallel_loop3A_731, %parallel_loop3A_732] {strides = array<i32>} : memref<3x200x128xf32, #tpu.memory_space<vmem>>, vector<1x1x16xf32>,
        %parallel_loop3A_734 = vector.shape_cast %parallel_loop3A_733 : vector<1x1x16xf32> to vector<16xf32>
        %parallel_loop3A_735 = vector.shape_cast %parallel_loop3A_728 : vector<16xf32> to vector<1x1x16xf32>
        tpu.vector_store %arg6[%parallel_loop3A_730, %parallel_loop3A_731, %parallel_loop3A_732], %parallel_loop3A_735 {strides = array<i32>} : memref<3x200x128xf32, #tpu.memory_space<vmem>>, vector<1x1x16xf32>,
        %parallel_loop3A_736 = arith.constant 1 : i32
        %parallel_loop3A_737 = arith.index_cast %parallel_loop3A_736 : i32 to index
        %parallel_loop3A_738 = arith.index_cast %parallel_loop3A_671 : i32 to index
        %parallel_loop3A_739 = arith.constant 64 : index
        %parallel_loop3A_740 = tpu.vector_load %arg6[%parallel_loop3A_737, %parallel_loop3A_738, %parallel_loop3A_739] {strides = array<i32>} : memref<3x200x128xf32, #tpu.memory_space<vmem>>, vector<1x1x16xf32>,
        %parallel_loop3A_741 = vector.shape_cast %parallel_loop3A_740 : vector<1x1x16xf32> to vector<16xf32>
        %parallel_loop3A_742 = arith.constant 11.3137083 : f32
        %parallel_loop3A_743 = vector.broadcast %parallel_loop3A_742 : f32 to vector<16xf32>
        %parallel_loop3A_744 = arith.mulf %parallel_loop3A_741, %parallel_loop3A_743 : vector<16xf32>
        %parallel_loop3A_745 = arith.constant 1 : i32
        %parallel_loop3A_746 = arith.index_cast %parallel_loop3A_745 : i32 to index
        %parallel_loop3A_747 = arith.index_cast %parallel_loop3A_671 : i32 to index
        %parallel_loop3A_748 = arith.constant 64 : index
        %parallel_loop3A_749 = tpu.vector_load %arg6[%parallel_loop3A_746, %parallel_loop3A_747, %parallel_loop3A_748] {strides = array<i32>} : memref<3x200x128xf32, #tpu.memory_space<vmem>>, vector<1x1x16xf32>,
        %parallel_loop3A_750 = vector.shape_cast %parallel_loop3A_749 : vector<1x1x16xf32> to vector<16xf32>
        %parallel_loop3A_751 = vector.shape_cast %parallel_loop3A_744 : vector<16xf32> to vector<1x1x16xf32>
        tpu.vector_store %arg6[%parallel_loop3A_746, %parallel_loop3A_747, %parallel_loop3A_748], %parallel_loop3A_751 {strides = array<i32>} : memref<3x200x128xf32, #tpu.memory_space<vmem>>, vector<1x1x16xf32>,
        %parallel_loop3A_752 = arith.constant 1 : i32
        %parallel_loop3A_753 = arith.index_cast %parallel_loop3A_752 : i32 to index
        %parallel_loop3A_754 = arith.index_cast %parallel_loop3A_671 : i32 to index
        %parallel_loop3A_755 = arith.constant 80 : index
        %parallel_loop3A_756 = tpu.vector_load %arg6[%parallel_loop3A_753, %parallel_loop3A_754, %parallel_loop3A_755] {strides = array<i32>} : memref<3x200x128xf32, #tpu.memory_space<vmem>>, vector<1x1x16xf32>,
        %parallel_loop3A_757 = vector.shape_cast %parallel_loop3A_756 : vector<1x1x16xf32> to vector<16xf32>
        %parallel_loop3A_758 = arith.constant 11.3137083 : f32
        %parallel_loop3A_759 = vector.broadcast %parallel_loop3A_758 : f32 to vector<16xf32>
        %parallel_loop3A_760 = arith.mulf %parallel_loop3A_757, %parallel_loop3A_759 : vector<16xf32>
        %parallel_loop3A_761 = arith.constant 1 : i32
        %parallel_loop3A_762 = arith.index_cast %parallel_loop3A_761 : i32 to index
        %parallel_loop3A_763 = arith.index_cast %parallel_loop3A_671 : i32 to index
        %parallel_loop3A_764 = arith.constant 80 : index
        %parallel_loop3A_765 = tpu.vector_load %arg6[%parallel_loop3A_762, %parallel_loop3A_763, %parallel_loop3A_764] {strides = array<i32>} : memref<3x200x128xf32, #tpu.memory_space<vmem>>, vector<1x1x16xf32>,
        %parallel_loop3A_766 = vector.shape_cast %parallel_loop3A_765 : vector<1x1x16xf32> to vector<16xf32>
        %parallel_loop3A_767 = vector.shape_cast %parallel_loop3A_760 : vector<16xf32> to vector<1x1x16xf32>
        tpu.vector_store %arg6[%parallel_loop3A_762, %parallel_loop3A_763, %parallel_loop3A_764], %parallel_loop3A_767 {strides = array<i32>} : memref<3x200x128xf32, #tpu.memory_space<vmem>>, vector<1x1x16xf32>,
        %parallel_loop3A_768 = arith.constant 1 : i32
        %parallel_loop3A_769 = arith.index_cast %parallel_loop3A_768 : i32 to index
        %parallel_loop3A_770 = arith.index_cast %parallel_loop3A_671 : i32 to index
        %parallel_loop3A_771 = arith.constant 96 : index
        %parallel_loop3A_772 = tpu.vector_load %arg6[%parallel_loop3A_769, %parallel_loop3A_770, %parallel_loop3A_771] {strides = array<i32>} : memref<3x200x128xf32, #tpu.memory_space<vmem>>, vector<1x1x16xf32>,
        %parallel_loop3A_773 = vector.shape_cast %parallel_loop3A_772 : vector<1x1x16xf32> to vector<16xf32>
        %parallel_loop3A_774 = arith.constant 11.3137083 : f32
        %parallel_loop3A_775 = vector.broadcast %parallel_loop3A_774 : f32 to vector<16xf32>
        %parallel_loop3A_776 = arith.mulf %parallel_loop3A_773, %parallel_loop3A_775 : vector<16xf32>
        %parallel_loop3A_777 = arith.constant 1 : i32
        %parallel_loop3A_778 = arith.index_cast %parallel_loop3A_777 : i32 to index
        %parallel_loop3A_779 = arith.index_cast %parallel_loop3A_671 : i32 to index
        %parallel_loop3A_780 = arith.constant 96 : index
        %parallel_loop3A_781 = tpu.vector_load %arg6[%parallel_loop3A_778, %parallel_loop3A_779, %parallel_loop3A_780] {strides = array<i32>} : memref<3x200x128xf32, #tpu.memory_space<vmem>>, vector<1x1x16xf32>,
        %parallel_loop3A_782 = vector.shape_cast %parallel_loop3A_781 : vector<1x1x16xf32> to vector<16xf32>
        %parallel_loop3A_783 = vector.shape_cast %parallel_loop3A_776 : vector<16xf32> to vector<1x1x16xf32>
        tpu.vector_store %arg6[%parallel_loop3A_778, %parallel_loop3A_779, %parallel_loop3A_780], %parallel_loop3A_783 {strides = array<i32>} : memref<3x200x128xf32, #tpu.memory_space<vmem>>, vector<1x1x16xf32>,
        %parallel_loop3A_784 = arith.constant 1 : i32
        %parallel_loop3A_785 = arith.index_cast %parallel_loop3A_784 : i32 to index
        %parallel_loop3A_786 = arith.index_cast %parallel_loop3A_671 : i32 to index
        %parallel_loop3A_787 = arith.constant 112 : index
        %parallel_loop3A_788 = tpu.vector_load %arg6[%parallel_loop3A_785, %parallel_loop3A_786, %parallel_loop3A_787] {strides = array<i32>} : memref<3x200x128xf32, #tpu.memory_space<vmem>>, vector<1x1x16xf32>,
        %parallel_loop3A_789 = vector.shape_cast %parallel_loop3A_788 : vector<1x1x16xf32> to vector<16xf32>
        %parallel_loop3A_790 = arith.constant 11.3137083 : f32
        %parallel_loop3A_791 = vector.broadcast %parallel_loop3A_790 : f32 to vector<16xf32>
        %parallel_loop3A_792 = arith.mulf %parallel_loop3A_789, %parallel_loop3A_791 : vector<16xf32>
        %parallel_loop3A_793 = arith.constant 1 : i32
        %parallel_loop3A_794 = arith.index_cast %parallel_loop3A_793 : i32 to index
        %parallel_loop3A_795 = arith.index_cast %parallel_loop3A_671 : i32 to index
        %parallel_loop3A_796 = arith.constant 112 : index
        %parallel_loop3A_797 = tpu.vector_load %arg6[%parallel_loop3A_794, %parallel_loop3A_795, %parallel_loop3A_796] {strides = array<i32>} : memref<3x200x128xf32, #tpu.memory_space<vmem>>, vector<1x1x16xf32>,
        %parallel_loop3A_798 = vector.shape_cast %parallel_loop3A_797 : vector<1x1x16xf32> to vector<16xf32>
        %parallel_loop3A_799 = vector.shape_cast %parallel_loop3A_792 : vector<16xf32> to vector<1x1x16xf32>
        tpu.vector_store %arg6[%parallel_loop3A_794, %parallel_loop3A_795, %parallel_loop3A_796], %parallel_loop3A_799 {strides = array<i32>} : memref<3x200x128xf32, #tpu.memory_space<vmem>>, vector<1x1x16xf32>,
      } {sc.loop_unroll_factor = 4 : i64, sc.parallel_access}
      %mul3A_485 = arith.constant 200 : i32
      %mul3A_486 = arith.muli %add3A_418, %mul3A_485 : i32
      %add3A_487 = arith.addi %mul3A_2, %mul3A_486 : i32
      %dma_start3A_488 = arith.constant 1 : i32
      %dma_start3A_489 = arith.constant 0 : i32
      %dma_start3A_490 = arith.constant 0 : i32
      %dma_start3A_491 = tpu.memref_slice %arg6[%dma_start3A_488, %dma_start3A_489, %dma_start3A_490] : memref<3x200x128xf32, #tpu.memory_space<vmem>> -> memref<1x200x128xf32, #tpu.memory_space<vmem>>
      %dma_start3A_492 = tpu.memref_squeeze %dma_start3A_491 : memref<1x200x128xf32, #tpu.memory_space<vmem>> -> memref<200x128xf32, #tpu.memory_space<vmem>>
      %dma_start3A_493 = arith.constant 0 : i32
      %dma_start3A_494 = tpu.memref_slice %arg4[%add3A_487, %dma_start3A_493] : memref<819200x128xf32, #tpu.memory_space<hbm>> -> memref<200x128xf32, #tpu.memory_space<hbm>>
      %dma_start3A_495 = arith.constant 0 : i32
      %dma_start3A_496 = tpu.memref_slice %arg4[%add3A_487, %dma_start3A_495] : memref<819200x128xf32, #tpu.memory_space<hbm>> -> memref<200x128xf32, #tpu.memory_space<hbm>>
      %dma_start3A_497 = arith.constant 0 : i32
      %dma_start3A_498 = arith.constant 0 : i32
      %dma_start3A_499 = tpu.memref_slice %arg6[%dma_start3A_488, %dma_start3A_497, %dma_start3A_498] : memref<3x200x128xf32, #tpu.memory_space<vmem>> -> memref<1x200x128xf32, #tpu.memory_space<vmem>>
      %dma_start3A_500 = tpu.memref_squeeze %dma_start3A_499 : memref<1x200x128xf32, #tpu.memory_space<vmem>> -> memref<200x128xf32, #tpu.memory_space<vmem>>
      tpu.enqueue_dma source(%dma_start3A_500 : memref<200x128xf32, #tpu.memory_space<vmem>>) target(%dma_start3A_496 : memref<200x128xf32, #tpu.memory_space<hbm>>) target_semaphore(%arg11 : memref<!tpu.dma_semaphore, #tpu.memory_space<semaphore_mem>>)
      %add3A_501 = arith.constant 1 : i32
      %add3A_502 = arith.addi %add3A_416, %add3A_501 : i32
      %sub3A_503 = arith.constant 1 : i32
      %sub3A_504 = arith.subi %add3A_502, %sub3A_503 : i32
      %mul3A_505 = arith.constant 200 : i32
      %mul3A_506 = arith.muli %sub3A_504, %mul3A_505 : i32
      %add3A_507 = arith.addi %mul3A_2, %mul3A_506 : i32
      %dma_wait3A_508 = arith.constant 1 : i32
      %dma_wait3A_509 = arith.constant 0 : i32
      %dma_wait3A_510 = arith.constant 0 : i32
      %dma_wait3A_511 = tpu.memref_slice %arg6[%dma_wait3A_508, %dma_wait3A_509, %dma_wait3A_510] : memref<3x200x128xf32, #tpu.memory_space<vmem>> -> memref<1x200x128xf32, #tpu.memory_space<vmem>>
      %dma_wait3A_512 = tpu.memref_squeeze %dma_wait3A_511 : memref<1x200x128xf32, #tpu.memory_space<vmem>> -> memref<200x128xf32, #tpu.memory_space<vmem>>
      %dma_wait3A_513 = arith.constant 0 : i32
      %dma_wait3A_514 = tpu.memref_slice %arg4[%add3A_507, %dma_wait3A_513] : memref<819200x128xf32, #tpu.memory_space<hbm>> -> memref<200x128xf32, #tpu.memory_space<hbm>>
      %dma_wait3A_515 = arith.constant 0 : i32
      %dma_wait3A_516 = tpu.memref_slice %arg4[%add3A_507, %dma_wait3A_515] : memref<819200x128xf32, #tpu.memory_space<hbm>> -> memref<200x128xf32, #tpu.memory_space<hbm>>
      %dma_wait3A_517 = arith.constant 0 : i32
      %dma_wait3A_518 = arith.constant 0 : i32
      %dma_wait3A_519 = tpu.memref_slice %arg6[%dma_wait3A_508, %dma_wait3A_517, %dma_wait3A_518] : memref<3x200x128xf32, #tpu.memory_space<vmem>> -> memref<1x200x128xf32, #tpu.memory_space<vmem>>
      %dma_wait3A_520 = tpu.memref_squeeze %dma_wait3A_519 : memref<1x200x128xf32, #tpu.memory_space<vmem>> -> memref<200x128xf32, #tpu.memory_space<vmem>>
      tpu.wait_dma2 semaphore(%arg11 : memref<!tpu.dma_semaphore, #tpu.memory_space<semaphore_mem>>) src(%dma_wait3A_520 : memref<200x128xf32, #tpu.memory_space<vmem>>) dst(%dma_wait3A_516 : memref<200x128xf32, #tpu.memory_space<hbm>>)
      %add3A_521 = arith.constant 2 : i32
      %add3A_522 = arith.addi %add3A_502, %add3A_521 : i32
      %dma_start3A_523 = arith.constant 1 : i32
      %dma_start3A_524 = arith.constant 0 : i32
      %dma_start3A_525 = arith.constant 0 : i32
      %dma_start3A_526 = tpu.memref_slice %arg6[%dma_start3A_523, %dma_start3A_524, %dma_start3A_525] : memref<3x200x128xf32, #tpu.memory_space<vmem>> -> memref<1x128x128xf32, #tpu.memory_space<vmem>>
      %dma_start3A_527 = tpu.memref_squeeze %dma_start3A_526 : memref<1x128x128xf32, #tpu.memory_space<vmem>> -> memref<128x128xf32, #tpu.memory_space<vmem>>
      %dma_start3A_528 = arith.constant 0 : i32
      %dma_start3A_529 = tpu.memref_slice %arg5[%add3A_522, %dma_start3A_528] : memref<128x200xi32, #tpu.memory_space<vmem>> -> memref<1x128xi32, #tpu.memory_space<vmem>>
      %dma_start3A_530 = tpu.memref_squeeze %dma_start3A_529 : memref<1x128xi32, #tpu.memory_space<vmem>> -> memref<128xi32, #tpu.memory_space<vmem>>
      %dma_start3A_531 = arith.constant 0 : i32
      %dma_start3A_532 = arith.constant 0 : i32
      %dma_start3A_533 = tpu.memref_slice %arg3[%dma_start3A_531, %dma_start3A_532] : memref<100000x128xf32, #tpu.memory_space<hbm>> -> memref<100000x128xf32, #tpu.memory_space<hbm>>
      tpu.enqueue_indirect_dma source(%dma_start3A_533 : memref<100000x128xf32, #tpu.memory_space<hbm>>) target(%dma_start3A_527 : memref<128x128xf32, #tpu.memory_space<vmem>>) offsets(%dma_start3A_530 : memref<128xi32, #tpu.memory_space<vmem>>) semaphore(%arg8 : memref<!tpu.dma_semaphore, #tpu.memory_space<semaphore_mem>>)
      %dma_start3A_534 = arith.constant 1 : i32
      %dma_start3A_535 = arith.constant 128 : i32
      %dma_start3A_536 = arith.constant 0 : i32
      %dma_start3A_537 = tpu.memref_slice %arg6[%dma_start3A_534, %dma_start3A_535, %dma_start3A_536] : memref<3x200x128xf32, #tpu.memory_space<vmem>> -> memref<1x72x128xf32, #tpu.memory_space<vmem>>
      %dma_start3A_538 = tpu.memref_squeeze %dma_start3A_537 : memref<1x72x128xf32, #tpu.memory_space<vmem>> -> memref<72x128xf32, #tpu.memory_space<vmem>>
      %dma_start3A_539 = arith.constant 128 : i32
      %dma_start3A_540 = tpu.memref_slice %arg5[%add3A_522, %dma_start3A_539] : memref<128x200xi32, #tpu.memory_space<vmem>> -> memref<1x72xi32, #tpu.memory_space<vmem>>
      %dma_start3A_541 = tpu.memref_squeeze %dma_start3A_540 : memref<1x72xi32, #tpu.memory_space<vmem>> -> memref<72xi32, #tpu.memory_space<vmem>>
      %dma_start3A_542 = arith.constant 0 : i32
      %dma_start3A_543 = arith.constant 0 : i32
      %dma_start3A_544 = tpu.memref_slice %arg3[%dma_start3A_542, %dma_start3A_543] : memref<100000x128xf32, #tpu.memory_space<hbm>> -> memref<100000x128xf32, #tpu.memory_space<hbm>>
      tpu.enqueue_indirect_dma source(%dma_start3A_544 : memref<100000x128xf32, #tpu.memory_space<hbm>>) target(%dma_start3A_538 : memref<72x128xf32, #tpu.memory_space<vmem>>) offsets(%dma_start3A_541 : memref<72xi32, #tpu.memory_space<vmem>>) semaphore(%arg8 : memref<!tpu.dma_semaphore, #tpu.memory_space<semaphore_mem>>)
      %dma_wait3A_545 = arith.constant 2 : i32
      %dma_wait3A_546 = arith.constant 0 : i32
      %dma_wait3A_547 = arith.constant 0 : i32
      %dma_wait3A_548 = tpu.memref_slice %arg6[%dma_wait3A_545, %dma_wait3A_546, %dma_wait3A_547] : memref<3x200x128xf32, #tpu.memory_space<vmem>> -> memref<1x128x128xf32, #tpu.memory_space<vmem>>
      %dma_wait3A_549 = tpu.memref_squeeze %dma_wait3A_548 : memref<1x128x128xf32, #tpu.memory_space<vmem>> -> memref<128x128xf32, #tpu.memory_space<vmem>>
      %dma_wait3A_550 = arith.constant 0 : i32
      %dma_wait3A_551 = tpu.memref_slice %arg5[%add3A_502, %dma_wait3A_550] : memref<128x200xi32, #tpu.memory_space<vmem>> -> memref<1x128xi32, #tpu.memory_space<vmem>>
      %dma_wait3A_552 = tpu.memref_squeeze %dma_wait3A_551 : memref<1x128xi32, #tpu.memory_space<vmem>> -> memref<128xi32, #tpu.memory_space<vmem>>
      %dma_wait3A_553 = arith.constant 0 : i32
      %dma_wait3A_554 = arith.constant 0 : i32
      %dma_wait3A_555 = tpu.memref_slice %arg3[%dma_wait3A_553, %dma_wait3A_554] : memref<100000x128xf32, #tpu.memory_space<hbm>> -> memref<100000x128xf32, #tpu.memory_space<hbm>>
      tpu.wait_indirect_dma semaphore(%arg9 : memref<!tpu.dma_semaphore, #tpu.memory_space<semaphore_mem>>) src(%dma_wait3A_555 : memref<100000x128xf32, #tpu.memory_space<hbm>>) dst(%dma_wait3A_549 : memref<128x128xf32, #tpu.memory_space<vmem>>)
      %dma_wait3A_556 = arith.constant 2 : i32
      %dma_wait3A_557 = arith.constant 128 : i32
      %dma_wait3A_558 = arith.constant 0 : i32
      %dma_wait3A_559 = tpu.memref_slice %arg6[%dma_wait3A_556, %dma_wait3A_557, %dma_wait3A_558] : memref<3x200x128xf32, #tpu.memory_space<vmem>> -> memref<1x72x128xf32, #tpu.memory_space<vmem>>
      %dma_wait3A_560 = tpu.memref_squeeze %dma_wait3A_559 : memref<1x72x128xf32, #tpu.memory_space<vmem>> -> memref<72x128xf32, #tpu.memory_space<vmem>>
      %dma_wait3A_561 = arith.constant 128 : i32
      %dma_wait3A_562 = tpu.memref_slice %arg5[%add3A_502, %dma_wait3A_561] : memref<128x200xi32, #tpu.memory_space<vmem>> -> memref<1x72xi32, #tpu.memory_space<vmem>>
      %dma_wait3A_563 = tpu.memref_squeeze %dma_wait3A_562 : memref<1x72xi32, #tpu.memory_space<vmem>> -> memref<72xi32, #tpu.memory_space<vmem>>
      %dma_wait3A_564 = arith.constant 0 : i32
      %dma_wait3A_565 = arith.constant 0 : i32
      %dma_wait3A_566 = tpu.memref_slice %arg3[%dma_wait3A_564, %dma_wait3A_565] : memref<100000x128xf32, #tpu.memory_space<hbm>> -> memref<100000x128xf32, #tpu.memory_space<hbm>>
      tpu.wait_indirect_dma semaphore(%arg9 : memref<!tpu.dma_semaphore, #tpu.memory_space<semaphore_mem>>) src(%dma_wait3A_566 : memref<100000x128xf32, #tpu.memory_space<hbm>>) dst(%dma_wait3A_560 : memref<72x128xf32, #tpu.memory_space<vmem>>)
      %parallel_loop3A_567 = arith.constant 0 : i32
      %parallel_loop3A_568 = arith.constant 200 : i32
      %parallel_loop3A_569 = arith.constant 1 : i32
      scf.for %parallel_loop3A_671 = %parallel_loop3A_567 to %parallel_loop3A_568 step %parallel_loop3A_569  : i32 {
        %parallel_loop3A_672 = arith.constant 2 : i32
        %parallel_loop3A_673 = arith.index_cast %parallel_loop3A_672 : i32 to index
        %parallel_loop3A_674 = arith.index_cast %parallel_loop3A_671 : i32 to index
        %parallel_loop3A_675 = arith.constant 0 : index
        %parallel_loop3A_676 = tpu.vector_load %arg6[%parallel_loop3A_673, %parallel_loop3A_674, %parallel_loop3A_675] {strides = array<i32>} : memref<3x200x128xf32, #tpu.memory_space<vmem>>, vector<1x1x16xf32>,
        %parallel_loop3A_677 = vector.shape_cast %parallel_loop3A_676 : vector<1x1x16xf32> to vector<16xf32>
        %parallel_loop3A_678 = arith.constant 11.3137083 : f32
        %parallel_loop3A_679 = vector.broadcast %parallel_loop3A_678 : f32 to vector<16xf32>
        %parallel_loop3A_680 = arith.mulf %parallel_loop3A_677, %parallel_loop3A_679 : vector<16xf32>
        %parallel_loop3A_681 = arith.constant 2 : i32
        %parallel_loop3A_682 = arith.index_cast %parallel_loop3A_681 : i32 to index
        %parallel_loop3A_683 = arith.index_cast %parallel_loop3A_671 : i32 to index
        %parallel_loop3A_684 = arith.constant 0 : index
        %parallel_loop3A_685 = tpu.vector_load %arg6[%parallel_loop3A_682, %parallel_loop3A_683, %parallel_loop3A_684] {strides = array<i32>} : memref<3x200x128xf32, #tpu.memory_space<vmem>>, vector<1x1x16xf32>,
        %parallel_loop3A_686 = vector.shape_cast %parallel_loop3A_685 : vector<1x1x16xf32> to vector<16xf32>
        %parallel_loop3A_687 = vector.shape_cast %parallel_loop3A_680 : vector<16xf32> to vector<1x1x16xf32>
        tpu.vector_store %arg6[%parallel_loop3A_682, %parallel_loop3A_683, %parallel_loop3A_684], %parallel_loop3A_687 {strides = array<i32>} : memref<3x200x128xf32, #tpu.memory_space<vmem>>, vector<1x1x16xf32>,
        %parallel_loop3A_688 = arith.constant 2 : i32
        %parallel_loop3A_689 = arith.index_cast %parallel_loop3A_688 : i32 to index
        %parallel_loop3A_690 = arith.index_cast %parallel_loop3A_671 : i32 to index
        %parallel_loop3A_691 = arith.constant 16 : index
        %parallel_loop3A_692 = tpu.vector_load %arg6[%parallel_loop3A_689, %parallel_loop3A_690, %parallel_loop3A_691] {strides = array<i32>} : memref<3x200x128xf32, #tpu.memory_space<vmem>>, vector<1x1x16xf32>,
        %parallel_loop3A_693 = vector.shape_cast %parallel_loop3A_692 : vector<1x1x16xf32> to vector<16xf32>
        %parallel_loop3A_694 = arith.constant 11.3137083 : f32
        %parallel_loop3A_695 = vector.broadcast %parallel_loop3A_694 : f32 to vector<16xf32>
        %parallel_loop3A_696 = arith.mulf %parallel_loop3A_693, %parallel_loop3A_695 : vector<16xf32>
        %parallel_loop3A_697 = arith.constant 2 : i32
        %parallel_loop3A_698 = arith.index_cast %parallel_loop3A_697 : i32 to index
        %parallel_loop3A_699 = arith.index_cast %parallel_loop3A_671 : i32 to index
        %parallel_loop3A_700 = arith.constant 16 : index
        %parallel_loop3A_701 = tpu.vector_load %arg6[%parallel_loop3A_698, %parallel_loop3A_699, %parallel_loop3A_700] {strides = array<i32>} : memref<3x200x128xf32, #tpu.memory_space<vmem>>, vector<1x1x16xf32>,
        %parallel_loop3A_702 = vector.shape_cast %parallel_loop3A_701 : vector<1x1x16xf32> to vector<16xf32>
        %parallel_loop3A_703 = vector.shape_cast %parallel_loop3A_696 : vector<16xf32> to vector<1x1x16xf32>
        tpu.vector_store %arg6[%parallel_loop3A_698, %parallel_loop3A_699, %parallel_loop3A_700], %parallel_loop3A_703 {strides = array<i32>} : memref<3x200x128xf32, #tpu.memory_space<vmem>>, vector<1x1x16xf32>,
        %parallel_loop3A_704 = arith.constant 2 : i32
        %parallel_loop3A_705 = arith.index_cast %parallel_loop3A_704 : i32 to index
        %parallel_loop3A_706 = arith.index_cast %parallel_loop3A_671 : i32 to index
        %parallel_loop3A_707 = arith.constant 32 : index
        %parallel_loop3A_708 = tpu.vector_load %arg6[%parallel_loop3A_705, %parallel_loop3A_706, %parallel_loop3A_707] {strides = array<i32>} : memref<3x200x128xf32, #tpu.memory_space<vmem>>, vector<1x1x16xf32>,
        %parallel_loop3A_709 = vector.shape_cast %parallel_loop3A_708 : vector<1x1x16xf32> to vector<16xf32>
        %parallel_loop3A_710 = arith.constant 11.3137083 : f32
        %parallel_loop3A_711 = vector.broadcast %parallel_loop3A_710 : f32 to vector<16xf32>
        %parallel_loop3A_712 = arith.mulf %parallel_loop3A_709, %parallel_loop3A_711 : vector<16xf32>
        %parallel_loop3A_713 = arith.constant 2 : i32
        %parallel_loop3A_714 = arith.index_cast %parallel_loop3A_713 : i32 to index
        %parallel_loop3A_715 = arith.index_cast %parallel_loop3A_671 : i32 to index
        %parallel_loop3A_716 = arith.constant 32 : index
        %parallel_loop3A_717 = tpu.vector_load %arg6[%parallel_loop3A_714, %parallel_loop3A_715, %parallel_loop3A_716] {strides = array<i32>} : memref<3x200x128xf32, #tpu.memory_space<vmem>>, vector<1x1x16xf32>,
        %parallel_loop3A_718 = vector.shape_cast %parallel_loop3A_717 : vector<1x1x16xf32> to vector<16xf32>
        %parallel_loop3A_719 = vector.shape_cast %parallel_loop3A_712 : vector<16xf32> to vector<1x1x16xf32>
        tpu.vector_store %arg6[%parallel_loop3A_714, %parallel_loop3A_715, %parallel_loop3A_716], %parallel_loop3A_719 {strides = array<i32>} : memref<3x200x128xf32, #tpu.memory_space<vmem>>, vector<1x1x16xf32>,
        %parallel_loop3A_720 = arith.constant 2 : i32
        %parallel_loop3A_721 = arith.index_cast %parallel_loop3A_720 : i32 to index
        %parallel_loop3A_722 = arith.index_cast %parallel_loop3A_671 : i32 to index
        %parallel_loop3A_723 = arith.constant 48 : index
        %parallel_loop3A_724 = tpu.vector_load %arg6[%parallel_loop3A_721, %parallel_loop3A_722, %parallel_loop3A_723] {strides = array<i32>} : memref<3x200x128xf32, #tpu.memory_space<vmem>>, vector<1x1x16xf32>,
        %parallel_loop3A_725 = vector.shape_cast %parallel_loop3A_724 : vector<1x1x16xf32> to vector<16xf32>
        %parallel_loop3A_726 = arith.constant 11.3137083 : f32
        %parallel_loop3A_727 = vector.broadcast %parallel_loop3A_726 : f32 to vector<16xf32>
        %parallel_loop3A_728 = arith.mulf %parallel_loop3A_725, %parallel_loop3A_727 : vector<16xf32>
        %parallel_loop3A_729 = arith.constant 2 : i32
        %parallel_loop3A_730 = arith.index_cast %parallel_loop3A_729 : i32 to index
        %parallel_loop3A_731 = arith.index_cast %parallel_loop3A_671 : i32 to index
        %parallel_loop3A_732 = arith.constant 48 : index
        %parallel_loop3A_733 = tpu.vector_load %arg6[%parallel_loop3A_730, %parallel_loop3A_731, %parallel_loop3A_732] {strides = array<i32>} : memref<3x200x128xf32, #tpu.memory_space<vmem>>, vector<1x1x16xf32>,
        %parallel_loop3A_734 = vector.shape_cast %parallel_loop3A_733 : vector<1x1x16xf32> to vector<16xf32>
        %parallel_loop3A_735 = vector.shape_cast %parallel_loop3A_728 : vector<16xf32> to vector<1x1x16xf32>
        tpu.vector_store %arg6[%parallel_loop3A_730, %parallel_loop3A_731, %parallel_loop3A_732], %parallel_loop3A_735 {strides = array<i32>} : memref<3x200x128xf32, #tpu.memory_space<vmem>>, vector<1x1x16xf32>,
        %parallel_loop3A_736 = arith.constant 2 : i32
        %parallel_loop3A_737 = arith.index_cast %parallel_loop3A_736 : i32 to index
        %parallel_loop3A_738 = arith.index_cast %parallel_loop3A_671 : i32 to index
        %parallel_loop3A_739 = arith.constant 64 : index
        %parallel_loop3A_740 = tpu.vector_load %arg6[%parallel_loop3A_737, %parallel_loop3A_738, %parallel_loop3A_739] {strides = array<i32>} : memref<3x200x128xf32, #tpu.memory_space<vmem>>, vector<1x1x16xf32>,
        %parallel_loop3A_741 = vector.shape_cast %parallel_loop3A_740 : vector<1x1x16xf32> to vector<16xf32>
        %parallel_loop3A_742 = arith.constant 11.3137083 : f32
        %parallel_loop3A_743 = vector.broadcast %parallel_loop3A_742 : f32 to vector<16xf32>
        %parallel_loop3A_744 = arith.mulf %parallel_loop3A_741, %parallel_loop3A_743 : vector<16xf32>
        %parallel_loop3A_745 = arith.constant 2 : i32
        %parallel_loop3A_746 = arith.index_cast %parallel_loop3A_745 : i32 to index
        %parallel_loop3A_747 = arith.index_cast %parallel_loop3A_671 : i32 to index
        %parallel_loop3A_748 = arith.constant 64 : index
        %parallel_loop3A_749 = tpu.vector_load %arg6[%parallel_loop3A_746, %parallel_loop3A_747, %parallel_loop3A_748] {strides = array<i32>} : memref<3x200x128xf32, #tpu.memory_space<vmem>>, vector<1x1x16xf32>,
        %parallel_loop3A_750 = vector.shape_cast %parallel_loop3A_749 : vector<1x1x16xf32> to vector<16xf32>
        %parallel_loop3A_751 = vector.shape_cast %parallel_loop3A_744 : vector<16xf32> to vector<1x1x16xf32>
        tpu.vector_store %arg6[%parallel_loop3A_746, %parallel_loop3A_747, %parallel_loop3A_748], %parallel_loop3A_751 {strides = array<i32>} : memref<3x200x128xf32, #tpu.memory_space<vmem>>, vector<1x1x16xf32>,
        %parallel_loop3A_752 = arith.constant 2 : i32
        %parallel_loop3A_753 = arith.index_cast %parallel_loop3A_752 : i32 to index
        %parallel_loop3A_754 = arith.index_cast %parallel_loop3A_671 : i32 to index
        %parallel_loop3A_755 = arith.constant 80 : index
        %parallel_loop3A_756 = tpu.vector_load %arg6[%parallel_loop3A_753, %parallel_loop3A_754, %parallel_loop3A_755] {strides = array<i32>} : memref<3x200x128xf32, #tpu.memory_space<vmem>>, vector<1x1x16xf32>,
        %parallel_loop3A_757 = vector.shape_cast %parallel_loop3A_756 : vector<1x1x16xf32> to vector<16xf32>
        %parallel_loop3A_758 = arith.constant 11.3137083 : f32
        %parallel_loop3A_759 = vector.broadcast %parallel_loop3A_758 : f32 to vector<16xf32>
        %parallel_loop3A_760 = arith.mulf %parallel_loop3A_757, %parallel_loop3A_759 : vector<16xf32>
        %parallel_loop3A_761 = arith.constant 2 : i32
        %parallel_loop3A_762 = arith.index_cast %parallel_loop3A_761 : i32 to index
        %parallel_loop3A_763 = arith.index_cast %parallel_loop3A_671 : i32 to index
        %parallel_loop3A_764 = arith.constant 80 : index
        %parallel_loop3A_765 = tpu.vector_load %arg6[%parallel_loop3A_762, %parallel_loop3A_763, %parallel_loop3A_764] {strides = array<i32>} : memref<3x200x128xf32, #tpu.memory_space<vmem>>, vector<1x1x16xf32>,
        %parallel_loop3A_766 = vector.shape_cast %parallel_loop3A_765 : vector<1x1x16xf32> to vector<16xf32>
        %parallel_loop3A_767 = vector.shape_cast %parallel_loop3A_760 : vector<16xf32> to vector<1x1x16xf32>
        tpu.vector_store %arg6[%parallel_loop3A_762, %parallel_loop3A_763, %parallel_loop3A_764], %parallel_loop3A_767 {strides = array<i32>} : memref<3x200x128xf32, #tpu.memory_space<vmem>>, vector<1x1x16xf32>,
        %parallel_loop3A_768 = arith.constant 2 : i32
        %parallel_loop3A_769 = arith.index_cast %parallel_loop3A_768 : i32 to index
        %parallel_loop3A_770 = arith.index_cast %parallel_loop3A_671 : i32 to index
        %parallel_loop3A_771 = arith.constant 96 : index
        %parallel_loop3A_772 = tpu.vector_load %arg6[%parallel_loop3A_769, %parallel_loop3A_770, %parallel_loop3A_771] {strides = array<i32>} : memref<3x200x128xf32, #tpu.memory_space<vmem>>, vector<1x1x16xf32>,
        %parallel_loop3A_773 = vector.shape_cast %parallel_loop3A_772 : vector<1x1x16xf32> to vector<16xf32>
        %parallel_loop3A_774 = arith.constant 11.3137083 : f32
        %parallel_loop3A_775 = vector.broadcast %parallel_loop3A_774 : f32 to vector<16xf32>
        %parallel_loop3A_776 = arith.mulf %parallel_loop3A_773, %parallel_loop3A_775 : vector<16xf32>
        %parallel_loop3A_777 = arith.constant 2 : i32
        %parallel_loop3A_778 = arith.index_cast %parallel_loop3A_777 : i32 to index
        %parallel_loop3A_779 = arith.index_cast %parallel_loop3A_671 : i32 to index
        %parallel_loop3A_780 = arith.constant 96 : index
        %parallel_loop3A_781 = tpu.vector_load %arg6[%parallel_loop3A_778, %parallel_loop3A_779, %parallel_loop3A_780] {strides = array<i32>} : memref<3x200x128xf32, #tpu.memory_space<vmem>>, vector<1x1x16xf32>,
        %parallel_loop3A_782 = vector.shape_cast %parallel_loop3A_781 : vector<1x1x16xf32> to vector<16xf32>
        %parallel_loop3A_783 = vector.shape_cast %parallel_loop3A_776 : vector<16xf32> to vector<1x1x16xf32>
        tpu.vector_store %arg6[%parallel_loop3A_778, %parallel_loop3A_779, %parallel_loop3A_780], %parallel_loop3A_783 {strides = array<i32>} : memref<3x200x128xf32, #tpu.memory_space<vmem>>, vector<1x1x16xf32>,
        %parallel_loop3A_784 = arith.constant 2 : i32
        %parallel_loop3A_785 = arith.index_cast %parallel_loop3A_784 : i32 to index
        %parallel_loop3A_786 = arith.index_cast %parallel_loop3A_671 : i32 to index
        %parallel_loop3A_787 = arith.constant 112 : index
        %parallel_loop3A_788 = tpu.vector_load %arg6[%parallel_loop3A_785, %parallel_loop3A_786, %parallel_loop3A_787] {strides = array<i32>} : memref<3x200x128xf32, #tpu.memory_space<vmem>>, vector<1x1x16xf32>,
        %parallel_loop3A_789 = vector.shape_cast %parallel_loop3A_788 : vector<1x1x16xf32> to vector<16xf32>
        %parallel_loop3A_790 = arith.constant 11.3137083 : f32
        %parallel_loop3A_791 = vector.broadcast %parallel_loop3A_790 : f32 to vector<16xf32>
        %parallel_loop3A_792 = arith.mulf %parallel_loop3A_789, %parallel_loop3A_791 : vector<16xf32>
        %parallel_loop3A_793 = arith.constant 2 : i32
        %parallel_loop3A_794 = arith.index_cast %parallel_loop3A_793 : i32 to index
        %parallel_loop3A_795 = arith.index_cast %parallel_loop3A_671 : i32 to index
        %parallel_loop3A_796 = arith.constant 112 : index
        %parallel_loop3A_797 = tpu.vector_load %arg6[%parallel_loop3A_794, %parallel_loop3A_795, %parallel_loop3A_796] {strides = array<i32>} : memref<3x200x128xf32, #tpu.memory_space<vmem>>, vector<1x1x16xf32>,
        %parallel_loop3A_798 = vector.shape_cast %parallel_loop3A_797 : vector<1x1x16xf32> to vector<16xf32>
        %parallel_loop3A_799 = vector.shape_cast %parallel_loop3A_792 : vector<16xf32> to vector<1x1x16xf32>
        tpu.vector_store %arg6[%parallel_loop3A_794, %parallel_loop3A_795, %parallel_loop3A_796], %parallel_loop3A_799 {strides = array<i32>} : memref<3x200x128xf32, #tpu.memory_space<vmem>>, vector<1x1x16xf32>,
      } {sc.loop_unroll_factor = 4 : i64, sc.parallel_access}
      %mul3A_570 = arith.constant 200 : i32
      %mul3A_571 = arith.muli %add3A_502, %mul3A_570 : i32
      %add3A_572 = arith.addi %mul3A_2, %mul3A_571 : i32
      %dma_start3A_573 = arith.constant 2 : i32
      %dma_start3A_574 = arith.constant 0 : i32
      %dma_start3A_575 = arith.constant 0 : i32
      %dma_start3A_576 = tpu.memref_slice %arg6[%dma_start3A_573, %dma_start3A_574, %dma_start3A_575] : memref<3x200x128xf32, #tpu.memory_space<vmem>> -> memref<1x200x128xf32, #tpu.memory_space<vmem>>
      %dma_start3A_577 = tpu.memref_squeeze %dma_start3A_576 : memref<1x200x128xf32, #tpu.memory_space<vmem>> -> memref<200x128xf32, #tpu.memory_space<vmem>>
      %dma_start3A_578 = arith.constant 0 : i32
      %dma_start3A_579 = tpu.memref_slice %arg4[%add3A_572, %dma_start3A_578] : memref<819200x128xf32, #tpu.memory_space<hbm>> -> memref<200x128xf32, #tpu.memory_space<hbm>>
      %dma_start3A_580 = arith.constant 0 : i32
      %dma_start3A_581 = tpu.memref_slice %arg4[%add3A_572, %dma_start3A_580] : memref<819200x128xf32, #tpu.memory_space<hbm>> -> memref<200x128xf32, #tpu.memory_space<hbm>>
      %dma_start3A_582 = arith.constant 0 : i32
      %dma_start3A_583 = arith.constant 0 : i32
      %dma_start3A_584 = tpu.memref_slice %arg6[%dma_start3A_573, %dma_start3A_582, %dma_start3A_583] : memref<3x200x128xf32, #tpu.memory_space<vmem>> -> memref<1x200x128xf32, #tpu.memory_space<vmem>>
      %dma_start3A_585 = tpu.memref_squeeze %dma_start3A_584 : memref<1x200x128xf32, #tpu.memory_space<vmem>> -> memref<200x128xf32, #tpu.memory_space<vmem>>
      tpu.enqueue_dma source(%dma_start3A_585 : memref<200x128xf32, #tpu.memory_space<vmem>>) target(%dma_start3A_581 : memref<200x128xf32, #tpu.memory_space<hbm>>) target_semaphore(%arg12 : memref<!tpu.dma_semaphore, #tpu.memory_space<semaphore_mem>>)
      %add3A_586 = arith.constant 2 : i32
      %add3A_587 = arith.addi %add3A_416, %add3A_586 : i32
      %sub3A_588 = arith.constant 1 : i32
      %sub3A_589 = arith.subi %add3A_587, %sub3A_588 : i32
      %mul3A_590 = arith.constant 200 : i32
      %mul3A_591 = arith.muli %sub3A_589, %mul3A_590 : i32
      %add3A_592 = arith.addi %mul3A_2, %mul3A_591 : i32
      %dma_wait3A_593 = arith.constant 2 : i32
      %dma_wait3A_594 = arith.constant 0 : i32
      %dma_wait3A_595 = arith.constant 0 : i32
      %dma_wait3A_596 = tpu.memref_slice %arg6[%dma_wait3A_593, %dma_wait3A_594, %dma_wait3A_595] : memref<3x200x128xf32, #tpu.memory_space<vmem>> -> memref<1x200x128xf32, #tpu.memory_space<vmem>>
      %dma_wait3A_597 = tpu.memref_squeeze %dma_wait3A_596 : memref<1x200x128xf32, #tpu.memory_space<vmem>> -> memref<200x128xf32, #tpu.memory_space<vmem>>
      %dma_wait3A_598 = arith.constant 0 : i32
      %dma_wait3A_599 = tpu.memref_slice %arg4[%add3A_592, %dma_wait3A_598] : memref<819200x128xf32, #tpu.memory_space<hbm>> -> memref<200x128xf32, #tpu.memory_space<hbm>>
      %dma_wait3A_600 = arith.constant 0 : i32
      %dma_wait3A_601 = tpu.memref_slice %arg4[%add3A_592, %dma_wait3A_600] : memref<819200x128xf32, #tpu.memory_space<hbm>> -> memref<200x128xf32, #tpu.memory_space<hbm>>
      %dma_wait3A_602 = arith.constant 0 : i32
      %dma_wait3A_603 = arith.constant 0 : i32
      %dma_wait3A_604 = tpu.memref_slice %arg6[%dma_wait3A_593, %dma_wait3A_602, %dma_wait3A_603] : memref<3x200x128xf32, #tpu.memory_space<vmem>> -> memref<1x200x128xf32, #tpu.memory_space<vmem>>
      %dma_wait3A_605 = tpu.memref_squeeze %dma_wait3A_604 : memref<1x200x128xf32, #tpu.memory_space<vmem>> -> memref<200x128xf32, #tpu.memory_space<vmem>>
      tpu.wait_dma2 semaphore(%arg12 : memref<!tpu.dma_semaphore, #tpu.memory_space<semaphore_mem>>) src(%dma_wait3A_605 : memref<200x128xf32, #tpu.memory_space<vmem>>) dst(%dma_wait3A_601 : memref<200x128xf32, #tpu.memory_space<hbm>>)
      %add3A_606 = arith.constant 2 : i32
      %add3A_607 = arith.addi %add3A_587, %add3A_606 : i32
      %dma_start3A_608 = arith.constant 2 : i32
      %dma_start3A_609 = arith.constant 0 : i32
      %dma_start3A_610 = arith.constant 0 : i32
      %dma_start3A_611 = tpu.memref_slice %arg6[%dma_start3A_608, %dma_start3A_609, %dma_start3A_610] : memref<3x200x128xf32, #tpu.memory_space<vmem>> -> memref<1x128x128xf32, #tpu.memory_space<vmem>>
      %dma_start3A_612 = tpu.memref_squeeze %dma_start3A_611 : memref<1x128x128xf32, #tpu.memory_space<vmem>> -> memref<128x128xf32, #tpu.memory_space<vmem>>
      %dma_start3A_613 = arith.constant 0 : i32
      %dma_start3A_614 = tpu.memref_slice %arg5[%add3A_607, %dma_start3A_613] : memref<128x200xi32, #tpu.memory_space<vmem>> -> memref<1x128xi32, #tpu.memory_space<vmem>>
      %dma_start3A_615 = tpu.memref_squeeze %dma_start3A_614 : memref<1x128xi32, #tpu.memory_space<vmem>> -> memref<128xi32, #tpu.memory_space<vmem>>
      %dma_start3A_616 = arith.constant 0 : i32
      %dma_start3A_617 = arith.constant 0 : i32
      %dma_start3A_618 = tpu.memref_slice %arg3[%dma_start3A_616, %dma_start3A_617] : memref<100000x128xf32, #tpu.memory_space<hbm>> -> memref<100000x128xf32, #tpu.memory_space<hbm>>
      tpu.enqueue_indirect_dma source(%dma_start3A_618 : memref<100000x128xf32, #tpu.memory_space<hbm>>) target(%dma_start3A_612 : memref<128x128xf32, #tpu.memory_space<vmem>>) offsets(%dma_start3A_615 : memref<128xi32, #tpu.memory_space<vmem>>) semaphore(%arg9 : memref<!tpu.dma_semaphore, #tpu.memory_space<semaphore_mem>>)
      %dma_start3A_619 = arith.constant 2 : i32
      %dma_start3A_620 = arith.constant 128 : i32
      %dma_start3A_621 = arith.constant 0 : i32
      %dma_start3A_622 = tpu.memref_slice %arg6[%dma_start3A_619, %dma_start3A_620, %dma_start3A_621] : memref<3x200x128xf32, #tpu.memory_space<vmem>> -> memref<1x72x128xf32, #tpu.memory_space<vmem>>
      %dma_start3A_623 = tpu.memref_squeeze %dma_start3A_622 : memref<1x72x128xf32, #tpu.memory_space<vmem>> -> memref<72x128xf32, #tpu.memory_space<vmem>>
      %dma_start3A_624 = arith.constant 128 : i32
      %dma_start3A_625 = tpu.memref_slice %arg5[%add3A_607, %dma_start3A_624] : memref<128x200xi32, #tpu.memory_space<vmem>> -> memref<1x72xi32, #tpu.memory_space<vmem>>
      %dma_start3A_626 = tpu.memref_squeeze %dma_start3A_625 : memref<1x72xi32, #tpu.memory_space<vmem>> -> memref<72xi32, #tpu.memory_space<vmem>>
      %dma_start3A_627 = arith.constant 0 : i32
      %dma_start3A_628 = arith.constant 0 : i32
      %dma_start3A_629 = tpu.memref_slice %arg3[%dma_start3A_627, %dma_start3A_628] : memref<100000x128xf32, #tpu.memory_space<hbm>> -> memref<100000x128xf32, #tpu.memory_space<hbm>>
      tpu.enqueue_indirect_dma source(%dma_start3A_629 : memref<100000x128xf32, #tpu.memory_space<hbm>>) target(%dma_start3A_623 : memref<72x128xf32, #tpu.memory_space<vmem>>) offsets(%dma_start3A_626 : memref<72xi32, #tpu.memory_space<vmem>>) semaphore(%arg9 : memref<!tpu.dma_semaphore, #tpu.memory_space<semaphore_mem>>)
      %dma_wait3A_630 = arith.constant 0 : i32
      %dma_wait3A_631 = arith.constant 0 : i32
      %dma_wait3A_632 = arith.constant 0 : i32
      %dma_wait3A_633 = tpu.memref_slice %arg6[%dma_wait3A_630, %dma_wait3A_631, %dma_wait3A_632] : memref<3x200x128xf32, #tpu.memory_space<vmem>> -> memref<1x128x128xf32, #tpu.memory_space<vmem>>
      %dma_wait3A_634 = tpu.memref_squeeze %dma_wait3A_633 : memref<1x128x128xf32, #tpu.memory_space<vmem>> -> memref<128x128xf32, #tpu.memory_space<vmem>>
      %dma_wait3A_635 = arith.constant 0 : i32
      %dma_wait3A_636 = tpu.memref_slice %arg5[%add3A_587, %dma_wait3A_635] : memref<128x200xi32, #tpu.memory_space<vmem>> -> memref<1x128xi32, #tpu.memory_space<vmem>>
      %dma_wait3A_637 = tpu.memref_squeeze %dma_wait3A_636 : memref<1x128xi32, #tpu.memory_space<vmem>> -> memref<128xi32, #tpu.memory_space<vmem>>
      %dma_wait3A_638 = arith.constant 0 : i32
      %dma_wait3A_639 = arith.constant 0 : i32
      %dma_wait3A_640 = tpu.memref_slice %arg3[%dma_wait3A_638, %dma_wait3A_639] : memref<100000x128xf32, #tpu.memory_space<hbm>> -> memref<100000x128xf32, #tpu.memory_space<hbm>>
      tpu.wait_indirect_dma semaphore(%arg7 : memref<!tpu.dma_semaphore, #tpu.memory_space<semaphore_mem>>) src(%dma_wait3A_640 : memref<100000x128xf32, #tpu.memory_space<hbm>>) dst(%dma_wait3A_634 : memref<128x128xf32, #tpu.memory_space<vmem>>)
      %dma_wait3A_641 = arith.constant 0 : i32
      %dma_wait3A_642 = arith.constant 128 : i32
      %dma_wait3A_643 = arith.constant 0 : i32
      %dma_wait3A_644 = tpu.memref_slice %arg6[%dma_wait3A_641, %dma_wait3A_642, %dma_wait3A_643] : memref<3x200x128xf32, #tpu.memory_space<vmem>> -> memref<1x72x128xf32, #tpu.memory_space<vmem>>
      %dma_wait3A_645 = tpu.memref_squeeze %dma_wait3A_644 : memref<1x72x128xf32, #tpu.memory_space<vmem>> -> memref<72x128xf32, #tpu.memory_space<vmem>>
      %dma_wait3A_646 = arith.constant 128 : i32
      %dma_wait3A_647 = tpu.memref_slice %arg5[%add3A_587, %dma_wait3A_646] : memref<128x200xi32, #tpu.memory_space<vmem>> -> memref<1x72xi32, #tpu.memory_space<vmem>>
      %dma_wait3A_648 = tpu.memref_squeeze %dma_wait3A_647 : memref<1x72xi32, #tpu.memory_space<vmem>> -> memref<72xi32, #tpu.memory_space<vmem>>
      %dma_wait3A_649 = arith.constant 0 : i32
      %dma_wait3A_650 = arith.constant 0 : i32
      %dma_wait3A_651 = tpu.memref_slice %arg3[%dma_wait3A_649, %dma_wait3A_650] : memref<100000x128xf32, #tpu.memory_space<hbm>> -> memref<100000x128xf32, #tpu.memory_space<hbm>>
      tpu.wait_indirect_dma semaphore(%arg7 : memref<!tpu.dma_semaphore, #tpu.memory_space<semaphore_mem>>) src(%dma_wait3A_651 : memref<100000x128xf32, #tpu.memory_space<hbm>>) dst(%dma_wait3A_645 : memref<72x128xf32, #tpu.memory_space<vmem>>)
      %parallel_loop3A_652 = arith.constant 0 : i32
      %parallel_loop3A_653 = arith.constant 200 : i32
      %parallel_loop3A_654 = arith.constant 1 : i32
      scf.for %parallel_loop3A_671 = %parallel_loop3A_652 to %parallel_loop3A_653 step %parallel_loop3A_654  : i32 {
        %parallel_loop3A_672 = arith.constant 0 : i32
        %parallel_loop3A_673 = arith.index_cast %parallel_loop3A_672 : i32 to index
        %parallel_loop3A_674 = arith.index_cast %parallel_loop3A_671 : i32 to index
        %parallel_loop3A_675 = arith.constant 0 : index
        %parallel_loop3A_676 = tpu.vector_load %arg6[%parallel_loop3A_673, %parallel_loop3A_674, %parallel_loop3A_675] {strides = array<i32>} : memref<3x200x128xf32, #tpu.memory_space<vmem>>, vector<1x1x16xf32>,
        %parallel_loop3A_677 = vector.shape_cast %parallel_loop3A_676 : vector<1x1x16xf32> to vector<16xf32>
        %parallel_loop3A_678 = arith.constant 11.3137083 : f32
        %parallel_loop3A_679 = vector.broadcast %parallel_loop3A_678 : f32 to vector<16xf32>
        %parallel_loop3A_680 = arith.mulf %parallel_loop3A_677, %parallel_loop3A_679 : vector<16xf32>
        %parallel_loop3A_681 = arith.constant 0 : i32
        %parallel_loop3A_682 = arith.index_cast %parallel_loop3A_681 : i32 to index
        %parallel_loop3A_683 = arith.index_cast %parallel_loop3A_671 : i32 to index
        %parallel_loop3A_684 = arith.constant 0 : index
        %parallel_loop3A_685 = tpu.vector_load %arg6[%parallel_loop3A_682, %parallel_loop3A_683, %parallel_loop3A_684] {strides = array<i32>} : memref<3x200x128xf32, #tpu.memory_space<vmem>>, vector<1x1x16xf32>,
        %parallel_loop3A_686 = vector.shape_cast %parallel_loop3A_685 : vector<1x1x16xf32> to vector<16xf32>
        %parallel_loop3A_687 = vector.shape_cast %parallel_loop3A_680 : vector<16xf32> to vector<1x1x16xf32>
        tpu.vector_store %arg6[%parallel_loop3A_682, %parallel_loop3A_683, %parallel_loop3A_684], %parallel_loop3A_687 {strides = array<i32>} : memref<3x200x128xf32, #tpu.memory_space<vmem>>, vector<1x1x16xf32>,
        %parallel_loop3A_688 = arith.constant 0 : i32
        %parallel_loop3A_689 = arith.index_cast %parallel_loop3A_688 : i32 to index
        %parallel_loop3A_690 = arith.index_cast %parallel_loop3A_671 : i32 to index
        %parallel_loop3A_691 = arith.constant 16 : index
        %parallel_loop3A_692 = tpu.vector_load %arg6[%parallel_loop3A_689, %parallel_loop3A_690, %parallel_loop3A_691] {strides = array<i32>} : memref<3x200x128xf32, #tpu.memory_space<vmem>>, vector<1x1x16xf32>,
        %parallel_loop3A_693 = vector.shape_cast %parallel_loop3A_692 : vector<1x1x16xf32> to vector<16xf32>
        %parallel_loop3A_694 = arith.constant 11.3137083 : f32
        %parallel_loop3A_695 = vector.broadcast %parallel_loop3A_694 : f32 to vector<16xf32>
        %parallel_loop3A_696 = arith.mulf %parallel_loop3A_693, %parallel_loop3A_695 : vector<16xf32>
        %parallel_loop3A_697 = arith.constant 0 : i32
        %parallel_loop3A_698 = arith.index_cast %parallel_loop3A_697 : i32 to index
        %parallel_loop3A_699 = arith.index_cast %parallel_loop3A_671 : i32 to index
        %parallel_loop3A_700 = arith.constant 16 : index
        %parallel_loop3A_701 = tpu.vector_load %arg6[%parallel_loop3A_698, %parallel_loop3A_699, %parallel_loop3A_700] {strides = array<i32>} : memref<3x200x128xf32, #tpu.memory_space<vmem>>, vector<1x1x16xf32>,
        %parallel_loop3A_702 = vector.shape_cast %parallel_loop3A_701 : vector<1x1x16xf32> to vector<16xf32>
        %parallel_loop3A_703 = vector.shape_cast %parallel_loop3A_696 : vector<16xf32> to vector<1x1x16xf32>
        tpu.vector_store %arg6[%parallel_loop3A_698, %parallel_loop3A_699, %parallel_loop3A_700], %parallel_loop3A_703 {strides = array<i32>} : memref<3x200x128xf32, #tpu.memory_space<vmem>>, vector<1x1x16xf32>,
        %parallel_loop3A_704 = arith.constant 0 : i32
        %parallel_loop3A_705 = arith.index_cast %parallel_loop3A_704 : i32 to index
        %parallel_loop3A_706 = arith.index_cast %parallel_loop3A_671 : i32 to index
        %parallel_loop3A_707 = arith.constant 32 : index
        %parallel_loop3A_708 = tpu.vector_load %arg6[%parallel_loop3A_705, %parallel_loop3A_706, %parallel_loop3A_707] {strides = array<i32>} : memref<3x200x128xf32, #tpu.memory_space<vmem>>, vector<1x1x16xf32>,
        %parallel_loop3A_709 = vector.shape_cast %parallel_loop3A_708 : vector<1x1x16xf32> to vector<16xf32>
        %parallel_loop3A_710 = arith.constant 11.3137083 : f32
        %parallel_loop3A_711 = vector.broadcast %parallel_loop3A_710 : f32 to vector<16xf32>
        %parallel_loop3A_712 = arith.mulf %parallel_loop3A_709, %parallel_loop3A_711 : vector<16xf32>
        %parallel_loop3A_713 = arith.constant 0 : i32
        %parallel_loop3A_714 = arith.index_cast %parallel_loop3A_713 : i32 to index
        %parallel_loop3A_715 = arith.index_cast %parallel_loop3A_671 : i32 to index
        %parallel_loop3A_716 = arith.constant 32 : index
        %parallel_loop3A_717 = tpu.vector_load %arg6[%parallel_loop3A_714, %parallel_loop3A_715, %parallel_loop3A_716] {strides = array<i32>} : memref<3x200x128xf32, #tpu.memory_space<vmem>>, vector<1x1x16xf32>,
        %parallel_loop3A_718 = vector.shape_cast %parallel_loop3A_717 : vector<1x1x16xf32> to vector<16xf32>
        %parallel_loop3A_719 = vector.shape_cast %parallel_loop3A_712 : vector<16xf32> to vector<1x1x16xf32>
        tpu.vector_store %arg6[%parallel_loop3A_714, %parallel_loop3A_715, %parallel_loop3A_716], %parallel_loop3A_719 {strides = array<i32>} : memref<3x200x128xf32, #tpu.memory_space<vmem>>, vector<1x1x16xf32>,
        %parallel_loop3A_720 = arith.constant 0 : i32
        %parallel_loop3A_721 = arith.index_cast %parallel_loop3A_720 : i32 to index
        %parallel_loop3A_722 = arith.index_cast %parallel_loop3A_671 : i32 to index
        %parallel_loop3A_723 = arith.constant 48 : index
        %parallel_loop3A_724 = tpu.vector_load %arg6[%parallel_loop3A_721, %parallel_loop3A_722, %parallel_loop3A_723] {strides = array<i32>} : memref<3x200x128xf32, #tpu.memory_space<vmem>>, vector<1x1x16xf32>,
        %parallel_loop3A_725 = vector.shape_cast %parallel_loop3A_724 : vector<1x1x16xf32> to vector<16xf32>
        %parallel_loop3A_726 = arith.constant 11.3137083 : f32
        %parallel_loop3A_727 = vector.broadcast %parallel_loop3A_726 : f32 to vector<16xf32>
        %parallel_loop3A_728 = arith.mulf %parallel_loop3A_725, %parallel_loop3A_727 : vector<16xf32>
        %parallel_loop3A_729 = arith.constant 0 : i32
        %parallel_loop3A_730 = arith.index_cast %parallel_loop3A_729 : i32 to index
        %parallel_loop3A_731 = arith.index_cast %parallel_loop3A_671 : i32 to index
        %parallel_loop3A_732 = arith.constant 48 : index
        %parallel_loop3A_733 = tpu.vector_load %arg6[%parallel_loop3A_730, %parallel_loop3A_731, %parallel_loop3A_732] {strides = array<i32>} : memref<3x200x128xf32, #tpu.memory_space<vmem>>, vector<1x1x16xf32>,
        %parallel_loop3A_734 = vector.shape_cast %parallel_loop3A_733 : vector<1x1x16xf32> to vector<16xf32>
        %parallel_loop3A_735 = vector.shape_cast %parallel_loop3A_728 : vector<16xf32> to vector<1x1x16xf32>
        tpu.vector_store %arg6[%parallel_loop3A_730, %parallel_loop3A_731, %parallel_loop3A_732], %parallel_loop3A_735 {strides = array<i32>} : memref<3x200x128xf32, #tpu.memory_space<vmem>>, vector<1x1x16xf32>,
        %parallel_loop3A_736 = arith.constant 0 : i32
        %parallel_loop3A_737 = arith.index_cast %parallel_loop3A_736 : i32 to index
        %parallel_loop3A_738 = arith.index_cast %parallel_loop3A_671 : i32 to index
        %parallel_loop3A_739 = arith.constant 64 : index
        %parallel_loop3A_740 = tpu.vector_load %arg6[%parallel_loop3A_737, %parallel_loop3A_738, %parallel_loop3A_739] {strides = array<i32>} : memref<3x200x128xf32, #tpu.memory_space<vmem>>, vector<1x1x16xf32>,
        %parallel_loop3A_741 = vector.shape_cast %parallel_loop3A_740 : vector<1x1x16xf32> to vector<16xf32>
        %parallel_loop3A_742 = arith.constant 11.3137083 : f32
        %parallel_loop3A_743 = vector.broadcast %parallel_loop3A_742 : f32 to vector<16xf32>
        %parallel_loop3A_744 = arith.mulf %parallel_loop3A_741, %parallel_loop3A_743 : vector<16xf32>
        %parallel_loop3A_745 = arith.constant 0 : i32
        %parallel_loop3A_746 = arith.index_cast %parallel_loop3A_745 : i32 to index
        %parallel_loop3A_747 = arith.index_cast %parallel_loop3A_671 : i32 to index
        %parallel_loop3A_748 = arith.constant 64 : index
        %parallel_loop3A_749 = tpu.vector_load %arg6[%parallel_loop3A_746, %parallel_loop3A_747, %parallel_loop3A_748] {strides = array<i32>} : memref<3x200x128xf32, #tpu.memory_space<vmem>>, vector<1x1x16xf32>,
        %parallel_loop3A_750 = vector.shape_cast %parallel_loop3A_749 : vector<1x1x16xf32> to vector<16xf32>
        %parallel_loop3A_751 = vector.shape_cast %parallel_loop3A_744 : vector<16xf32> to vector<1x1x16xf32>
        tpu.vector_store %arg6[%parallel_loop3A_746, %parallel_loop3A_747, %parallel_loop3A_748], %parallel_loop3A_751 {strides = array<i32>} : memref<3x200x128xf32, #tpu.memory_space<vmem>>, vector<1x1x16xf32>,
        %parallel_loop3A_752 = arith.constant 0 : i32
        %parallel_loop3A_753 = arith.index_cast %parallel_loop3A_752 : i32 to index
        %parallel_loop3A_754 = arith.index_cast %parallel_loop3A_671 : i32 to index
        %parallel_loop3A_755 = arith.constant 80 : index
        %parallel_loop3A_756 = tpu.vector_load %arg6[%parallel_loop3A_753, %parallel_loop3A_754, %parallel_loop3A_755] {strides = array<i32>} : memref<3x200x128xf32, #tpu.memory_space<vmem>>, vector<1x1x16xf32>,
        %parallel_loop3A_757 = vector.shape_cast %parallel_loop3A_756 : vector<1x1x16xf32> to vector<16xf32>
        %parallel_loop3A_758 = arith.constant 11.3137083 : f32
        %parallel_loop3A_759 = vector.broadcast %parallel_loop3A_758 : f32 to vector<16xf32>
        %parallel_loop3A_760 = arith.mulf %parallel_loop3A_757, %parallel_loop3A_759 : vector<16xf32>
        %parallel_loop3A_761 = arith.constant 0 : i32
        %parallel_loop3A_762 = arith.index_cast %parallel_loop3A_761 : i32 to index
        %parallel_loop3A_763 = arith.index_cast %parallel_loop3A_671 : i32 to index
        %parallel_loop3A_764 = arith.constant 80 : index
        %parallel_loop3A_765 = tpu.vector_load %arg6[%parallel_loop3A_762, %parallel_loop3A_763, %parallel_loop3A_764] {strides = array<i32>} : memref<3x200x128xf32, #tpu.memory_space<vmem>>, vector<1x1x16xf32>,
        %parallel_loop3A_766 = vector.shape_cast %parallel_loop3A_765 : vector<1x1x16xf32> to vector<16xf32>
        %parallel_loop3A_767 = vector.shape_cast %parallel_loop3A_760 : vector<16xf32> to vector<1x1x16xf32>
        tpu.vector_store %arg6[%parallel_loop3A_762, %parallel_loop3A_763, %parallel_loop3A_764], %parallel_loop3A_767 {strides = array<i32>} : memref<3x200x128xf32, #tpu.memory_space<vmem>>, vector<1x1x16xf32>,
        %parallel_loop3A_768 = arith.constant 0 : i32
        %parallel_loop3A_769 = arith.index_cast %parallel_loop3A_768 : i32 to index
        %parallel_loop3A_770 = arith.index_cast %parallel_loop3A_671 : i32 to index
        %parallel_loop3A_771 = arith.constant 96 : index
        %parallel_loop3A_772 = tpu.vector_load %arg6[%parallel_loop3A_769, %parallel_loop3A_770, %parallel_loop3A_771] {strides = array<i32>} : memref<3x200x128xf32, #tpu.memory_space<vmem>>, vector<1x1x16xf32>,
        %parallel_loop3A_773 = vector.shape_cast %parallel_loop3A_772 : vector<1x1x16xf32> to vector<16xf32>
        %parallel_loop3A_774 = arith.constant 11.3137083 : f32
        %parallel_loop3A_775 = vector.broadcast %parallel_loop3A_774 : f32 to vector<16xf32>
        %parallel_loop3A_776 = arith.mulf %parallel_loop3A_773, %parallel_loop3A_775 : vector<16xf32>
        %parallel_loop3A_777 = arith.constant 0 : i32
        %parallel_loop3A_778 = arith.index_cast %parallel_loop3A_777 : i32 to index
        %parallel_loop3A_779 = arith.index_cast %parallel_loop3A_671 : i32 to index
        %parallel_loop3A_780 = arith.constant 96 : index
        %parallel_loop3A_781 = tpu.vector_load %arg6[%parallel_loop3A_778, %parallel_loop3A_779, %parallel_loop3A_780] {strides = array<i32>} : memref<3x200x128xf32, #tpu.memory_space<vmem>>, vector<1x1x16xf32>,
        %parallel_loop3A_782 = vector.shape_cast %parallel_loop3A_781 : vector<1x1x16xf32> to vector<16xf32>
        %parallel_loop3A_783 = vector.shape_cast %parallel_loop3A_776 : vector<16xf32> to vector<1x1x16xf32>
        tpu.vector_store %arg6[%parallel_loop3A_778, %parallel_loop3A_779, %parallel_loop3A_780], %parallel_loop3A_783 {strides = array<i32>} : memref<3x200x128xf32, #tpu.memory_space<vmem>>, vector<1x1x16xf32>,
        %parallel_loop3A_784 = arith.constant 0 : i32
        %parallel_loop3A_785 = arith.index_cast %parallel_loop3A_784 : i32 to index
        %parallel_loop3A_786 = arith.index_cast %parallel_loop3A_671 : i32 to index
        %parallel_loop3A_787 = arith.constant 112 : index
        %parallel_loop3A_788 = tpu.vector_load %arg6[%parallel_loop3A_785, %parallel_loop3A_786, %parallel_loop3A_787] {strides = array<i32>} : memref<3x200x128xf32, #tpu.memory_space<vmem>>, vector<1x1x16xf32>,
        %parallel_loop3A_789 = vector.shape_cast %parallel_loop3A_788 : vector<1x1x16xf32> to vector<16xf32>
        %parallel_loop3A_790 = arith.constant 11.3137083 : f32
        %parallel_loop3A_791 = vector.broadcast %parallel_loop3A_790 : f32 to vector<16xf32>
        %parallel_loop3A_792 = arith.mulf %parallel_loop3A_789, %parallel_loop3A_791 : vector<16xf32>
        %parallel_loop3A_793 = arith.constant 0 : i32
        %parallel_loop3A_794 = arith.index_cast %parallel_loop3A_793 : i32 to index
        %parallel_loop3A_795 = arith.index_cast %parallel_loop3A_671 : i32 to index
        %parallel_loop3A_796 = arith.constant 112 : index
        %parallel_loop3A_797 = tpu.vector_load %arg6[%parallel_loop3A_794, %parallel_loop3A_795, %parallel_loop3A_796] {strides = array<i32>} : memref<3x200x128xf32, #tpu.memory_space<vmem>>, vector<1x1x16xf32>,
        %parallel_loop3A_798 = vector.shape_cast %parallel_loop3A_797 : vector<1x1x16xf32> to vector<16xf32>
        %parallel_loop3A_799 = vector.shape_cast %parallel_loop3A_792 : vector<16xf32> to vector<1x1x16xf32>
        tpu.vector_store %arg6[%parallel_loop3A_794, %parallel_loop3A_795, %parallel_loop3A_796], %parallel_loop3A_799 {strides = array<i32>} : memref<3x200x128xf32, #tpu.memory_space<vmem>>, vector<1x1x16xf32>,
      } {sc.loop_unroll_factor = 4 : i64, sc.parallel_access}
      %mul3A_655 = arith.constant 200 : i32
      %mul3A_656 = arith.muli %add3A_587, %mul3A_655 : i32
      %add3A_657 = arith.addi %mul3A_2, %mul3A_656 : i32
      %dma_start3A_658 = arith.constant 0 : i32
      %dma_start3A_659 = arith.constant 0 : i32
      %dma_start3A_660 = arith.constant 0 : i32
      %dma_start3A_661 = tpu.memref_slice %arg6[%dma_start3A_658, %dma_start3A_659, %dma_start3A_660] : memref<3x200x128xf32, #tpu.memory_space<vmem>> -> memref<1x200x128xf32, #tpu.memory_space<vmem>>
      %dma_start3A_662 = tpu.memref_squeeze %dma_start3A_661 : memref<1x200x128xf32, #tpu.memory_space<vmem>> -> memref<200x128xf32, #tpu.memory_space<vmem>>
      %dma_start3A_663 = arith.constant 0 : i32
      %dma_start3A_664 = tpu.memref_slice %arg4[%add3A_657, %dma_start3A_663] : memref<819200x128xf32, #tpu.memory_space<hbm>> -> memref<200x128xf32, #tpu.memory_space<hbm>>
      %dma_start3A_665 = arith.constant 0 : i32
      %dma_start3A_666 = tpu.memref_slice %arg4[%add3A_657, %dma_start3A_665] : memref<819200x128xf32, #tpu.memory_space<hbm>> -> memref<200x128xf32, #tpu.memory_space<hbm>>
      %dma_start3A_667 = arith.constant 0 : i32
      %dma_start3A_668 = arith.constant 0 : i32
      %dma_start3A_669 = tpu.memref_slice %arg6[%dma_start3A_658, %dma_start3A_667, %dma_start3A_668] : memref<3x200x128xf32, #tpu.memory_space<vmem>> -> memref<1x200x128xf32, #tpu.memory_space<vmem>>
      %dma_start3A_670 = tpu.memref_squeeze %dma_start3A_669 : memref<1x200x128xf32, #tpu.memory_space<vmem>> -> memref<200x128xf32, #tpu.memory_space<vmem>>
      tpu.enqueue_dma source(%dma_start3A_670 : memref<200x128xf32, #tpu.memory_space<vmem>>) target(%dma_start3A_666 : memref<200x128xf32, #tpu.memory_space<hbm>>) target_semaphore(%arg10 : memref<!tpu.dma_semaphore, #tpu.memory_space<semaphore_mem>>)
    }
    %scan3A_120 = arith.constant 41 : i32
    %add3A_121 = arith.constant 24600 : i32
    %add3A_122 = arith.addi %mul3A_2, %add3A_121 : i32
    %dma_wait3A_123 = arith.constant 0 : i32
    %dma_wait3A_124 = arith.constant 0 : i32
    %dma_wait3A_125 = arith.constant 0 : i32
    %dma_wait3A_126 = tpu.memref_slice %arg6[%dma_wait3A_123, %dma_wait3A_124, %dma_wait3A_125] : memref<3x200x128xf32, #tpu.memory_space<vmem>> -> memref<1x200x128xf32, #tpu.memory_space<vmem>>
    %dma_wait3A_127 = tpu.memref_squeeze %dma_wait3A_126 : memref<1x200x128xf32, #tpu.memory_space<vmem>> -> memref<200x128xf32, #tpu.memory_space<vmem>>
    %dma_wait3A_128 = arith.constant 0 : i32
    %dma_wait3A_129 = tpu.memref_slice %arg4[%add3A_122, %dma_wait3A_128] : memref<819200x128xf32, #tpu.memory_space<hbm>> -> memref<200x128xf32, #tpu.memory_space<hbm>>
    %dma_wait3A_130 = arith.constant 0 : i32
    %dma_wait3A_131 = tpu.memref_slice %arg4[%add3A_122, %dma_wait3A_130] : memref<819200x128xf32, #tpu.memory_space<hbm>> -> memref<200x128xf32, #tpu.memory_space<hbm>>
    %dma_wait3A_132 = arith.constant 0 : i32
    %dma_wait3A_133 = arith.constant 0 : i32
    %dma_wait3A_134 = tpu.memref_slice %arg6[%dma_wait3A_123, %dma_wait3A_132, %dma_wait3A_133] : memref<3x200x128xf32, #tpu.memory_space<vmem>> -> memref<1x200x128xf32, #tpu.memory_space<vmem>>
    %dma_wait3A_135 = tpu.memref_squeeze %dma_wait3A_134 : memref<1x200x128xf32, #tpu.memory_space<vmem>> -> memref<200x128xf32, #tpu.memory_space<vmem>>
    tpu.wait_dma2 semaphore(%arg10 : memref<!tpu.dma_semaphore, #tpu.memory_space<semaphore_mem>>) src(%dma_wait3A_135 : memref<200x128xf32, #tpu.memory_space<vmem>>) dst(%dma_wait3A_131 : memref<200x128xf32, #tpu.memory_space<hbm>>)
    %dma_start3A_136 = arith.constant 126 : i32
    %dma_start3A_137 = arith.constant 0 : i32
    %dma_start3A_138 = arith.constant 0 : i32
    %dma_start3A_139 = arith.constant 0 : i32
    %dma_start3A_140 = tpu.memref_slice %arg6[%dma_start3A_137, %dma_start3A_138, %dma_start3A_139] : memref<3x200x128xf32, #tpu.memory_space<vmem>> -> memref<1x128x128xf32, #tpu.memory_space<vmem>>
    %dma_start3A_141 = tpu.memref_squeeze %dma_start3A_140 : memref<1x128x128xf32, #tpu.memory_space<vmem>> -> memref<128x128xf32, #tpu.memory_space<vmem>>
    %dma_start3A_142 = arith.constant 0 : i32
    %dma_start3A_143 = tpu.memref_slice %arg5[%dma_start3A_136, %dma_start3A_142] : memref<128x200xi32, #tpu.memory_space<vmem>> -> memref<1x128xi32, #tpu.memory_space<vmem>>
    %dma_start3A_144 = tpu.memref_squeeze %dma_start3A_143 : memref<1x128xi32, #tpu.memory_space<vmem>> -> memref<128xi32, #tpu.memory_space<vmem>>
    %dma_start3A_145 = arith.constant 0 : i32
    %dma_start3A_146 = arith.constant 0 : i32
    %dma_start3A_147 = tpu.memref_slice %arg3[%dma_start3A_145, %dma_start3A_146] : memref<100000x128xf32, #tpu.memory_space<hbm>> -> memref<100000x128xf32, #tpu.memory_space<hbm>>
    tpu.enqueue_indirect_dma source(%dma_start3A_147 : memref<100000x128xf32, #tpu.memory_space<hbm>>) target(%dma_start3A_141 : memref<128x128xf32, #tpu.memory_space<vmem>>) offsets(%dma_start3A_144 : memref<128xi32, #tpu.memory_space<vmem>>) semaphore(%arg7 : memref<!tpu.dma_semaphore, #tpu.memory_space<semaphore_mem>>)
    %dma_start3A_148 = arith.constant 126 : i32
    %dma_start3A_149 = arith.constant 0 : i32
    %dma_start3A_150 = arith.constant 128 : i32
    %dma_start3A_151 = arith.constant 0 : i32
    %dma_start3A_152 = tpu.memref_slice %arg6[%dma_start3A_149, %dma_start3A_150, %dma_start3A_151] : memref<3x200x128xf32, #tpu.memory_space<vmem>> -> memref<1x72x128xf32, #tpu.memory_space<vmem>>
    %dma_start3A_153 = tpu.memref_squeeze %dma_start3A_152 : memref<1x72x128xf32, #tpu.memory_space<vmem>> -> memref<72x128xf32, #tpu.memory_space<vmem>>
    %dma_start3A_154 = arith.constant 128 : i32
    %dma_start3A_155 = tpu.memref_slice %arg5[%dma_start3A_148, %dma_start3A_154] : memref<128x200xi32, #tpu.memory_space<vmem>> -> memref<1x72xi32, #tpu.memory_space<vmem>>
    %dma_start3A_156 = tpu.memref_squeeze %dma_start3A_155 : memref<1x72xi32, #tpu.memory_space<vmem>> -> memref<72xi32, #tpu.memory_space<vmem>>
    %dma_start3A_157 = arith.constant 0 : i32
    %dma_start3A_158 = arith.constant 0 : i32
    %dma_start3A_159 = tpu.memref_slice %arg3[%dma_start3A_157, %dma_start3A_158] : memref<100000x128xf32, #tpu.memory_space<hbm>> -> memref<100000x128xf32, #tpu.memory_space<hbm>>
    tpu.enqueue_indirect_dma source(%dma_start3A_159 : memref<100000x128xf32, #tpu.memory_space<hbm>>) target(%dma_start3A_153 : memref<72x128xf32, #tpu.memory_space<vmem>>) offsets(%dma_start3A_156 : memref<72xi32, #tpu.memory_space<vmem>>) semaphore(%arg7 : memref<!tpu.dma_semaphore, #tpu.memory_space<semaphore_mem>>)
    %dma_wait3A_160 = arith.constant 124 : i32
    %dma_wait3A_161 = arith.constant 1 : i32
    %dma_wait3A_162 = arith.constant 0 : i32
    %dma_wait3A_163 = arith.constant 0 : i32
    %dma_wait3A_164 = tpu.memref_slice %arg6[%dma_wait3A_161, %dma_wait3A_162, %dma_wait3A_163] : memref<3x200x128xf32, #tpu.memory_space<vmem>> -> memref<1x128x128xf32, #tpu.memory_space<vmem>>
    %dma_wait3A_165 = tpu.memref_squeeze %dma_wait3A_164 : memref<1x128x128xf32, #tpu.memory_space<vmem>> -> memref<128x128xf32, #tpu.memory_space<vmem>>
    %dma_wait3A_166 = arith.constant 0 : i32
    %dma_wait3A_167 = tpu.memref_slice %arg5[%dma_wait3A_160, %dma_wait3A_166] : memref<128x200xi32, #tpu.memory_space<vmem>> -> memref<1x128xi32, #tpu.memory_space<vmem>>
    %dma_wait3A_168 = tpu.memref_squeeze %dma_wait3A_167 : memref<1x128xi32, #tpu.memory_space<vmem>> -> memref<128xi32, #tpu.memory_space<vmem>>
    %dma_wait3A_169 = arith.constant 0 : i32
    %dma_wait3A_170 = arith.constant 0 : i32
    %dma_wait3A_171 = tpu.memref_slice %arg3[%dma_wait3A_169, %dma_wait3A_170] : memref<100000x128xf32, #tpu.memory_space<hbm>> -> memref<100000x128xf32, #tpu.memory_space<hbm>>
    tpu.wait_indirect_dma semaphore(%arg8 : memref<!tpu.dma_semaphore, #tpu.memory_space<semaphore_mem>>) src(%dma_wait3A_171 : memref<100000x128xf32, #tpu.memory_space<hbm>>) dst(%dma_wait3A_165 : memref<128x128xf32, #tpu.memory_space<vmem>>)
    %dma_wait3A_172 = arith.constant 124 : i32
    %dma_wait3A_173 = arith.constant 1 : i32
    %dma_wait3A_174 = arith.constant 128 : i32
    %dma_wait3A_175 = arith.constant 0 : i32
    %dma_wait3A_176 = tpu.memref_slice %arg6[%dma_wait3A_173, %dma_wait3A_174, %dma_wait3A_175] : memref<3x200x128xf32, #tpu.memory_space<vmem>> -> memref<1x72x128xf32, #tpu.memory_space<vmem>>
    %dma_wait3A_177 = tpu.memref_squeeze %dma_wait3A_176 : memref<1x72x128xf32, #tpu.memory_space<vmem>> -> memref<72x128xf32, #tpu.memory_space<vmem>>
    %dma_wait3A_178 = arith.constant 128 : i32
    %dma_wait3A_179 = tpu.memref_slice %arg5[%dma_wait3A_172, %dma_wait3A_178] : memref<128x200xi32, #tpu.memory_space<vmem>> -> memref<1x72xi32, #tpu.memory_space<vmem>>
    %dma_wait3A_180 = tpu.memref_squeeze %dma_wait3A_179 : memref<1x72xi32, #tpu.memory_space<vmem>> -> memref<72xi32, #tpu.memory_space<vmem>>
    %dma_wait3A_181 = arith.constant 0 : i32
    %dma_wait3A_182 = arith.constant 0 : i32
    %dma_wait3A_183 = tpu.memref_slice %arg3[%dma_wait3A_181, %dma_wait3A_182] : memref<100000x128xf32, #tpu.memory_space<hbm>> -> memref<100000x128xf32, #tpu.memory_space<hbm>>
    tpu.wait_indirect_dma semaphore(%arg8 : memref<!tpu.dma_semaphore, #tpu.memory_space<semaphore_mem>>) src(%dma_wait3A_183 : memref<100000x128xf32, #tpu.memory_space<hbm>>) dst(%dma_wait3A_177 : memref<72x128xf32, #tpu.memory_space<vmem>>)
    %parallel_loop3A_184 = arith.constant 0 : i32
    %parallel_loop3A_185 = arith.constant 200 : i32
    %parallel_loop3A_186 = arith.constant 1 : i32
    scf.for %parallel_loop3A_412 = %parallel_loop3A_184 to %parallel_loop3A_185 step %parallel_loop3A_186  : i32 {
      %parallel_loop3A_413 = arith.constant 1 : i32
      %parallel_loop3A_414 = arith.index_cast %parallel_loop3A_413 : i32 to index
      %parallel_loop3A_415 = arith.index_cast %parallel_loop3A_412 : i32 to index
      %parallel_loop3A_416 = arith.constant 0 : index
      %parallel_loop3A_417 = tpu.vector_load %arg6[%parallel_loop3A_414, %parallel_loop3A_415, %parallel_loop3A_416] {strides = array<i32>} : memref<3x200x128xf32, #tpu.memory_space<vmem>>, vector<1x1x16xf32>,
      %parallel_loop3A_418 = vector.shape_cast %parallel_loop3A_417 : vector<1x1x16xf32> to vector<16xf32>
      %parallel_loop3A_419 = arith.constant 11.3137083 : f32
      %parallel_loop3A_420 = vector.broadcast %parallel_loop3A_419 : f32 to vector<16xf32>
      %parallel_loop3A_421 = arith.mulf %parallel_loop3A_418, %parallel_loop3A_420 : vector<16xf32>
      %parallel_loop3A_422 = arith.constant 1 : i32
      %parallel_loop3A_423 = arith.index_cast %parallel_loop3A_422 : i32 to index
      %parallel_loop3A_424 = arith.index_cast %parallel_loop3A_412 : i32 to index
      %parallel_loop3A_425 = arith.constant 0 : index
      %parallel_loop3A_426 = tpu.vector_load %arg6[%parallel_loop3A_423, %parallel_loop3A_424, %parallel_loop3A_425] {strides = array<i32>} : memref<3x200x128xf32, #tpu.memory_space<vmem>>, vector<1x1x16xf32>,
      %parallel_loop3A_427 = vector.shape_cast %parallel_loop3A_426 : vector<1x1x16xf32> to vector<16xf32>
      %parallel_loop3A_428 = vector.shape_cast %parallel_loop3A_421 : vector<16xf32> to vector<1x1x16xf32>
      tpu.vector_store %arg6[%parallel_loop3A_423, %parallel_loop3A_424, %parallel_loop3A_425], %parallel_loop3A_428 {strides = array<i32>} : memref<3x200x128xf32, #tpu.memory_space<vmem>>, vector<1x1x16xf32>,
      %parallel_loop3A_429 = arith.constant 1 : i32
      %parallel_loop3A_430 = arith.index_cast %parallel_loop3A_429 : i32 to index
      %parallel_loop3A_431 = arith.index_cast %parallel_loop3A_412 : i32 to index
      %parallel_loop3A_432 = arith.constant 16 : index
      %parallel_loop3A_433 = tpu.vector_load %arg6[%parallel_loop3A_430, %parallel_loop3A_431, %parallel_loop3A_432] {strides = array<i32>} : memref<3x200x128xf32, #tpu.memory_space<vmem>>, vector<1x1x16xf32>,
      %parallel_loop3A_434 = vector.shape_cast %parallel_loop3A_433 : vector<1x1x16xf32> to vector<16xf32>
      %parallel_loop3A_435 = arith.constant 11.3137083 : f32
      %parallel_loop3A_436 = vector.broadcast %parallel_loop3A_435 : f32 to vector<16xf32>
      %parallel_loop3A_437 = arith.mulf %parallel_loop3A_434, %parallel_loop3A_436 : vector<16xf32>
      %parallel_loop3A_438 = arith.constant 1 : i32
      %parallel_loop3A_439 = arith.index_cast %parallel_loop3A_438 : i32 to index
      %parallel_loop3A_440 = arith.index_cast %parallel_loop3A_412 : i32 to index
      %parallel_loop3A_441 = arith.constant 16 : index
      %parallel_loop3A_442 = tpu.vector_load %arg6[%parallel_loop3A_439, %parallel_loop3A_440, %parallel_loop3A_441] {strides = array<i32>} : memref<3x200x128xf32, #tpu.memory_space<vmem>>, vector<1x1x16xf32>,
      %parallel_loop3A_443 = vector.shape_cast %parallel_loop3A_442 : vector<1x1x16xf32> to vector<16xf32>
      %parallel_loop3A_444 = vector.shape_cast %parallel_loop3A_437 : vector<16xf32> to vector<1x1x16xf32>
      tpu.vector_store %arg6[%parallel_loop3A_439, %parallel_loop3A_440, %parallel_loop3A_441], %parallel_loop3A_444 {strides = array<i32>} : memref<3x200x128xf32, #tpu.memory_space<vmem>>, vector<1x1x16xf32>,
      %parallel_loop3A_445 = arith.constant 1 : i32
      %parallel_loop3A_446 = arith.index_cast %parallel_loop3A_445 : i32 to index
      %parallel_loop3A_447 = arith.index_cast %parallel_loop3A_412 : i32 to index
      %parallel_loop3A_448 = arith.constant 32 : index
      %parallel_loop3A_449 = tpu.vector_load %arg6[%parallel_loop3A_446, %parallel_loop3A_447, %parallel_loop3A_448] {strides = array<i32>} : memref<3x200x128xf32, #tpu.memory_space<vmem>>, vector<1x1x16xf32>,
      %parallel_loop3A_450 = vector.shape_cast %parallel_loop3A_449 : vector<1x1x16xf32> to vector<16xf32>
      %parallel_loop3A_451 = arith.constant 11.3137083 : f32
      %parallel_loop3A_452 = vector.broadcast %parallel_loop3A_451 : f32 to vector<16xf32>
      %parallel_loop3A_453 = arith.mulf %parallel_loop3A_450, %parallel_loop3A_452 : vector<16xf32>
      %parallel_loop3A_454 = arith.constant 1 : i32
      %parallel_loop3A_455 = arith.index_cast %parallel_loop3A_454 : i32 to index
      %parallel_loop3A_456 = arith.index_cast %parallel_loop3A_412 : i32 to index
      %parallel_loop3A_457 = arith.constant 32 : index
      %parallel_loop3A_458 = tpu.vector_load %arg6[%parallel_loop3A_455, %parallel_loop3A_456, %parallel_loop3A_457] {strides = array<i32>} : memref<3x200x128xf32, #tpu.memory_space<vmem>>, vector<1x1x16xf32>,
      %parallel_loop3A_459 = vector.shape_cast %parallel_loop3A_458 : vector<1x1x16xf32> to vector<16xf32>
      %parallel_loop3A_460 = vector.shape_cast %parallel_loop3A_453 : vector<16xf32> to vector<1x1x16xf32>
      tpu.vector_store %arg6[%parallel_loop3A_455, %parallel_loop3A_456, %parallel_loop3A_457], %parallel_loop3A_460 {strides = array<i32>} : memref<3x200x128xf32, #tpu.memory_space<vmem>>, vector<1x1x16xf32>,
      %parallel_loop3A_461 = arith.constant 1 : i32
      %parallel_loop3A_462 = arith.index_cast %parallel_loop3A_461 : i32 to index
      %parallel_loop3A_463 = arith.index_cast %parallel_loop3A_412 : i32 to index
      %parallel_loop3A_464 = arith.constant 48 : index
      %parallel_loop3A_465 = tpu.vector_load %arg6[%parallel_loop3A_462, %parallel_loop3A_463, %parallel_loop3A_464] {strides = array<i32>} : memref<3x200x128xf32, #tpu.memory_space<vmem>>, vector<1x1x16xf32>,
      %parallel_loop3A_466 = vector.shape_cast %parallel_loop3A_465 : vector<1x1x16xf32> to vector<16xf32>
      %parallel_loop3A_467 = arith.constant 11.3137083 : f32
      %parallel_loop3A_468 = vector.broadcast %parallel_loop3A_467 : f32 to vector<16xf32>
      %parallel_loop3A_469 = arith.mulf %parallel_loop3A_466, %parallel_loop3A_468 : vector<16xf32>
      %parallel_loop3A_470 = arith.constant 1 : i32
      %parallel_loop3A_471 = arith.index_cast %parallel_loop3A_470 : i32 to index
      %parallel_loop3A_472 = arith.index_cast %parallel_loop3A_412 : i32 to index
      %parallel_loop3A_473 = arith.constant 48 : index
      %parallel_loop3A_474 = tpu.vector_load %arg6[%parallel_loop3A_471, %parallel_loop3A_472, %parallel_loop3A_473] {strides = array<i32>} : memref<3x200x128xf32, #tpu.memory_space<vmem>>, vector<1x1x16xf32>,
      %parallel_loop3A_475 = vector.shape_cast %parallel_loop3A_474 : vector<1x1x16xf32> to vector<16xf32>
      %parallel_loop3A_476 = vector.shape_cast %parallel_loop3A_469 : vector<16xf32> to vector<1x1x16xf32>
      tpu.vector_store %arg6[%parallel_loop3A_471, %parallel_loop3A_472, %parallel_loop3A_473], %parallel_loop3A_476 {strides = array<i32>} : memref<3x200x128xf32, #tpu.memory_space<vmem>>, vector<1x1x16xf32>,
      %parallel_loop3A_477 = arith.constant 1 : i32
      %parallel_loop3A_478 = arith.index_cast %parallel_loop3A_477 : i32 to index
      %parallel_loop3A_479 = arith.index_cast %parallel_loop3A_412 : i32 to index
      %parallel_loop3A_480 = arith.constant 64 : index
      %parallel_loop3A_481 = tpu.vector_load %arg6[%parallel_loop3A_478, %parallel_loop3A_479, %parallel_loop3A_480] {strides = array<i32>} : memref<3x200x128xf32, #tpu.memory_space<vmem>>, vector<1x1x16xf32>,
      %parallel_loop3A_482 = vector.shape_cast %parallel_loop3A_481 : vector<1x1x16xf32> to vector<16xf32>
      %parallel_loop3A_483 = arith.constant 11.3137083 : f32
      %parallel_loop3A_484 = vector.broadcast %parallel_loop3A_483 : f32 to vector<16xf32>
      %parallel_loop3A_485 = arith.mulf %parallel_loop3A_482, %parallel_loop3A_484 : vector<16xf32>
      %parallel_loop3A_486 = arith.constant 1 : i32
      %parallel_loop3A_487 = arith.index_cast %parallel_loop3A_486 : i32 to index
      %parallel_loop3A_488 = arith.index_cast %parallel_loop3A_412 : i32 to index
      %parallel_loop3A_489 = arith.constant 64 : index
      %parallel_loop3A_490 = tpu.vector_load %arg6[%parallel_loop3A_487, %parallel_loop3A_488, %parallel_loop3A_489] {strides = array<i32>} : memref<3x200x128xf32, #tpu.memory_space<vmem>>, vector<1x1x16xf32>,
      %parallel_loop3A_491 = vector.shape_cast %parallel_loop3A_490 : vector<1x1x16xf32> to vector<16xf32>
      %parallel_loop3A_492 = vector.shape_cast %parallel_loop3A_485 : vector<16xf32> to vector<1x1x16xf32>
      tpu.vector_store %arg6[%parallel_loop3A_487, %parallel_loop3A_488, %parallel_loop3A_489], %parallel_loop3A_492 {strides = array<i32>} : memref<3x200x128xf32, #tpu.memory_space<vmem>>, vector<1x1x16xf32>,
      %parallel_loop3A_493 = arith.constant 1 : i32
      %parallel_loop3A_494 = arith.index_cast %parallel_loop3A_493 : i32 to index
      %parallel_loop3A_495 = arith.index_cast %parallel_loop3A_412 : i32 to index
      %parallel_loop3A_496 = arith.constant 80 : index
      %parallel_loop3A_497 = tpu.vector_load %arg6[%parallel_loop3A_494, %parallel_loop3A_495, %parallel_loop3A_496] {strides = array<i32>} : memref<3x200x128xf32, #tpu.memory_space<vmem>>, vector<1x1x16xf32>,
      %parallel_loop3A_498 = vector.shape_cast %parallel_loop3A_497 : vector<1x1x16xf32> to vector<16xf32>
      %parallel_loop3A_499 = arith.constant 11.3137083 : f32
      %parallel_loop3A_500 = vector.broadcast %parallel_loop3A_499 : f32 to vector<16xf32>
      %parallel_loop3A_501 = arith.mulf %parallel_loop3A_498, %parallel_loop3A_500 : vector<16xf32>
      %parallel_loop3A_502 = arith.constant 1 : i32
      %parallel_loop3A_503 = arith.index_cast %parallel_loop3A_502 : i32 to index
      %parallel_loop3A_504 = arith.index_cast %parallel_loop3A_412 : i32 to index
      %parallel_loop3A_505 = arith.constant 80 : index
      %parallel_loop3A_506 = tpu.vector_load %arg6[%parallel_loop3A_503, %parallel_loop3A_504, %parallel_loop3A_505] {strides = array<i32>} : memref<3x200x128xf32, #tpu.memory_space<vmem>>, vector<1x1x16xf32>,
      %parallel_loop3A_507 = vector.shape_cast %parallel_loop3A_506 : vector<1x1x16xf32> to vector<16xf32>
      %parallel_loop3A_508 = vector.shape_cast %parallel_loop3A_501 : vector<16xf32> to vector<1x1x16xf32>
      tpu.vector_store %arg6[%parallel_loop3A_503, %parallel_loop3A_504, %parallel_loop3A_505], %parallel_loop3A_508 {strides = array<i32>} : memref<3x200x128xf32, #tpu.memory_space<vmem>>, vector<1x1x16xf32>,
      %parallel_loop3A_509 = arith.constant 1 : i32
      %parallel_loop3A_510 = arith.index_cast %parallel_loop3A_509 : i32 to index
      %parallel_loop3A_511 = arith.index_cast %parallel_loop3A_412 : i32 to index
      %parallel_loop3A_512 = arith.constant 96 : index
      %parallel_loop3A_513 = tpu.vector_load %arg6[%parallel_loop3A_510, %parallel_loop3A_511, %parallel_loop3A_512] {strides = array<i32>} : memref<3x200x128xf32, #tpu.memory_space<vmem>>, vector<1x1x16xf32>,
      %parallel_loop3A_514 = vector.shape_cast %parallel_loop3A_513 : vector<1x1x16xf32> to vector<16xf32>
      %parallel_loop3A_515 = arith.constant 11.3137083 : f32
      %parallel_loop3A_516 = vector.broadcast %parallel_loop3A_515 : f32 to vector<16xf32>
      %parallel_loop3A_517 = arith.mulf %parallel_loop3A_514, %parallel_loop3A_516 : vector<16xf32>
      %parallel_loop3A_518 = arith.constant 1 : i32
      %parallel_loop3A_519 = arith.index_cast %parallel_loop3A_518 : i32 to index
      %parallel_loop3A_520 = arith.index_cast %parallel_loop3A_412 : i32 to index
      %parallel_loop3A_521 = arith.constant 96 : index
      %parallel_loop3A_522 = tpu.vector_load %arg6[%parallel_loop3A_519, %parallel_loop3A_520, %parallel_loop3A_521] {strides = array<i32>} : memref<3x200x128xf32, #tpu.memory_space<vmem>>, vector<1x1x16xf32>,
      %parallel_loop3A_523 = vector.shape_cast %parallel_loop3A_522 : vector<1x1x16xf32> to vector<16xf32>
      %parallel_loop3A_524 = vector.shape_cast %parallel_loop3A_517 : vector<16xf32> to vector<1x1x16xf32>
      tpu.vector_store %arg6[%parallel_loop3A_519, %parallel_loop3A_520, %parallel_loop3A_521], %parallel_loop3A_524 {strides = array<i32>} : memref<3x200x128xf32, #tpu.memory_space<vmem>>, vector<1x1x16xf32>,
      %parallel_loop3A_525 = arith.constant 1 : i32
      %parallel_loop3A_526 = arith.index_cast %parallel_loop3A_525 : i32 to index
      %parallel_loop3A_527 = arith.index_cast %parallel_loop3A_412 : i32 to index
      %parallel_loop3A_528 = arith.constant 112 : index
      %parallel_loop3A_529 = tpu.vector_load %arg6[%parallel_loop3A_526, %parallel_loop3A_527, %parallel_loop3A_528] {strides = array<i32>} : memref<3x200x128xf32, #tpu.memory_space<vmem>>, vector<1x1x16xf32>,
      %parallel_loop3A_530 = vector.shape_cast %parallel_loop3A_529 : vector<1x1x16xf32> to vector<16xf32>
      %parallel_loop3A_531 = arith.constant 11.3137083 : f32
      %parallel_loop3A_532 = vector.broadcast %parallel_loop3A_531 : f32 to vector<16xf32>
      %parallel_loop3A_533 = arith.mulf %parallel_loop3A_530, %parallel_loop3A_532 : vector<16xf32>
      %parallel_loop3A_534 = arith.constant 1 : i32
      %parallel_loop3A_535 = arith.index_cast %parallel_loop3A_534 : i32 to index
      %parallel_loop3A_536 = arith.index_cast %parallel_loop3A_412 : i32 to index
      %parallel_loop3A_537 = arith.constant 112 : index
      %parallel_loop3A_538 = tpu.vector_load %arg6[%parallel_loop3A_535, %parallel_loop3A_536, %parallel_loop3A_537] {strides = array<i32>} : memref<3x200x128xf32, #tpu.memory_space<vmem>>, vector<1x1x16xf32>,
      %parallel_loop3A_539 = vector.shape_cast %parallel_loop3A_538 : vector<1x1x16xf32> to vector<16xf32>
      %parallel_loop3A_540 = vector.shape_cast %parallel_loop3A_533 : vector<16xf32> to vector<1x1x16xf32>
      tpu.vector_store %arg6[%parallel_loop3A_535, %parallel_loop3A_536, %parallel_loop3A_537], %parallel_loop3A_540 {strides = array<i32>} : memref<3x200x128xf32, #tpu.memory_space<vmem>>, vector<1x1x16xf32>,
    } {sc.loop_unroll_factor = 4 : i64, sc.parallel_access}
    %add3A_187 = arith.constant 24800 : i32
    %add3A_188 = arith.addi %mul3A_2, %add3A_187 : i32
    %dma_start3A_189 = arith.constant 1 : i32
    %dma_start3A_190 = arith.constant 0 : i32
    %dma_start3A_191 = arith.constant 0 : i32
    %dma_start3A_192 = tpu.memref_slice %arg6[%dma_start3A_189, %dma_start3A_190, %dma_start3A_191] : memref<3x200x128xf32, #tpu.memory_space<vmem>> -> memref<1x200x128xf32, #tpu.memory_space<vmem>>
    %dma_start3A_193 = tpu.memref_squeeze %dma_start3A_192 : memref<1x200x128xf32, #tpu.memory_space<vmem>> -> memref<200x128xf32, #tpu.memory_space<vmem>>
    %dma_start3A_194 = arith.constant 0 : i32
    %dma_start3A_195 = tpu.memref_slice %arg4[%add3A_188, %dma_start3A_194] : memref<819200x128xf32, #tpu.memory_space<hbm>> -> memref<200x128xf32, #tpu.memory_space<hbm>>
    %dma_start3A_196 = arith.constant 0 : i32
    %dma_start3A_197 = tpu.memref_slice %arg4[%add3A_188, %dma_start3A_196] : memref<819200x128xf32, #tpu.memory_space<hbm>> -> memref<200x128xf32, #tpu.memory_space<hbm>>
    %dma_start3A_198 = arith.constant 0 : i32
    %dma_start3A_199 = arith.constant 0 : i32
    %dma_start3A_200 = tpu.memref_slice %arg6[%dma_start3A_189, %dma_start3A_198, %dma_start3A_199] : memref<3x200x128xf32, #tpu.memory_space<vmem>> -> memref<1x200x128xf32, #tpu.memory_space<vmem>>
    %dma_start3A_201 = tpu.memref_squeeze %dma_start3A_200 : memref<1x200x128xf32, #tpu.memory_space<vmem>> -> memref<200x128xf32, #tpu.memory_space<vmem>>
    tpu.enqueue_dma source(%dma_start3A_201 : memref<200x128xf32, #tpu.memory_space<vmem>>) target(%dma_start3A_197 : memref<200x128xf32, #tpu.memory_space<hbm>>) target_semaphore(%arg11 : memref<!tpu.dma_semaphore, #tpu.memory_space<semaphore_mem>>)
    %add3A_202 = arith.constant 24800 : i32
    %add3A_203 = arith.addi %mul3A_2, %add3A_202 : i32
    %dma_wait3A_204 = arith.constant 1 : i32
    %dma_wait3A_205 = arith.constant 0 : i32
    %dma_wait3A_206 = arith.constant 0 : i32
    %dma_wait3A_207 = tpu.memref_slice %arg6[%dma_wait3A_204, %dma_wait3A_205, %dma_wait3A_206] : memref<3x200x128xf32, #tpu.memory_space<vmem>> -> memref<1x200x128xf32, #tpu.memory_space<vmem>>
    %dma_wait3A_208 = tpu.memref_squeeze %dma_wait3A_207 : memref<1x200x128xf32, #tpu.memory_space<vmem>> -> memref<200x128xf32, #tpu.memory_space<vmem>>
    %dma_wait3A_209 = arith.constant 0 : i32
    %dma_wait3A_210 = tpu.memref_slice %arg4[%add3A_203, %dma_wait3A_209] : memref<819200x128xf32, #tpu.memory_space<hbm>> -> memref<200x128xf32, #tpu.memory_space<hbm>>
    %dma_wait3A_211 = arith.constant 0 : i32
    %dma_wait3A_212 = tpu.memref_slice %arg4[%add3A_203, %dma_wait3A_211] : memref<819200x128xf32, #tpu.memory_space<hbm>> -> memref<200x128xf32, #tpu.memory_space<hbm>>
    %dma_wait3A_213 = arith.constant 0 : i32
    %dma_wait3A_214 = arith.constant 0 : i32
    %dma_wait3A_215 = tpu.memref_slice %arg6[%dma_wait3A_204, %dma_wait3A_213, %dma_wait3A_214] : memref<3x200x128xf32, #tpu.memory_space<vmem>> -> memref<1x200x128xf32, #tpu.memory_space<vmem>>
    %dma_wait3A_216 = tpu.memref_squeeze %dma_wait3A_215 : memref<1x200x128xf32, #tpu.memory_space<vmem>> -> memref<200x128xf32, #tpu.memory_space<vmem>>
    tpu.wait_dma2 semaphore(%arg11 : memref<!tpu.dma_semaphore, #tpu.memory_space<semaphore_mem>>) src(%dma_wait3A_216 : memref<200x128xf32, #tpu.memory_space<vmem>>) dst(%dma_wait3A_212 : memref<200x128xf32, #tpu.memory_space<hbm>>)
    %dma_start3A_217 = arith.constant 127 : i32
    %dma_start3A_218 = arith.constant 1 : i32
    %dma_start3A_219 = arith.constant 0 : i32
    %dma_start3A_220 = arith.constant 0 : i32
    %dma_start3A_221 = tpu.memref_slice %arg6[%dma_start3A_218, %dma_start3A_219, %dma_start3A_220] : memref<3x200x128xf32, #tpu.memory_space<vmem>> -> memref<1x128x128xf32, #tpu.memory_space<vmem>>
    %dma_start3A_222 = tpu.memref_squeeze %dma_start3A_221 : memref<1x128x128xf32, #tpu.memory_space<vmem>> -> memref<128x128xf32, #tpu.memory_space<vmem>>
    %dma_start3A_223 = arith.constant 0 : i32
    %dma_start3A_224 = tpu.memref_slice %arg5[%dma_start3A_217, %dma_start3A_223] : memref<128x200xi32, #tpu.memory_space<vmem>> -> memref<1x128xi32, #tpu.memory_space<vmem>>
    %dma_start3A_225 = tpu.memref_squeeze %dma_start3A_224 : memref<1x128xi32, #tpu.memory_space<vmem>> -> memref<128xi32, #tpu.memory_space<vmem>>
    %dma_start3A_226 = arith.constant 0 : i32
    %dma_start3A_227 = arith.constant 0 : i32
    %dma_start3A_228 = tpu.memref_slice %arg3[%dma_start3A_226, %dma_start3A_227] : memref<100000x128xf32, #tpu.memory_space<hbm>> -> memref<100000x128xf32, #tpu.memory_space<hbm>>
    tpu.enqueue_indirect_dma source(%dma_start3A_228 : memref<100000x128xf32, #tpu.memory_space<hbm>>) target(%dma_start3A_222 : memref<128x128xf32, #tpu.memory_space<vmem>>) offsets(%dma_start3A_225 : memref<128xi32, #tpu.memory_space<vmem>>) semaphore(%arg8 : memref<!tpu.dma_semaphore, #tpu.memory_space<semaphore_mem>>)
    %dma_start3A_229 = arith.constant 127 : i32
    %dma_start3A_230 = arith.constant 1 : i32
    %dma_start3A_231 = arith.constant 128 : i32
    %dma_start3A_232 = arith.constant 0 : i32
    %dma_start3A_233 = tpu.memref_slice %arg6[%dma_start3A_230, %dma_start3A_231, %dma_start3A_232] : memref<3x200x128xf32, #tpu.memory_space<vmem>> -> memref<1x72x128xf32, #tpu.memory_space<vmem>>
    %dma_start3A_234 = tpu.memref_squeeze %dma_start3A_233 : memref<1x72x128xf32, #tpu.memory_space<vmem>> -> memref<72x128xf32, #tpu.memory_space<vmem>>
    %dma_start3A_235 = arith.constant 128 : i32
    %dma_start3A_236 = tpu.memref_slice %arg5[%dma_start3A_229, %dma_start3A_235] : memref<128x200xi32, #tpu.memory_space<vmem>> -> memref<1x72xi32, #tpu.memory_space<vmem>>
    %dma_start3A_237 = tpu.memref_squeeze %dma_start3A_236 : memref<1x72xi32, #tpu.memory_space<vmem>> -> memref<72xi32, #tpu.memory_space<vmem>>
    %dma_start3A_238 = arith.constant 0 : i32
    %dma_start3A_239 = arith.constant 0 : i32
    %dma_start3A_240 = tpu.memref_slice %arg3[%dma_start3A_238, %dma_start3A_239] : memref<100000x128xf32, #tpu.memory_space<hbm>> -> memref<100000x128xf32, #tpu.memory_space<hbm>>
    tpu.enqueue_indirect_dma source(%dma_start3A_240 : memref<100000x128xf32, #tpu.memory_space<hbm>>) target(%dma_start3A_234 : memref<72x128xf32, #tpu.memory_space<vmem>>) offsets(%dma_start3A_237 : memref<72xi32, #tpu.memory_space<vmem>>) semaphore(%arg8 : memref<!tpu.dma_semaphore, #tpu.memory_space<semaphore_mem>>)
    %dma_wait3A_241 = arith.constant 125 : i32
    %dma_wait3A_242 = arith.constant 2 : i32
    %dma_wait3A_243 = arith.constant 0 : i32
    %dma_wait3A_244 = arith.constant 0 : i32
    %dma_wait3A_245 = tpu.memref_slice %arg6[%dma_wait3A_242, %dma_wait3A_243, %dma_wait3A_244] : memref<3x200x128xf32, #tpu.memory_space<vmem>> -> memref<1x128x128xf32, #tpu.memory_space<vmem>>
    %dma_wait3A_246 = tpu.memref_squeeze %dma_wait3A_245 : memref<1x128x128xf32, #tpu.memory_space<vmem>> -> memref<128x128xf32, #tpu.memory_space<vmem>>
    %dma_wait3A_247 = arith.constant 0 : i32
    %dma_wait3A_248 = tpu.memref_slice %arg5[%dma_wait3A_241, %dma_wait3A_247] : memref<128x200xi32, #tpu.memory_space<vmem>> -> memref<1x128xi32, #tpu.memory_space<vmem>>
    %dma_wait3A_249 = tpu.memref_squeeze %dma_wait3A_248 : memref<1x128xi32, #tpu.memory_space<vmem>> -> memref<128xi32, #tpu.memory_space<vmem>>
    %dma_wait3A_250 = arith.constant 0 : i32
    %dma_wait3A_251 = arith.constant 0 : i32
    %dma_wait3A_252 = tpu.memref_slice %arg3[%dma_wait3A_250, %dma_wait3A_251] : memref<100000x128xf32, #tpu.memory_space<hbm>> -> memref<100000x128xf32, #tpu.memory_space<hbm>>
    tpu.wait_indirect_dma semaphore(%arg9 : memref<!tpu.dma_semaphore, #tpu.memory_space<semaphore_mem>>) src(%dma_wait3A_252 : memref<100000x128xf32, #tpu.memory_space<hbm>>) dst(%dma_wait3A_246 : memref<128x128xf32, #tpu.memory_space<vmem>>)
    %dma_wait3A_253 = arith.constant 125 : i32
    %dma_wait3A_254 = arith.constant 2 : i32
    %dma_wait3A_255 = arith.constant 128 : i32
    %dma_wait3A_256 = arith.constant 0 : i32
    %dma_wait3A_257 = tpu.memref_slice %arg6[%dma_wait3A_254, %dma_wait3A_255, %dma_wait3A_256] : memref<3x200x128xf32, #tpu.memory_space<vmem>> -> memref<1x72x128xf32, #tpu.memory_space<vmem>>
    %dma_wait3A_258 = tpu.memref_squeeze %dma_wait3A_257 : memref<1x72x128xf32, #tpu.memory_space<vmem>> -> memref<72x128xf32, #tpu.memory_space<vmem>>
    %dma_wait3A_259 = arith.constant 128 : i32
    %dma_wait3A_260 = tpu.memref_slice %arg5[%dma_wait3A_253, %dma_wait3A_259] : memref<128x200xi32, #tpu.memory_space<vmem>> -> memref<1x72xi32, #tpu.memory_space<vmem>>
    %dma_wait3A_261 = tpu.memref_squeeze %dma_wait3A_260 : memref<1x72xi32, #tpu.memory_space<vmem>> -> memref<72xi32, #tpu.memory_space<vmem>>
    %dma_wait3A_262 = arith.constant 0 : i32
    %dma_wait3A_263 = arith.constant 0 : i32
    %dma_wait3A_264 = tpu.memref_slice %arg3[%dma_wait3A_262, %dma_wait3A_263] : memref<100000x128xf32, #tpu.memory_space<hbm>> -> memref<100000x128xf32, #tpu.memory_space<hbm>>
    tpu.wait_indirect_dma semaphore(%arg9 : memref<!tpu.dma_semaphore, #tpu.memory_space<semaphore_mem>>) src(%dma_wait3A_264 : memref<100000x128xf32, #tpu.memory_space<hbm>>) dst(%dma_wait3A_258 : memref<72x128xf32, #tpu.memory_space<vmem>>)
    %parallel_loop3A_265 = arith.constant 0 : i32
    %parallel_loop3A_266 = arith.constant 200 : i32
    %parallel_loop3A_267 = arith.constant 1 : i32
    scf.for %parallel_loop3A_412 = %parallel_loop3A_265 to %parallel_loop3A_266 step %parallel_loop3A_267  : i32 {
      %parallel_loop3A_413 = arith.constant 2 : i32
      %parallel_loop3A_414 = arith.index_cast %parallel_loop3A_413 : i32 to index
      %parallel_loop3A_415 = arith.index_cast %parallel_loop3A_412 : i32 to index
      %parallel_loop3A_416 = arith.constant 0 : index
      %parallel_loop3A_417 = tpu.vector_load %arg6[%parallel_loop3A_414, %parallel_loop3A_415, %parallel_loop3A_416] {strides = array<i32>} : memref<3x200x128xf32, #tpu.memory_space<vmem>>, vector<1x1x16xf32>,
      %parallel_loop3A_418 = vector.shape_cast %parallel_loop3A_417 : vector<1x1x16xf32> to vector<16xf32>
      %parallel_loop3A_419 = arith.constant 11.3137083 : f32
      %parallel_loop3A_420 = vector.broadcast %parallel_loop3A_419 : f32 to vector<16xf32>
      %parallel_loop3A_421 = arith.mulf %parallel_loop3A_418, %parallel_loop3A_420 : vector<16xf32>
      %parallel_loop3A_422 = arith.constant 2 : i32
      %parallel_loop3A_423 = arith.index_cast %parallel_loop3A_422 : i32 to index
      %parallel_loop3A_424 = arith.index_cast %parallel_loop3A_412 : i32 to index
      %parallel_loop3A_425 = arith.constant 0 : index
      %parallel_loop3A_426 = tpu.vector_load %arg6[%parallel_loop3A_423, %parallel_loop3A_424, %parallel_loop3A_425] {strides = array<i32>} : memref<3x200x128xf32, #tpu.memory_space<vmem>>, vector<1x1x16xf32>,
      %parallel_loop3A_427 = vector.shape_cast %parallel_loop3A_426 : vector<1x1x16xf32> to vector<16xf32>
      %parallel_loop3A_428 = vector.shape_cast %parallel_loop3A_421 : vector<16xf32> to vector<1x1x16xf32>
      tpu.vector_store %arg6[%parallel_loop3A_423, %parallel_loop3A_424, %parallel_loop3A_425], %parallel_loop3A_428 {strides = array<i32>} : memref<3x200x128xf32, #tpu.memory_space<vmem>>, vector<1x1x16xf32>,
      %parallel_loop3A_429 = arith.constant 2 : i32
      %parallel_loop3A_430 = arith.index_cast %parallel_loop3A_429 : i32 to index
      %parallel_loop3A_431 = arith.index_cast %parallel_loop3A_412 : i32 to index
      %parallel_loop3A_432 = arith.constant 16 : index
      %parallel_loop3A_433 = tpu.vector_load %arg6[%parallel_loop3A_430, %parallel_loop3A_431, %parallel_loop3A_432] {strides = array<i32>} : memref<3x200x128xf32, #tpu.memory_space<vmem>>, vector<1x1x16xf32>,
      %parallel_loop3A_434 = vector.shape_cast %parallel_loop3A_433 : vector<1x1x16xf32> to vector<16xf32>
      %parallel_loop3A_435 = arith.constant 11.3137083 : f32
      %parallel_loop3A_436 = vector.broadcast %parallel_loop3A_435 : f32 to vector<16xf32>
      %parallel_loop3A_437 = arith.mulf %parallel_loop3A_434, %parallel_loop3A_436 : vector<16xf32>
      %parallel_loop3A_438 = arith.constant 2 : i32
      %parallel_loop3A_439 = arith.index_cast %parallel_loop3A_438 : i32 to index
      %parallel_loop3A_440 = arith.index_cast %parallel_loop3A_412 : i32 to index
      %parallel_loop3A_441 = arith.constant 16 : index
      %parallel_loop3A_442 = tpu.vector_load %arg6[%parallel_loop3A_439, %parallel_loop3A_440, %parallel_loop3A_441] {strides = array<i32>} : memref<3x200x128xf32, #tpu.memory_space<vmem>>, vector<1x1x16xf32>,
      %parallel_loop3A_443 = vector.shape_cast %parallel_loop3A_442 : vector<1x1x16xf32> to vector<16xf32>
      %parallel_loop3A_444 = vector.shape_cast %parallel_loop3A_437 : vector<16xf32> to vector<1x1x16xf32>
      tpu.vector_store %arg6[%parallel_loop3A_439, %parallel_loop3A_440, %parallel_loop3A_441], %parallel_loop3A_444 {strides = array<i32>} : memref<3x200x128xf32, #tpu.memory_space<vmem>>, vector<1x1x16xf32>,
      %parallel_loop3A_445 = arith.constant 2 : i32
      %parallel_loop3A_446 = arith.index_cast %parallel_loop3A_445 : i32 to index
      %parallel_loop3A_447 = arith.index_cast %parallel_loop3A_412 : i32 to index
      %parallel_loop3A_448 = arith.constant 32 : index
      %parallel_loop3A_449 = tpu.vector_load %arg6[%parallel_loop3A_446, %parallel_loop3A_447, %parallel_loop3A_448] {strides = array<i32>} : memref<3x200x128xf32, #tpu.memory_space<vmem>>, vector<1x1x16xf32>,
      %parallel_loop3A_450 = vector.shape_cast %parallel_loop3A_449 : vector<1x1x16xf32> to vector<16xf32>
      %parallel_loop3A_451 = arith.constant 11.3137083 : f32
      %parallel_loop3A_452 = vector.broadcast %parallel_loop3A_451 : f32 to vector<16xf32>
      %parallel_loop3A_453 = arith.mulf %parallel_loop3A_450, %parallel_loop3A_452 : vector<16xf32>
      %parallel_loop3A_454 = arith.constant 2 : i32
      %parallel_loop3A_455 = arith.index_cast %parallel_loop3A_454 : i32 to index
      %parallel_loop3A_456 = arith.index_cast %parallel_loop3A_412 : i32 to index
      %parallel_loop3A_457 = arith.constant 32 : index
      %parallel_loop3A_458 = tpu.vector_load %arg6[%parallel_loop3A_455, %parallel_loop3A_456, %parallel_loop3A_457] {strides = array<i32>} : memref<3x200x128xf32, #tpu.memory_space<vmem>>, vector<1x1x16xf32>,
      %parallel_loop3A_459 = vector.shape_cast %parallel_loop3A_458 : vector<1x1x16xf32> to vector<16xf32>
      %parallel_loop3A_460 = vector.shape_cast %parallel_loop3A_453 : vector<16xf32> to vector<1x1x16xf32>
      tpu.vector_store %arg6[%parallel_loop3A_455, %parallel_loop3A_456, %parallel_loop3A_457], %parallel_loop3A_460 {strides = array<i32>} : memref<3x200x128xf32, #tpu.memory_space<vmem>>, vector<1x1x16xf32>,
      %parallel_loop3A_461 = arith.constant 2 : i32
      %parallel_loop3A_462 = arith.index_cast %parallel_loop3A_461 : i32 to index
      %parallel_loop3A_463 = arith.index_cast %parallel_loop3A_412 : i32 to index
      %parallel_loop3A_464 = arith.constant 48 : index
      %parallel_loop3A_465 = tpu.vector_load %arg6[%parallel_loop3A_462, %parallel_loop3A_463, %parallel_loop3A_464] {strides = array<i32>} : memref<3x200x128xf32, #tpu.memory_space<vmem>>, vector<1x1x16xf32>,
      %parallel_loop3A_466 = vector.shape_cast %parallel_loop3A_465 : vector<1x1x16xf32> to vector<16xf32>
      %parallel_loop3A_467 = arith.constant 11.3137083 : f32
      %parallel_loop3A_468 = vector.broadcast %parallel_loop3A_467 : f32 to vector<16xf32>
      %parallel_loop3A_469 = arith.mulf %parallel_loop3A_466, %parallel_loop3A_468 : vector<16xf32>
      %parallel_loop3A_470 = arith.constant 2 : i32
      %parallel_loop3A_471 = arith.index_cast %parallel_loop3A_470 : i32 to index
      %parallel_loop3A_472 = arith.index_cast %parallel_loop3A_412 : i32 to index
      %parallel_loop3A_473 = arith.constant 48 : index
      %parallel_loop3A_474 = tpu.vector_load %arg6[%parallel_loop3A_471, %parallel_loop3A_472, %parallel_loop3A_473] {strides = array<i32>} : memref<3x200x128xf32, #tpu.memory_space<vmem>>, vector<1x1x16xf32>,
      %parallel_loop3A_475 = vector.shape_cast %parallel_loop3A_474 : vector<1x1x16xf32> to vector<16xf32>
      %parallel_loop3A_476 = vector.shape_cast %parallel_loop3A_469 : vector<16xf32> to vector<1x1x16xf32>
      tpu.vector_store %arg6[%parallel_loop3A_471, %parallel_loop3A_472, %parallel_loop3A_473], %parallel_loop3A_476 {strides = array<i32>} : memref<3x200x128xf32, #tpu.memory_space<vmem>>, vector<1x1x16xf32>,
      %parallel_loop3A_477 = arith.constant 2 : i32
      %parallel_loop3A_478 = arith.index_cast %parallel_loop3A_477 : i32 to index
      %parallel_loop3A_479 = arith.index_cast %parallel_loop3A_412 : i32 to index
      %parallel_loop3A_480 = arith.constant 64 : index
      %parallel_loop3A_481 = tpu.vector_load %arg6[%parallel_loop3A_478, %parallel_loop3A_479, %parallel_loop3A_480] {strides = array<i32>} : memref<3x200x128xf32, #tpu.memory_space<vmem>>, vector<1x1x16xf32>,
      %parallel_loop3A_482 = vector.shape_cast %parallel_loop3A_481 : vector<1x1x16xf32> to vector<16xf32>
      %parallel_loop3A_483 = arith.constant 11.3137083 : f32
      %parallel_loop3A_484 = vector.broadcast %parallel_loop3A_483 : f32 to vector<16xf32>
      %parallel_loop3A_485 = arith.mulf %parallel_loop3A_482, %parallel_loop3A_484 : vector<16xf32>
      %parallel_loop3A_486 = arith.constant 2 : i32
      %parallel_loop3A_487 = arith.index_cast %parallel_loop3A_486 : i32 to index
      %parallel_loop3A_488 = arith.index_cast %parallel_loop3A_412 : i32 to index
      %parallel_loop3A_489 = arith.constant 64 : index
      %parallel_loop3A_490 = tpu.vector_load %arg6[%parallel_loop3A_487, %parallel_loop3A_488, %parallel_loop3A_489] {strides = array<i32>} : memref<3x200x128xf32, #tpu.memory_space<vmem>>, vector<1x1x16xf32>,
      %parallel_loop3A_491 = vector.shape_cast %parallel_loop3A_490 : vector<1x1x16xf32> to vector<16xf32>
      %parallel_loop3A_492 = vector.shape_cast %parallel_loop3A_485 : vector<16xf32> to vector<1x1x16xf32>
      tpu.vector_store %arg6[%parallel_loop3A_487, %parallel_loop3A_488, %parallel_loop3A_489], %parallel_loop3A_492 {strides = array<i32>} : memref<3x200x128xf32, #tpu.memory_space<vmem>>, vector<1x1x16xf32>,
      %parallel_loop3A_493 = arith.constant 2 : i32
      %parallel_loop3A_494 = arith.index_cast %parallel_loop3A_493 : i32 to index
      %parallel_loop3A_495 = arith.index_cast %parallel_loop3A_412 : i32 to index
      %parallel_loop3A_496 = arith.constant 80 : index
      %parallel_loop3A_497 = tpu.vector_load %arg6[%parallel_loop3A_494, %parallel_loop3A_495, %parallel_loop3A_496] {strides = array<i32>} : memref<3x200x128xf32, #tpu.memory_space<vmem>>, vector<1x1x16xf32>,
      %parallel_loop3A_498 = vector.shape_cast %parallel_loop3A_497 : vector<1x1x16xf32> to vector<16xf32>
      %parallel_loop3A_499 = arith.constant 11.3137083 : f32
      %parallel_loop3A_500 = vector.broadcast %parallel_loop3A_499 : f32 to vector<16xf32>
      %parallel_loop3A_501 = arith.mulf %parallel_loop3A_498, %parallel_loop3A_500 : vector<16xf32>
      %parallel_loop3A_502 = arith.constant 2 : i32
      %parallel_loop3A_503 = arith.index_cast %parallel_loop3A_502 : i32 to index
      %parallel_loop3A_504 = arith.index_cast %parallel_loop3A_412 : i32 to index
      %parallel_loop3A_505 = arith.constant 80 : index
      %parallel_loop3A_506 = tpu.vector_load %arg6[%parallel_loop3A_503, %parallel_loop3A_504, %parallel_loop3A_505] {strides = array<i32>} : memref<3x200x128xf32, #tpu.memory_space<vmem>>, vector<1x1x16xf32>,
      %parallel_loop3A_507 = vector.shape_cast %parallel_loop3A_506 : vector<1x1x16xf32> to vector<16xf32>
      %parallel_loop3A_508 = vector.shape_cast %parallel_loop3A_501 : vector<16xf32> to vector<1x1x16xf32>
      tpu.vector_store %arg6[%parallel_loop3A_503, %parallel_loop3A_504, %parallel_loop3A_505], %parallel_loop3A_508 {strides = array<i32>} : memref<3x200x128xf32, #tpu.memory_space<vmem>>, vector<1x1x16xf32>,
      %parallel_loop3A_509 = arith.constant 2 : i32
      %parallel_loop3A_510 = arith.index_cast %parallel_loop3A_509 : i32 to index
      %parallel_loop3A_511 = arith.index_cast %parallel_loop3A_412 : i32 to index
      %parallel_loop3A_512 = arith.constant 96 : index
      %parallel_loop3A_513 = tpu.vector_load %arg6[%parallel_loop3A_510, %parallel_loop3A_511, %parallel_loop3A_512] {strides = array<i32>} : memref<3x200x128xf32, #tpu.memory_space<vmem>>, vector<1x1x16xf32>,
      %parallel_loop3A_514 = vector.shape_cast %parallel_loop3A_513 : vector<1x1x16xf32> to vector<16xf32>
      %parallel_loop3A_515 = arith.constant 11.3137083 : f32
      %parallel_loop3A_516 = vector.broadcast %parallel_loop3A_515 : f32 to vector<16xf32>
      %parallel_loop3A_517 = arith.mulf %parallel_loop3A_514, %parallel_loop3A_516 : vector<16xf32>
      %parallel_loop3A_518 = arith.constant 2 : i32
      %parallel_loop3A_519 = arith.index_cast %parallel_loop3A_518 : i32 to index
      %parallel_loop3A_520 = arith.index_cast %parallel_loop3A_412 : i32 to index
      %parallel_loop3A_521 = arith.constant 96 : index
      %parallel_loop3A_522 = tpu.vector_load %arg6[%parallel_loop3A_519, %parallel_loop3A_520, %parallel_loop3A_521] {strides = array<i32>} : memref<3x200x128xf32, #tpu.memory_space<vmem>>, vector<1x1x16xf32>,
      %parallel_loop3A_523 = vector.shape_cast %parallel_loop3A_522 : vector<1x1x16xf32> to vector<16xf32>
      %parallel_loop3A_524 = vector.shape_cast %parallel_loop3A_517 : vector<16xf32> to vector<1x1x16xf32>
      tpu.vector_store %arg6[%parallel_loop3A_519, %parallel_loop3A_520, %parallel_loop3A_521], %parallel_loop3A_524 {strides = array<i32>} : memref<3x200x128xf32, #tpu.memory_space<vmem>>, vector<1x1x16xf32>,
      %parallel_loop3A_525 = arith.constant 2 : i32
      %parallel_loop3A_526 = arith.index_cast %parallel_loop3A_525 : i32 to index
      %parallel_loop3A_527 = arith.index_cast %parallel_loop3A_412 : i32 to index
      %parallel_loop3A_528 = arith.constant 112 : index
      %parallel_loop3A_529 = tpu.vector_load %arg6[%parallel_loop3A_526, %parallel_loop3A_527, %parallel_loop3A_528] {strides = array<i32>} : memref<3x200x128xf32, #tpu.memory_space<vmem>>, vector<1x1x16xf32>,
      %parallel_loop3A_530 = vector.shape_cast %parallel_loop3A_529 : vector<1x1x16xf32> to vector<16xf32>
      %parallel_loop3A_531 = arith.constant 11.3137083 : f32
      %parallel_loop3A_532 = vector.broadcast %parallel_loop3A_531 : f32 to vector<16xf32>
      %parallel_loop3A_533 = arith.mulf %parallel_loop3A_530, %parallel_loop3A_532 : vector<16xf32>
      %parallel_loop3A_534 = arith.constant 2 : i32
      %parallel_loop3A_535 = arith.index_cast %parallel_loop3A_534 : i32 to index
      %parallel_loop3A_536 = arith.index_cast %parallel_loop3A_412 : i32 to index
      %parallel_loop3A_537 = arith.constant 112 : index
      %parallel_loop3A_538 = tpu.vector_load %arg6[%parallel_loop3A_535, %parallel_loop3A_536, %parallel_loop3A_537] {strides = array<i32>} : memref<3x200x128xf32, #tpu.memory_space<vmem>>, vector<1x1x16xf32>,
      %parallel_loop3A_539 = vector.shape_cast %parallel_loop3A_538 : vector<1x1x16xf32> to vector<16xf32>
      %parallel_loop3A_540 = vector.shape_cast %parallel_loop3A_533 : vector<16xf32> to vector<1x1x16xf32>
      tpu.vector_store %arg6[%parallel_loop3A_535, %parallel_loop3A_536, %parallel_loop3A_537], %parallel_loop3A_540 {strides = array<i32>} : memref<3x200x128xf32, #tpu.memory_space<vmem>>, vector<1x1x16xf32>,
    } {sc.loop_unroll_factor = 4 : i64, sc.parallel_access}
    %add3A_268 = arith.constant 25000 : i32
    %add3A_269 = arith.addi %mul3A_2, %add3A_268 : i32
    %dma_start3A_270 = arith.constant 2 : i32
    %dma_start3A_271 = arith.constant 0 : i32
    %dma_start3A_272 = arith.constant 0 : i32
    %dma_start3A_273 = tpu.memref_slice %arg6[%dma_start3A_270, %dma_start3A_271, %dma_start3A_272] : memref<3x200x128xf32, #tpu.memory_space<vmem>> -> memref<1x200x128xf32, #tpu.memory_space<vmem>>
    %dma_start3A_274 = tpu.memref_squeeze %dma_start3A_273 : memref<1x200x128xf32, #tpu.memory_space<vmem>> -> memref<200x128xf32, #tpu.memory_space<vmem>>
    %dma_start3A_275 = arith.constant 0 : i32
    %dma_start3A_276 = tpu.memref_slice %arg4[%add3A_269, %dma_start3A_275] : memref<819200x128xf32, #tpu.memory_space<hbm>> -> memref<200x128xf32, #tpu.memory_space<hbm>>
    %dma_start3A_277 = arith.constant 0 : i32
    %dma_start3A_278 = tpu.memref_slice %arg4[%add3A_269, %dma_start3A_277] : memref<819200x128xf32, #tpu.memory_space<hbm>> -> memref<200x128xf32, #tpu.memory_space<hbm>>
    %dma_start3A_279 = arith.constant 0 : i32
    %dma_start3A_280 = arith.constant 0 : i32
    %dma_start3A_281 = tpu.memref_slice %arg6[%dma_start3A_270, %dma_start3A_279, %dma_start3A_280] : memref<3x200x128xf32, #tpu.memory_space<vmem>> -> memref<1x200x128xf32, #tpu.memory_space<vmem>>
    %dma_start3A_282 = tpu.memref_squeeze %dma_start3A_281 : memref<1x200x128xf32, #tpu.memory_space<vmem>> -> memref<200x128xf32, #tpu.memory_space<vmem>>
    tpu.enqueue_dma source(%dma_start3A_282 : memref<200x128xf32, #tpu.memory_space<vmem>>) target(%dma_start3A_278 : memref<200x128xf32, #tpu.memory_space<hbm>>) target_semaphore(%arg12 : memref<!tpu.dma_semaphore, #tpu.memory_space<semaphore_mem>>)
    %add3A_283 = arith.constant 25000 : i32
    %add3A_284 = arith.addi %mul3A_2, %add3A_283 : i32
    %dma_wait3A_285 = arith.constant 2 : i32
    %dma_wait3A_286 = arith.constant 0 : i32
    %dma_wait3A_287 = arith.constant 0 : i32
    %dma_wait3A_288 = tpu.memref_slice %arg6[%dma_wait3A_285, %dma_wait3A_286, %dma_wait3A_287] : memref<3x200x128xf32, #tpu.memory_space<vmem>> -> memref<1x200x128xf32, #tpu.memory_space<vmem>>
    %dma_wait3A_289 = tpu.memref_squeeze %dma_wait3A_288 : memref<1x200x128xf32, #tpu.memory_space<vmem>> -> memref<200x128xf32, #tpu.memory_space<vmem>>
    %dma_wait3A_290 = arith.constant 0 : i32
    %dma_wait3A_291 = tpu.memref_slice %arg4[%add3A_284, %dma_wait3A_290] : memref<819200x128xf32, #tpu.memory_space<hbm>> -> memref<200x128xf32, #tpu.memory_space<hbm>>
    %dma_wait3A_292 = arith.constant 0 : i32
    %dma_wait3A_293 = tpu.memref_slice %arg4[%add3A_284, %dma_wait3A_292] : memref<819200x128xf32, #tpu.memory_space<hbm>> -> memref<200x128xf32, #tpu.memory_space<hbm>>
    %dma_wait3A_294 = arith.constant 0 : i32
    %dma_wait3A_295 = arith.constant 0 : i32
    %dma_wait3A_296 = tpu.memref_slice %arg6[%dma_wait3A_285, %dma_wait3A_294, %dma_wait3A_295] : memref<3x200x128xf32, #tpu.memory_space<vmem>> -> memref<1x200x128xf32, #tpu.memory_space<vmem>>
    %dma_wait3A_297 = tpu.memref_squeeze %dma_wait3A_296 : memref<1x200x128xf32, #tpu.memory_space<vmem>> -> memref<200x128xf32, #tpu.memory_space<vmem>>
    tpu.wait_dma2 semaphore(%arg12 : memref<!tpu.dma_semaphore, #tpu.memory_space<semaphore_mem>>) src(%dma_wait3A_297 : memref<200x128xf32, #tpu.memory_space<vmem>>) dst(%dma_wait3A_293 : memref<200x128xf32, #tpu.memory_space<hbm>>)
    %dma_wait3A_298 = arith.constant 126 : i32
    %dma_wait3A_299 = arith.constant 0 : i32
    %dma_wait3A_300 = arith.constant 0 : i32
    %dma_wait3A_301 = arith.constant 0 : i32
    %dma_wait3A_302 = tpu.memref_slice %arg6[%dma_wait3A_299, %dma_wait3A_300, %dma_wait3A_301] : memref<3x200x128xf32, #tpu.memory_space<vmem>> -> memref<1x128x128xf32, #tpu.memory_space<vmem>>
    %dma_wait3A_303 = tpu.memref_squeeze %dma_wait3A_302 : memref<1x128x128xf32, #tpu.memory_space<vmem>> -> memref<128x128xf32, #tpu.memory_space<vmem>>
    %dma_wait3A_304 = arith.constant 0 : i32
    %dma_wait3A_305 = tpu.memref_slice %arg5[%dma_wait3A_298, %dma_wait3A_304] : memref<128x200xi32, #tpu.memory_space<vmem>> -> memref<1x128xi32, #tpu.memory_space<vmem>>
    %dma_wait3A_306 = tpu.memref_squeeze %dma_wait3A_305 : memref<1x128xi32, #tpu.memory_space<vmem>> -> memref<128xi32, #tpu.memory_space<vmem>>
    %dma_wait3A_307 = arith.constant 0 : i32
    %dma_wait3A_308 = arith.constant 0 : i32
    %dma_wait3A_309 = tpu.memref_slice %arg3[%dma_wait3A_307, %dma_wait3A_308] : memref<100000x128xf32, #tpu.memory_space<hbm>> -> memref<100000x128xf32, #tpu.memory_space<hbm>>
    tpu.wait_indirect_dma semaphore(%arg7 : memref<!tpu.dma_semaphore, #tpu.memory_space<semaphore_mem>>) src(%dma_wait3A_309 : memref<100000x128xf32, #tpu.memory_space<hbm>>) dst(%dma_wait3A_303 : memref<128x128xf32, #tpu.memory_space<vmem>>)
    %dma_wait3A_310 = arith.constant 126 : i32
    %dma_wait3A_311 = arith.constant 0 : i32
    %dma_wait3A_312 = arith.constant 128 : i32
    %dma_wait3A_313 = arith.constant 0 : i32
    %dma_wait3A_314 = tpu.memref_slice %arg6[%dma_wait3A_311, %dma_wait3A_312, %dma_wait3A_313] : memref<3x200x128xf32, #tpu.memory_space<vmem>> -> memref<1x72x128xf32, #tpu.memory_space<vmem>>
    %dma_wait3A_315 = tpu.memref_squeeze %dma_wait3A_314 : memref<1x72x128xf32, #tpu.memory_space<vmem>> -> memref<72x128xf32, #tpu.memory_space<vmem>>
    %dma_wait3A_316 = arith.constant 128 : i32
    %dma_wait3A_317 = tpu.memref_slice %arg5[%dma_wait3A_310, %dma_wait3A_316] : memref<128x200xi32, #tpu.memory_space<vmem>> -> memref<1x72xi32, #tpu.memory_space<vmem>>
    %dma_wait3A_318 = tpu.memref_squeeze %dma_wait3A_317 : memref<1x72xi32, #tpu.memory_space<vmem>> -> memref<72xi32, #tpu.memory_space<vmem>>
    %dma_wait3A_319 = arith.constant 0 : i32
    %dma_wait3A_320 = arith.constant 0 : i32
    %dma_wait3A_321 = tpu.memref_slice %arg3[%dma_wait3A_319, %dma_wait3A_320] : memref<100000x128xf32, #tpu.memory_space<hbm>> -> memref<100000x128xf32, #tpu.memory_space<hbm>>
    tpu.wait_indirect_dma semaphore(%arg7 : memref<!tpu.dma_semaphore, #tpu.memory_space<semaphore_mem>>) src(%dma_wait3A_321 : memref<100000x128xf32, #tpu.memory_space<hbm>>) dst(%dma_wait3A_315 : memref<72x128xf32, #tpu.memory_space<vmem>>)
    %parallel_loop3A_322 = arith.constant 0 : i32
    %parallel_loop3A_323 = arith.constant 200 : i32
    %parallel_loop3A_324 = arith.constant 1 : i32
    scf.for %parallel_loop3A_412 = %parallel_loop3A_322 to %parallel_loop3A_323 step %parallel_loop3A_324  : i32 {
      %parallel_loop3A_413 = arith.constant 0 : i32
      %parallel_loop3A_414 = arith.index_cast %parallel_loop3A_413 : i32 to index
      %parallel_loop3A_415 = arith.index_cast %parallel_loop3A_412 : i32 to index
      %parallel_loop3A_416 = arith.constant 0 : index
      %parallel_loop3A_417 = tpu.vector_load %arg6[%parallel_loop3A_414, %parallel_loop3A_415, %parallel_loop3A_416] {strides = array<i32>} : memref<3x200x128xf32, #tpu.memory_space<vmem>>, vector<1x1x16xf32>,
      %parallel_loop3A_418 = vector.shape_cast %parallel_loop3A_417 : vector<1x1x16xf32> to vector<16xf32>
      %parallel_loop3A_419 = arith.constant 11.3137083 : f32
      %parallel_loop3A_420 = vector.broadcast %parallel_loop3A_419 : f32 to vector<16xf32>
      %parallel_loop3A_421 = arith.mulf %parallel_loop3A_418, %parallel_loop3A_420 : vector<16xf32>
      %parallel_loop3A_422 = arith.constant 0 : i32
      %parallel_loop3A_423 = arith.index_cast %parallel_loop3A_422 : i32 to index
      %parallel_loop3A_424 = arith.index_cast %parallel_loop3A_412 : i32 to index
      %parallel_loop3A_425 = arith.constant 0 : index
      %parallel_loop3A_426 = tpu.vector_load %arg6[%parallel_loop3A_423, %parallel_loop3A_424, %parallel_loop3A_425] {strides = array<i32>} : memref<3x200x128xf32, #tpu.memory_space<vmem>>, vector<1x1x16xf32>,
      %parallel_loop3A_427 = vector.shape_cast %parallel_loop3A_426 : vector<1x1x16xf32> to vector<16xf32>
      %parallel_loop3A_428 = vector.shape_cast %parallel_loop3A_421 : vector<16xf32> to vector<1x1x16xf32>
      tpu.vector_store %arg6[%parallel_loop3A_423, %parallel_loop3A_424, %parallel_loop3A_425], %parallel_loop3A_428 {strides = array<i32>} : memref<3x200x128xf32, #tpu.memory_space<vmem>>, vector<1x1x16xf32>,
      %parallel_loop3A_429 = arith.constant 0 : i32
      %parallel_loop3A_430 = arith.index_cast %parallel_loop3A_429 : i32 to index
      %parallel_loop3A_431 = arith.index_cast %parallel_loop3A_412 : i32 to index
      %parallel_loop3A_432 = arith.constant 16 : index
      %parallel_loop3A_433 = tpu.vector_load %arg6[%parallel_loop3A_430, %parallel_loop3A_431, %parallel_loop3A_432] {strides = array<i32>} : memref<3x200x128xf32, #tpu.memory_space<vmem>>, vector<1x1x16xf32>,
      %parallel_loop3A_434 = vector.shape_cast %parallel_loop3A_433 : vector<1x1x16xf32> to vector<16xf32>
      %parallel_loop3A_435 = arith.constant 11.3137083 : f32
      %parallel_loop3A_436 = vector.broadcast %parallel_loop3A_435 : f32 to vector<16xf32>
      %parallel_loop3A_437 = arith.mulf %parallel_loop3A_434, %parallel_loop3A_436 : vector<16xf32>
      %parallel_loop3A_438 = arith.constant 0 : i32
      %parallel_loop3A_439 = arith.index_cast %parallel_loop3A_438 : i32 to index
      %parallel_loop3A_440 = arith.index_cast %parallel_loop3A_412 : i32 to index
      %parallel_loop3A_441 = arith.constant 16 : index
      %parallel_loop3A_442 = tpu.vector_load %arg6[%parallel_loop3A_439, %parallel_loop3A_440, %parallel_loop3A_441] {strides = array<i32>} : memref<3x200x128xf32, #tpu.memory_space<vmem>>, vector<1x1x16xf32>,
      %parallel_loop3A_443 = vector.shape_cast %parallel_loop3A_442 : vector<1x1x16xf32> to vector<16xf32>
      %parallel_loop3A_444 = vector.shape_cast %parallel_loop3A_437 : vector<16xf32> to vector<1x1x16xf32>
      tpu.vector_store %arg6[%parallel_loop3A_439, %parallel_loop3A_440, %parallel_loop3A_441], %parallel_loop3A_444 {strides = array<i32>} : memref<3x200x128xf32, #tpu.memory_space<vmem>>, vector<1x1x16xf32>,
      %parallel_loop3A_445 = arith.constant 0 : i32
      %parallel_loop3A_446 = arith.index_cast %parallel_loop3A_445 : i32 to index
      %parallel_loop3A_447 = arith.index_cast %parallel_loop3A_412 : i32 to index
      %parallel_loop3A_448 = arith.constant 32 : index
      %parallel_loop3A_449 = tpu.vector_load %arg6[%parallel_loop3A_446, %parallel_loop3A_447, %parallel_loop3A_448] {strides = array<i32>} : memref<3x200x128xf32, #tpu.memory_space<vmem>>, vector<1x1x16xf32>,
      %parallel_loop3A_450 = vector.shape_cast %parallel_loop3A_449 : vector<1x1x16xf32> to vector<16xf32>
      %parallel_loop3A_451 = arith.constant 11.3137083 : f32
      %parallel_loop3A_452 = vector.broadcast %parallel_loop3A_451 : f32 to vector<16xf32>
      %parallel_loop3A_453 = arith.mulf %parallel_loop3A_450, %parallel_loop3A_452 : vector<16xf32>
      %parallel_loop3A_454 = arith.constant 0 : i32
      %parallel_loop3A_455 = arith.index_cast %parallel_loop3A_454 : i32 to index
      %parallel_loop3A_456 = arith.index_cast %parallel_loop3A_412 : i32 to index
      %parallel_loop3A_457 = arith.constant 32 : index
      %parallel_loop3A_458 = tpu.vector_load %arg6[%parallel_loop3A_455, %parallel_loop3A_456, %parallel_loop3A_457] {strides = array<i32>} : memref<3x200x128xf32, #tpu.memory_space<vmem>>, vector<1x1x16xf32>,
      %parallel_loop3A_459 = vector.shape_cast %parallel_loop3A_458 : vector<1x1x16xf32> to vector<16xf32>
      %parallel_loop3A_460 = vector.shape_cast %parallel_loop3A_453 : vector<16xf32> to vector<1x1x16xf32>
      tpu.vector_store %arg6[%parallel_loop3A_455, %parallel_loop3A_456, %parallel_loop3A_457], %parallel_loop3A_460 {strides = array<i32>} : memref<3x200x128xf32, #tpu.memory_space<vmem>>, vector<1x1x16xf32>,
      %parallel_loop3A_461 = arith.constant 0 : i32
      %parallel_loop3A_462 = arith.index_cast %parallel_loop3A_461 : i32 to index
      %parallel_loop3A_463 = arith.index_cast %parallel_loop3A_412 : i32 to index
      %parallel_loop3A_464 = arith.constant 48 : index
      %parallel_loop3A_465 = tpu.vector_load %arg6[%parallel_loop3A_462, %parallel_loop3A_463, %parallel_loop3A_464] {strides = array<i32>} : memref<3x200x128xf32, #tpu.memory_space<vmem>>, vector<1x1x16xf32>,
      %parallel_loop3A_466 = vector.shape_cast %parallel_loop3A_465 : vector<1x1x16xf32> to vector<16xf32>
      %parallel_loop3A_467 = arith.constant 11.3137083 : f32
      %parallel_loop3A_468 = vector.broadcast %parallel_loop3A_467 : f32 to vector<16xf32>
      %parallel_loop3A_469 = arith.mulf %parallel_loop3A_466, %parallel_loop3A_468 : vector<16xf32>
      %parallel_loop3A_470 = arith.constant 0 : i32
      %parallel_loop3A_471 = arith.index_cast %parallel_loop3A_470 : i32 to index
      %parallel_loop3A_472 = arith.index_cast %parallel_loop3A_412 : i32 to index
      %parallel_loop3A_473 = arith.constant 48 : index
      %parallel_loop3A_474 = tpu.vector_load %arg6[%parallel_loop3A_471, %parallel_loop3A_472, %parallel_loop3A_473] {strides = array<i32>} : memref<3x200x128xf32, #tpu.memory_space<vmem>>, vector<1x1x16xf32>,
      %parallel_loop3A_475 = vector.shape_cast %parallel_loop3A_474 : vector<1x1x16xf32> to vector<16xf32>
      %parallel_loop3A_476 = vector.shape_cast %parallel_loop3A_469 : vector<16xf32> to vector<1x1x16xf32>
      tpu.vector_store %arg6[%parallel_loop3A_471, %parallel_loop3A_472, %parallel_loop3A_473], %parallel_loop3A_476 {strides = array<i32>} : memref<3x200x128xf32, #tpu.memory_space<vmem>>, vector<1x1x16xf32>,
      %parallel_loop3A_477 = arith.constant 0 : i32
      %parallel_loop3A_478 = arith.index_cast %parallel_loop3A_477 : i32 to index
      %parallel_loop3A_479 = arith.index_cast %parallel_loop3A_412 : i32 to index
      %parallel_loop3A_480 = arith.constant 64 : index
      %parallel_loop3A_481 = tpu.vector_load %arg6[%parallel_loop3A_478, %parallel_loop3A_479, %parallel_loop3A_480] {strides = array<i32>} : memref<3x200x128xf32, #tpu.memory_space<vmem>>, vector<1x1x16xf32>,
      %parallel_loop3A_482 = vector.shape_cast %parallel_loop3A_481 : vector<1x1x16xf32> to vector<16xf32>
      %parallel_loop3A_483 = arith.constant 11.3137083 : f32
      %parallel_loop3A_484 = vector.broadcast %parallel_loop3A_483 : f32 to vector<16xf32>
      %parallel_loop3A_485 = arith.mulf %parallel_loop3A_482, %parallel_loop3A_484 : vector<16xf32>
      %parallel_loop3A_486 = arith.constant 0 : i32
      %parallel_loop3A_487 = arith.index_cast %parallel_loop3A_486 : i32 to index
      %parallel_loop3A_488 = arith.index_cast %parallel_loop3A_412 : i32 to index
      %parallel_loop3A_489 = arith.constant 64 : index
      %parallel_loop3A_490 = tpu.vector_load %arg6[%parallel_loop3A_487, %parallel_loop3A_488, %parallel_loop3A_489] {strides = array<i32>} : memref<3x200x128xf32, #tpu.memory_space<vmem>>, vector<1x1x16xf32>,
      %parallel_loop3A_491 = vector.shape_cast %parallel_loop3A_490 : vector<1x1x16xf32> to vector<16xf32>
      %parallel_loop3A_492 = vector.shape_cast %parallel_loop3A_485 : vector<16xf32> to vector<1x1x16xf32>
      tpu.vector_store %arg6[%parallel_loop3A_487, %parallel_loop3A_488, %parallel_loop3A_489], %parallel_loop3A_492 {strides = array<i32>} : memref<3x200x128xf32, #tpu.memory_space<vmem>>, vector<1x1x16xf32>,
      %parallel_loop3A_493 = arith.constant 0 : i32
      %parallel_loop3A_494 = arith.index_cast %parallel_loop3A_493 : i32 to index
      %parallel_loop3A_495 = arith.index_cast %parallel_loop3A_412 : i32 to index
      %parallel_loop3A_496 = arith.constant 80 : index
      %parallel_loop3A_497 = tpu.vector_load %arg6[%parallel_loop3A_494, %parallel_loop3A_495, %parallel_loop3A_496] {strides = array<i32>} : memref<3x200x128xf32, #tpu.memory_space<vmem>>, vector<1x1x16xf32>,
      %parallel_loop3A_498 = vector.shape_cast %parallel_loop3A_497 : vector<1x1x16xf32> to vector<16xf32>
      %parallel_loop3A_499 = arith.constant 11.3137083 : f32
      %parallel_loop3A_500 = vector.broadcast %parallel_loop3A_499 : f32 to vector<16xf32>
      %parallel_loop3A_501 = arith.mulf %parallel_loop3A_498, %parallel_loop3A_500 : vector<16xf32>
      %parallel_loop3A_502 = arith.constant 0 : i32
      %parallel_loop3A_503 = arith.index_cast %parallel_loop3A_502 : i32 to index
      %parallel_loop3A_504 = arith.index_cast %parallel_loop3A_412 : i32 to index
      %parallel_loop3A_505 = arith.constant 80 : index
      %parallel_loop3A_506 = tpu.vector_load %arg6[%parallel_loop3A_503, %parallel_loop3A_504, %parallel_loop3A_505] {strides = array<i32>} : memref<3x200x128xf32, #tpu.memory_space<vmem>>, vector<1x1x16xf32>,
      %parallel_loop3A_507 = vector.shape_cast %parallel_loop3A_506 : vector<1x1x16xf32> to vector<16xf32>
      %parallel_loop3A_508 = vector.shape_cast %parallel_loop3A_501 : vector<16xf32> to vector<1x1x16xf32>
      tpu.vector_store %arg6[%parallel_loop3A_503, %parallel_loop3A_504, %parallel_loop3A_505], %parallel_loop3A_508 {strides = array<i32>} : memref<3x200x128xf32, #tpu.memory_space<vmem>>, vector<1x1x16xf32>,
      %parallel_loop3A_509 = arith.constant 0 : i32
      %parallel_loop3A_510 = arith.index_cast %parallel_loop3A_509 : i32 to index
      %parallel_loop3A_511 = arith.index_cast %parallel_loop3A_412 : i32 to index
      %parallel_loop3A_512 = arith.constant 96 : index
      %parallel_loop3A_513 = tpu.vector_load %arg6[%parallel_loop3A_510, %parallel_loop3A_511, %parallel_loop3A_512] {strides = array<i32>} : memref<3x200x128xf32, #tpu.memory_space<vmem>>, vector<1x1x16xf32>,
      %parallel_loop3A_514 = vector.shape_cast %parallel_loop3A_513 : vector<1x1x16xf32> to vector<16xf32>
      %parallel_loop3A_515 = arith.constant 11.3137083 : f32
      %parallel_loop3A_516 = vector.broadcast %parallel_loop3A_515 : f32 to vector<16xf32>
      %parallel_loop3A_517 = arith.mulf %parallel_loop3A_514, %parallel_loop3A_516 : vector<16xf32>
      %parallel_loop3A_518 = arith.constant 0 : i32
      %parallel_loop3A_519 = arith.index_cast %parallel_loop3A_518 : i32 to index
      %parallel_loop3A_520 = arith.index_cast %parallel_loop3A_412 : i32 to index
      %parallel_loop3A_521 = arith.constant 96 : index
      %parallel_loop3A_522 = tpu.vector_load %arg6[%parallel_loop3A_519, %parallel_loop3A_520, %parallel_loop3A_521] {strides = array<i32>} : memref<3x200x128xf32, #tpu.memory_space<vmem>>, vector<1x1x16xf32>,
      %parallel_loop3A_523 = vector.shape_cast %parallel_loop3A_522 : vector<1x1x16xf32> to vector<16xf32>
      %parallel_loop3A_524 = vector.shape_cast %parallel_loop3A_517 : vector<16xf32> to vector<1x1x16xf32>
      tpu.vector_store %arg6[%parallel_loop3A_519, %parallel_loop3A_520, %parallel_loop3A_521], %parallel_loop3A_524 {strides = array<i32>} : memref<3x200x128xf32, #tpu.memory_space<vmem>>, vector<1x1x16xf32>,
      %parallel_loop3A_525 = arith.constant 0 : i32
      %parallel_loop3A_526 = arith.index_cast %parallel_loop3A_525 : i32 to index
      %parallel_loop3A_527 = arith.index_cast %parallel_loop3A_412 : i32 to index
      %parallel_loop3A_528 = arith.constant 112 : index
      %parallel_loop3A_529 = tpu.vector_load %arg6[%parallel_loop3A_526, %parallel_loop3A_527, %parallel_loop3A_528] {strides = array<i32>} : memref<3x200x128xf32, #tpu.memory_space<vmem>>, vector<1x1x16xf32>,
      %parallel_loop3A_530 = vector.shape_cast %parallel_loop3A_529 : vector<1x1x16xf32> to vector<16xf32>
      %parallel_loop3A_531 = arith.constant 11.3137083 : f32
      %parallel_loop3A_532 = vector.broadcast %parallel_loop3A_531 : f32 to vector<16xf32>
      %parallel_loop3A_533 = arith.mulf %parallel_loop3A_530, %parallel_loop3A_532 : vector<16xf32>
      %parallel_loop3A_534 = arith.constant 0 : i32
      %parallel_loop3A_535 = arith.index_cast %parallel_loop3A_534 : i32 to index
      %parallel_loop3A_536 = arith.index_cast %parallel_loop3A_412 : i32 to index
      %parallel_loop3A_537 = arith.constant 112 : index
      %parallel_loop3A_538 = tpu.vector_load %arg6[%parallel_loop3A_535, %parallel_loop3A_536, %parallel_loop3A_537] {strides = array<i32>} : memref<3x200x128xf32, #tpu.memory_space<vmem>>, vector<1x1x16xf32>,
      %parallel_loop3A_539 = vector.shape_cast %parallel_loop3A_538 : vector<1x1x16xf32> to vector<16xf32>
      %parallel_loop3A_540 = vector.shape_cast %parallel_loop3A_533 : vector<16xf32> to vector<1x1x16xf32>
      tpu.vector_store %arg6[%parallel_loop3A_535, %parallel_loop3A_536, %parallel_loop3A_537], %parallel_loop3A_540 {strides = array<i32>} : memref<3x200x128xf32, #tpu.memory_space<vmem>>, vector<1x1x16xf32>,
    } {sc.loop_unroll_factor = 4 : i64, sc.parallel_access}
    %add3A_325 = arith.constant 25200 : i32
    %add3A_326 = arith.addi %mul3A_2, %add3A_325 : i32
    %dma_start3A_327 = arith.constant 0 : i32
    %dma_start3A_328 = arith.constant 0 : i32
    %dma_start3A_329 = arith.constant 0 : i32
    %dma_start3A_330 = tpu.memref_slice %arg6[%dma_start3A_327, %dma_start3A_328, %dma_start3A_329] : memref<3x200x128xf32, #tpu.memory_space<vmem>> -> memref<1x200x128xf32, #tpu.memory_space<vmem>>
    %dma_start3A_331 = tpu.memref_squeeze %dma_start3A_330 : memref<1x200x128xf32, #tpu.memory_space<vmem>> -> memref<200x128xf32, #tpu.memory_space<vmem>>
    %dma_start3A_332 = arith.constant 0 : i32
    %dma_start3A_333 = tpu.memref_slice %arg4[%add3A_326, %dma_start3A_332] : memref<819200x128xf32, #tpu.memory_space<hbm>> -> memref<200x128xf32, #tpu.memory_space<hbm>>
    %dma_start3A_334 = arith.constant 0 : i32
    %dma_start3A_335 = tpu.memref_slice %arg4[%add3A_326, %dma_start3A_334] : memref<819200x128xf32, #tpu.memory_space<hbm>> -> memref<200x128xf32, #tpu.memory_space<hbm>>
    %dma_start3A_336 = arith.constant 0 : i32
    %dma_start3A_337 = arith.constant 0 : i32
    %dma_start3A_338 = tpu.memref_slice %arg6[%dma_start3A_327, %dma_start3A_336, %dma_start3A_337] : memref<3x200x128xf32, #tpu.memory_space<vmem>> -> memref<1x200x128xf32, #tpu.memory_space<vmem>>
    %dma_start3A_339 = tpu.memref_squeeze %dma_start3A_338 : memref<1x200x128xf32, #tpu.memory_space<vmem>> -> memref<200x128xf32, #tpu.memory_space<vmem>>
    tpu.enqueue_dma source(%dma_start3A_339 : memref<200x128xf32, #tpu.memory_space<vmem>>) target(%dma_start3A_335 : memref<200x128xf32, #tpu.memory_space<hbm>>) target_semaphore(%arg10 : memref<!tpu.dma_semaphore, #tpu.memory_space<semaphore_mem>>)
    %add3A_340 = arith.constant 25200 : i32
    %add3A_341 = arith.addi %mul3A_2, %add3A_340 : i32
    %dma_wait3A_342 = arith.constant 0 : i32
    %dma_wait3A_343 = arith.constant 0 : i32
    %dma_wait3A_344 = arith.constant 0 : i32
    %dma_wait3A_345 = tpu.memref_slice %arg6[%dma_wait3A_342, %dma_wait3A_343, %dma_wait3A_344] : memref<3x200x128xf32, #tpu.memory_space<vmem>> -> memref<1x200x128xf32, #tpu.memory_space<vmem>>
    %dma_wait3A_346 = tpu.memref_squeeze %dma_wait3A_345 : memref<1x200x128xf32, #tpu.memory_space<vmem>> -> memref<200x128xf32, #tpu.memory_space<vmem>>
    %dma_wait3A_347 = arith.constant 0 : i32
    %dma_wait3A_348 = tpu.memref_slice %arg4[%add3A_341, %dma_wait3A_347] : memref<819200x128xf32, #tpu.memory_space<hbm>> -> memref<200x128xf32, #tpu.memory_space<hbm>>
    %dma_wait3A_349 = arith.constant 0 : i32
    %dma_wait3A_350 = tpu.memref_slice %arg4[%add3A_341, %dma_wait3A_349] : memref<819200x128xf32, #tpu.memory_space<hbm>> -> memref<200x128xf32, #tpu.memory_space<hbm>>
    %dma_wait3A_351 = arith.constant 0 : i32
    %dma_wait3A_352 = arith.constant 0 : i32
    %dma_wait3A_353 = tpu.memref_slice %arg6[%dma_wait3A_342, %dma_wait3A_351, %dma_wait3A_352] : memref<3x200x128xf32, #tpu.memory_space<vmem>> -> memref<1x200x128xf32, #tpu.memory_space<vmem>>
    %dma_wait3A_354 = tpu.memref_squeeze %dma_wait3A_353 : memref<1x200x128xf32, #tpu.memory_space<vmem>> -> memref<200x128xf32, #tpu.memory_space<vmem>>
    tpu.wait_dma2 semaphore(%arg10 : memref<!tpu.dma_semaphore, #tpu.memory_space<semaphore_mem>>) src(%dma_wait3A_354 : memref<200x128xf32, #tpu.memory_space<vmem>>) dst(%dma_wait3A_350 : memref<200x128xf32, #tpu.memory_space<hbm>>)
    %dma_wait3A_355 = arith.constant 127 : i32
    %dma_wait3A_356 = arith.constant 1 : i32
    %dma_wait3A_357 = arith.constant 0 : i32
    %dma_wait3A_358 = arith.constant 0 : i32
    %dma_wait3A_359 = tpu.memref_slice %arg6[%dma_wait3A_356, %dma_wait3A_357, %dma_wait3A_358] : memref<3x200x128xf32, #tpu.memory_space<vmem>> -> memref<1x128x128xf32, #tpu.memory_space<vmem>>
    %dma_wait3A_360 = tpu.memref_squeeze %dma_wait3A_359 : memref<1x128x128xf32, #tpu.memory_space<vmem>> -> memref<128x128xf32, #tpu.memory_space<vmem>>
    %dma_wait3A_361 = arith.constant 0 : i32
    %dma_wait3A_362 = tpu.memref_slice %arg5[%dma_wait3A_355, %dma_wait3A_361] : memref<128x200xi32, #tpu.memory_space<vmem>> -> memref<1x128xi32, #tpu.memory_space<vmem>>
    %dma_wait3A_363 = tpu.memref_squeeze %dma_wait3A_362 : memref<1x128xi32, #tpu.memory_space<vmem>> -> memref<128xi32, #tpu.memory_space<vmem>>
    %dma_wait3A_364 = arith.constant 0 : i32
    %dma_wait3A_365 = arith.constant 0 : i32
    %dma_wait3A_366 = tpu.memref_slice %arg3[%dma_wait3A_364, %dma_wait3A_365] : memref<100000x128xf32, #tpu.memory_space<hbm>> -> memref<100000x128xf32, #tpu.memory_space<hbm>>
    tpu.wait_indirect_dma semaphore(%arg8 : memref<!tpu.dma_semaphore, #tpu.memory_space<semaphore_mem>>) src(%dma_wait3A_366 : memref<100000x128xf32, #tpu.memory_space<hbm>>) dst(%dma_wait3A_360 : memref<128x128xf32, #tpu.memory_space<vmem>>)
    %dma_wait3A_367 = arith.constant 127 : i32
    %dma_wait3A_368 = arith.constant 1 : i32
    %dma_wait3A_369 = arith.constant 128 : i32
    %dma_wait3A_370 = arith.constant 0 : i32
    %dma_wait3A_371 = tpu.memref_slice %arg6[%dma_wait3A_368, %dma_wait3A_369, %dma_wait3A_370] : memref<3x200x128xf32, #tpu.memory_space<vmem>> -> memref<1x72x128xf32, #tpu.memory_space<vmem>>
    %dma_wait3A_372 = tpu.memref_squeeze %dma_wait3A_371 : memref<1x72x128xf32, #tpu.memory_space<vmem>> -> memref<72x128xf32, #tpu.memory_space<vmem>>
    %dma_wait3A_373 = arith.constant 128 : i32
    %dma_wait3A_374 = tpu.memref_slice %arg5[%dma_wait3A_367, %dma_wait3A_373] : memref<128x200xi32, #tpu.memory_space<vmem>> -> memref<1x72xi32, #tpu.memory_space<vmem>>
    %dma_wait3A_375 = tpu.memref_squeeze %dma_wait3A_374 : memref<1x72xi32, #tpu.memory_space<vmem>> -> memref<72xi32, #tpu.memory_space<vmem>>
    %dma_wait3A_376 = arith.constant 0 : i32
    %dma_wait3A_377 = arith.constant 0 : i32
    %dma_wait3A_378 = tpu.memref_slice %arg3[%dma_wait3A_376, %dma_wait3A_377] : memref<100000x128xf32, #tpu.memory_space<hbm>> -> memref<100000x128xf32, #tpu.memory_space<hbm>>
    tpu.wait_indirect_dma semaphore(%arg8 : memref<!tpu.dma_semaphore, #tpu.memory_space<semaphore_mem>>) src(%dma_wait3A_378 : memref<100000x128xf32, #tpu.memory_space<hbm>>) dst(%dma_wait3A_372 : memref<72x128xf32, #tpu.memory_space<vmem>>)
    %parallel_loop3A_379 = arith.constant 0 : i32
    %parallel_loop3A_380 = arith.constant 200 : i32
    %parallel_loop3A_381 = arith.constant 1 : i32
    scf.for %parallel_loop3A_412 = %parallel_loop3A_379 to %parallel_loop3A_380 step %parallel_loop3A_381  : i32 {
      %parallel_loop3A_413 = arith.constant 1 : i32
      %parallel_loop3A_414 = arith.index_cast %parallel_loop3A_413 : i32 to index
      %parallel_loop3A_415 = arith.index_cast %parallel_loop3A_412 : i32 to index
      %parallel_loop3A_416 = arith.constant 0 : index
      %parallel_loop3A_417 = tpu.vector_load %arg6[%parallel_loop3A_414, %parallel_loop3A_415, %parallel_loop3A_416] {strides = array<i32>} : memref<3x200x128xf32, #tpu.memory_space<vmem>>, vector<1x1x16xf32>,
      %parallel_loop3A_418 = vector.shape_cast %parallel_loop3A_417 : vector<1x1x16xf32> to vector<16xf32>
      %parallel_loop3A_419 = arith.constant 11.3137083 : f32
      %parallel_loop3A_420 = vector.broadcast %parallel_loop3A_419 : f32 to vector<16xf32>
      %parallel_loop3A_421 = arith.mulf %parallel_loop3A_418, %parallel_loop3A_420 : vector<16xf32>
      %parallel_loop3A_422 = arith.constant 1 : i32
      %parallel_loop3A_423 = arith.index_cast %parallel_loop3A_422 : i32 to index
      %parallel_loop3A_424 = arith.index_cast %parallel_loop3A_412 : i32 to index
      %parallel_loop3A_425 = arith.constant 0 : index
      %parallel_loop3A_426 = tpu.vector_load %arg6[%parallel_loop3A_423, %parallel_loop3A_424, %parallel_loop3A_425] {strides = array<i32>} : memref<3x200x128xf32, #tpu.memory_space<vmem>>, vector<1x1x16xf32>,
      %parallel_loop3A_427 = vector.shape_cast %parallel_loop3A_426 : vector<1x1x16xf32> to vector<16xf32>
      %parallel_loop3A_428 = vector.shape_cast %parallel_loop3A_421 : vector<16xf32> to vector<1x1x16xf32>
      tpu.vector_store %arg6[%parallel_loop3A_423, %parallel_loop3A_424, %parallel_loop3A_425], %parallel_loop3A_428 {strides = array<i32>} : memref<3x200x128xf32, #tpu.memory_space<vmem>>, vector<1x1x16xf32>,
      %parallel_loop3A_429 = arith.constant 1 : i32
      %parallel_loop3A_430 = arith.index_cast %parallel_loop3A_429 : i32 to index
      %parallel_loop3A_431 = arith.index_cast %parallel_loop3A_412 : i32 to index
      %parallel_loop3A_432 = arith.constant 16 : index
      %parallel_loop3A_433 = tpu.vector_load %arg6[%parallel_loop3A_430, %parallel_loop3A_431, %parallel_loop3A_432] {strides = array<i32>} : memref<3x200x128xf32, #tpu.memory_space<vmem>>, vector<1x1x16xf32>,
      %parallel_loop3A_434 = vector.shape_cast %parallel_loop3A_433 : vector<1x1x16xf32> to vector<16xf32>
      %parallel_loop3A_435 = arith.constant 11.3137083 : f32
      %parallel_loop3A_436 = vector.broadcast %parallel_loop3A_435 : f32 to vector<16xf32>
      %parallel_loop3A_437 = arith.mulf %parallel_loop3A_434, %parallel_loop3A_436 : vector<16xf32>
      %parallel_loop3A_438 = arith.constant 1 : i32
      %parallel_loop3A_439 = arith.index_cast %parallel_loop3A_438 : i32 to index
      %parallel_loop3A_440 = arith.index_cast %parallel_loop3A_412 : i32 to index
      %parallel_loop3A_441 = arith.constant 16 : index
      %parallel_loop3A_442 = tpu.vector_load %arg6[%parallel_loop3A_439, %parallel_loop3A_440, %parallel_loop3A_441] {strides = array<i32>} : memref<3x200x128xf32, #tpu.memory_space<vmem>>, vector<1x1x16xf32>,
      %parallel_loop3A_443 = vector.shape_cast %parallel_loop3A_442 : vector<1x1x16xf32> to vector<16xf32>
      %parallel_loop3A_444 = vector.shape_cast %parallel_loop3A_437 : vector<16xf32> to vector<1x1x16xf32>
      tpu.vector_store %arg6[%parallel_loop3A_439, %parallel_loop3A_440, %parallel_loop3A_441], %parallel_loop3A_444 {strides = array<i32>} : memref<3x200x128xf32, #tpu.memory_space<vmem>>, vector<1x1x16xf32>,
      %parallel_loop3A_445 = arith.constant 1 : i32
      %parallel_loop3A_446 = arith.index_cast %parallel_loop3A_445 : i32 to index
      %parallel_loop3A_447 = arith.index_cast %parallel_loop3A_412 : i32 to index
      %parallel_loop3A_448 = arith.constant 32 : index
      %parallel_loop3A_449 = tpu.vector_load %arg6[%parallel_loop3A_446, %parallel_loop3A_447, %parallel_loop3A_448] {strides = array<i32>} : memref<3x200x128xf32, #tpu.memory_space<vmem>>, vector<1x1x16xf32>,
      %parallel_loop3A_450 = vector.shape_cast %parallel_loop3A_449 : vector<1x1x16xf32> to vector<16xf32>
      %parallel_loop3A_451 = arith.constant 11.3137083 : f32
      %parallel_loop3A_452 = vector.broadcast %parallel_loop3A_451 : f32 to vector<16xf32>
      %parallel_loop3A_453 = arith.mulf %parallel_loop3A_450, %parallel_loop3A_452 : vector<16xf32>
      %parallel_loop3A_454 = arith.constant 1 : i32
      %parallel_loop3A_455 = arith.index_cast %parallel_loop3A_454 : i32 to index
      %parallel_loop3A_456 = arith.index_cast %parallel_loop3A_412 : i32 to index
      %parallel_loop3A_457 = arith.constant 32 : index
      %parallel_loop3A_458 = tpu.vector_load %arg6[%parallel_loop3A_455, %parallel_loop3A_456, %parallel_loop3A_457] {strides = array<i32>} : memref<3x200x128xf32, #tpu.memory_space<vmem>>, vector<1x1x16xf32>,
      %parallel_loop3A_459 = vector.shape_cast %parallel_loop3A_458 : vector<1x1x16xf32> to vector<16xf32>
      %parallel_loop3A_460 = vector.shape_cast %parallel_loop3A_453 : vector<16xf32> to vector<1x1x16xf32>
      tpu.vector_store %arg6[%parallel_loop3A_455, %parallel_loop3A_456, %parallel_loop3A_457], %parallel_loop3A_460 {strides = array<i32>} : memref<3x200x128xf32, #tpu.memory_space<vmem>>, vector<1x1x16xf32>,
      %parallel_loop3A_461 = arith.constant 1 : i32
      %parallel_loop3A_462 = arith.index_cast %parallel_loop3A_461 : i32 to index
      %parallel_loop3A_463 = arith.index_cast %parallel_loop3A_412 : i32 to index
      %parallel_loop3A_464 = arith.constant 48 : index
      %parallel_loop3A_465 = tpu.vector_load %arg6[%parallel_loop3A_462, %parallel_loop3A_463, %parallel_loop3A_464] {strides = array<i32>} : memref<3x200x128xf32, #tpu.memory_space<vmem>>, vector<1x1x16xf32>,
      %parallel_loop3A_466 = vector.shape_cast %parallel_loop3A_465 : vector<1x1x16xf32> to vector<16xf32>
      %parallel_loop3A_467 = arith.constant 11.3137083 : f32
      %parallel_loop3A_468 = vector.broadcast %parallel_loop3A_467 : f32 to vector<16xf32>
      %parallel_loop3A_469 = arith.mulf %parallel_loop3A_466, %parallel_loop3A_468 : vector<16xf32>
      %parallel_loop3A_470 = arith.constant 1 : i32
      %parallel_loop3A_471 = arith.index_cast %parallel_loop3A_470 : i32 to index
      %parallel_loop3A_472 = arith.index_cast %parallel_loop3A_412 : i32 to index
      %parallel_loop3A_473 = arith.constant 48 : index
      %parallel_loop3A_474 = tpu.vector_load %arg6[%parallel_loop3A_471, %parallel_loop3A_472, %parallel_loop3A_473] {strides = array<i32>} : memref<3x200x128xf32, #tpu.memory_space<vmem>>, vector<1x1x16xf32>,
      %parallel_loop3A_475 = vector.shape_cast %parallel_loop3A_474 : vector<1x1x16xf32> to vector<16xf32>
      %parallel_loop3A_476 = vector.shape_cast %parallel_loop3A_469 : vector<16xf32> to vector<1x1x16xf32>
      tpu.vector_store %arg6[%parallel_loop3A_471, %parallel_loop3A_472, %parallel_loop3A_473], %parallel_loop3A_476 {strides = array<i32>} : memref<3x200x128xf32, #tpu.memory_space<vmem>>, vector<1x1x16xf32>,
      %parallel_loop3A_477 = arith.constant 1 : i32
      %parallel_loop3A_478 = arith.index_cast %parallel_loop3A_477 : i32 to index
      %parallel_loop3A_479 = arith.index_cast %parallel_loop3A_412 : i32 to index
      %parallel_loop3A_480 = arith.constant 64 : index
      %parallel_loop3A_481 = tpu.vector_load %arg6[%parallel_loop3A_478, %parallel_loop3A_479, %parallel_loop3A_480] {strides = array<i32>} : memref<3x200x128xf32, #tpu.memory_space<vmem>>, vector<1x1x16xf32>,
      %parallel_loop3A_482 = vector.shape_cast %parallel_loop3A_481 : vector<1x1x16xf32> to vector<16xf32>
      %parallel_loop3A_483 = arith.constant 11.3137083 : f32
      %parallel_loop3A_484 = vector.broadcast %parallel_loop3A_483 : f32 to vector<16xf32>
      %parallel_loop3A_485 = arith.mulf %parallel_loop3A_482, %parallel_loop3A_484 : vector<16xf32>
      %parallel_loop3A_486 = arith.constant 1 : i32
      %parallel_loop3A_487 = arith.index_cast %parallel_loop3A_486 : i32 to index
      %parallel_loop3A_488 = arith.index_cast %parallel_loop3A_412 : i32 to index
      %parallel_loop3A_489 = arith.constant 64 : index
      %parallel_loop3A_490 = tpu.vector_load %arg6[%parallel_loop3A_487, %parallel_loop3A_488, %parallel_loop3A_489] {strides = array<i32>} : memref<3x200x128xf32, #tpu.memory_space<vmem>>, vector<1x1x16xf32>,
      %parallel_loop3A_491 = vector.shape_cast %parallel_loop3A_490 : vector<1x1x16xf32> to vector<16xf32>
      %parallel_loop3A_492 = vector.shape_cast %parallel_loop3A_485 : vector<16xf32> to vector<1x1x16xf32>
      tpu.vector_store %arg6[%parallel_loop3A_487, %parallel_loop3A_488, %parallel_loop3A_489], %parallel_loop3A_492 {strides = array<i32>} : memref<3x200x128xf32, #tpu.memory_space<vmem>>, vector<1x1x16xf32>,
      %parallel_loop3A_493 = arith.constant 1 : i32
      %parallel_loop3A_494 = arith.index_cast %parallel_loop3A_493 : i32 to index
      %parallel_loop3A_495 = arith.index_cast %parallel_loop3A_412 : i32 to index
      %parallel_loop3A_496 = arith.constant 80 : index
      %parallel_loop3A_497 = tpu.vector_load %arg6[%parallel_loop3A_494, %parallel_loop3A_495, %parallel_loop3A_496] {strides = array<i32>} : memref<3x200x128xf32, #tpu.memory_space<vmem>>, vector<1x1x16xf32>,
      %parallel_loop3A_498 = vector.shape_cast %parallel_loop3A_497 : vector<1x1x16xf32> to vector<16xf32>
      %parallel_loop3A_499 = arith.constant 11.3137083 : f32
      %parallel_loop3A_500 = vector.broadcast %parallel_loop3A_499 : f32 to vector<16xf32>
      %parallel_loop3A_501 = arith.mulf %parallel_loop3A_498, %parallel_loop3A_500 : vector<16xf32>
      %parallel_loop3A_502 = arith.constant 1 : i32
      %parallel_loop3A_503 = arith.index_cast %parallel_loop3A_502 : i32 to index
      %parallel_loop3A_504 = arith.index_cast %parallel_loop3A_412 : i32 to index
      %parallel_loop3A_505 = arith.constant 80 : index
      %parallel_loop3A_506 = tpu.vector_load %arg6[%parallel_loop3A_503, %parallel_loop3A_504, %parallel_loop3A_505] {strides = array<i32>} : memref<3x200x128xf32, #tpu.memory_space<vmem>>, vector<1x1x16xf32>,
      %parallel_loop3A_507 = vector.shape_cast %parallel_loop3A_506 : vector<1x1x16xf32> to vector<16xf32>
      %parallel_loop3A_508 = vector.shape_cast %parallel_loop3A_501 : vector<16xf32> to vector<1x1x16xf32>
      tpu.vector_store %arg6[%parallel_loop3A_503, %parallel_loop3A_504, %parallel_loop3A_505], %parallel_loop3A_508 {strides = array<i32>} : memref<3x200x128xf32, #tpu.memory_space<vmem>>, vector<1x1x16xf32>,
      %parallel_loop3A_509 = arith.constant 1 : i32
      %parallel_loop3A_510 = arith.index_cast %parallel_loop3A_509 : i32 to index
      %parallel_loop3A_511 = arith.index_cast %parallel_loop3A_412 : i32 to index
      %parallel_loop3A_512 = arith.constant 96 : index
      %parallel_loop3A_513 = tpu.vector_load %arg6[%parallel_loop3A_510, %parallel_loop3A_511, %parallel_loop3A_512] {strides = array<i32>} : memref<3x200x128xf32, #tpu.memory_space<vmem>>, vector<1x1x16xf32>,
      %parallel_loop3A_514 = vector.shape_cast %parallel_loop3A_513 : vector<1x1x16xf32> to vector<16xf32>
      %parallel_loop3A_515 = arith.constant 11.3137083 : f32
      %parallel_loop3A_516 = vector.broadcast %parallel_loop3A_515 : f32 to vector<16xf32>
      %parallel_loop3A_517 = arith.mulf %parallel_loop3A_514, %parallel_loop3A_516 : vector<16xf32>
      %parallel_loop3A_518 = arith.constant 1 : i32
      %parallel_loop3A_519 = arith.index_cast %parallel_loop3A_518 : i32 to index
      %parallel_loop3A_520 = arith.index_cast %parallel_loop3A_412 : i32 to index
      %parallel_loop3A_521 = arith.constant 96 : index
      %parallel_loop3A_522 = tpu.vector_load %arg6[%parallel_loop3A_519, %parallel_loop3A_520, %parallel_loop3A_521] {strides = array<i32>} : memref<3x200x128xf32, #tpu.memory_space<vmem>>, vector<1x1x16xf32>,
      %parallel_loop3A_523 = vector.shape_cast %parallel_loop3A_522 : vector<1x1x16xf32> to vector<16xf32>
      %parallel_loop3A_524 = vector.shape_cast %parallel_loop3A_517 : vector<16xf32> to vector<1x1x16xf32>
      tpu.vector_store %arg6[%parallel_loop3A_519, %parallel_loop3A_520, %parallel_loop3A_521], %parallel_loop3A_524 {strides = array<i32>} : memref<3x200x128xf32, #tpu.memory_space<vmem>>, vector<1x1x16xf32>,
      %parallel_loop3A_525 = arith.constant 1 : i32
      %parallel_loop3A_526 = arith.index_cast %parallel_loop3A_525 : i32 to index
      %parallel_loop3A_527 = arith.index_cast %parallel_loop3A_412 : i32 to index
      %parallel_loop3A_528 = arith.constant 112 : index
      %parallel_loop3A_529 = tpu.vector_load %arg6[%parallel_loop3A_526, %parallel_loop3A_527, %parallel_loop3A_528] {strides = array<i32>} : memref<3x200x128xf32, #tpu.memory_space<vmem>>, vector<1x1x16xf32>,
      %parallel_loop3A_530 = vector.shape_cast %parallel_loop3A_529 : vector<1x1x16xf32> to vector<16xf32>
      %parallel_loop3A_531 = arith.constant 11.3137083 : f32
      %parallel_loop3A_532 = vector.broadcast %parallel_loop3A_531 : f32 to vector<16xf32>
      %parallel_loop3A_533 = arith.mulf %parallel_loop3A_530, %parallel_loop3A_532 : vector<16xf32>
      %parallel_loop3A_534 = arith.constant 1 : i32
      %parallel_loop3A_535 = arith.index_cast %parallel_loop3A_534 : i32 to index
      %parallel_loop3A_536 = arith.index_cast %parallel_loop3A_412 : i32 to index
      %parallel_loop3A_537 = arith.constant 112 : index
      %parallel_loop3A_538 = tpu.vector_load %arg6[%parallel_loop3A_535, %parallel_loop3A_536, %parallel_loop3A_537] {strides = array<i32>} : memref<3x200x128xf32, #tpu.memory_space<vmem>>, vector<1x1x16xf32>,
      %parallel_loop3A_539 = vector.shape_cast %parallel_loop3A_538 : vector<1x1x16xf32> to vector<16xf32>
      %parallel_loop3A_540 = vector.shape_cast %parallel_loop3A_533 : vector<16xf32> to vector<1x1x16xf32>
      tpu.vector_store %arg6[%parallel_loop3A_535, %parallel_loop3A_536, %parallel_loop3A_537], %parallel_loop3A_540 {strides = array<i32>} : memref<3x200x128xf32, #tpu.memory_space<vmem>>, vector<1x1x16xf32>,
    } {sc.loop_unroll_factor = 4 : i64, sc.parallel_access}
    %add3A_382 = arith.constant 25400 : i32
    %add3A_383 = arith.addi %mul3A_2, %add3A_382 : i32
    %dma_start3A_384 = arith.constant 1 : i32
    %dma_start3A_385 = arith.constant 0 : i32
    %dma_start3A_386 = arith.constant 0 : i32
    %dma_start3A_387 = tpu.memref_slice %arg6[%dma_start3A_384, %dma_start3A_385, %dma_start3A_386] : memref<3x200x128xf32, #tpu.memory_space<vmem>> -> memref<1x200x128xf32, #tpu.memory_space<vmem>>
    %dma_start3A_388 = tpu.memref_squeeze %dma_start3A_387 : memref<1x200x128xf32, #tpu.memory_space<vmem>> -> memref<200x128xf32, #tpu.memory_space<vmem>>
    %dma_start3A_389 = arith.constant 0 : i32
    %dma_start3A_390 = tpu.memref_slice %arg4[%add3A_383, %dma_start3A_389] : memref<819200x128xf32, #tpu.memory_space<hbm>> -> memref<200x128xf32, #tpu.memory_space<hbm>>
    %dma_start3A_391 = arith.constant 0 : i32
    %dma_start3A_392 = tpu.memref_slice %arg4[%add3A_383, %dma_start3A_391] : memref<819200x128xf32, #tpu.memory_space<hbm>> -> memref<200x128xf32, #tpu.memory_space<hbm>>
    %dma_start3A_393 = arith.constant 0 : i32
    %dma_start3A_394 = arith.constant 0 : i32
    %dma_start3A_395 = tpu.memref_slice %arg6[%dma_start3A_384, %dma_start3A_393, %dma_start3A_394] : memref<3x200x128xf32, #tpu.memory_space<vmem>> -> memref<1x200x128xf32, #tpu.memory_space<vmem>>
    %dma_start3A_396 = tpu.memref_squeeze %dma_start3A_395 : memref<1x200x128xf32, #tpu.memory_space<vmem>> -> memref<200x128xf32, #tpu.memory_space<vmem>>
    tpu.enqueue_dma source(%dma_start3A_396 : memref<200x128xf32, #tpu.memory_space<vmem>>) target(%dma_start3A_392 : memref<200x128xf32, #tpu.memory_space<hbm>>) target_semaphore(%arg11 : memref<!tpu.dma_semaphore, #tpu.memory_space<semaphore_mem>>)
    %add3A_397 = arith.constant 25400 : i32
    %add3A_398 = arith.addi %mul3A_2, %add3A_397 : i32
    %dma_wait3A_399 = arith.constant 1 : i32
    %dma_wait3A_400 = arith.constant 0 : i32
    %dma_wait3A_401 = arith.constant 0 : i32
    %dma_wait3A_402 = tpu.memref_slice %arg6[%dma_wait3A_399, %dma_wait3A_400, %dma_wait3A_401] : memref<3x200x128xf32, #tpu.memory_space<vmem>> -> memref<1x200x128xf32, #tpu.memory_space<vmem>>
    %dma_wait3A_403 = tpu.memref_squeeze %dma_wait3A_402 : memref<1x200x128xf32, #tpu.memory_space<vmem>> -> memref<200x128xf32, #tpu.memory_space<vmem>>
    %dma_wait3A_404 = arith.constant 0 : i32
    %dma_wait3A_405 = tpu.memref_slice %arg4[%add3A_398, %dma_wait3A_404] : memref<819200x128xf32, #tpu.memory_space<hbm>> -> memref<200x128xf32, #tpu.memory_space<hbm>>
    %dma_wait3A_406 = arith.constant 0 : i32
    %dma_wait3A_407 = tpu.memref_slice %arg4[%add3A_398, %dma_wait3A_406] : memref<819200x128xf32, #tpu.memory_space<hbm>> -> memref<200x128xf32, #tpu.memory_space<hbm>>
    %dma_wait3A_408 = arith.constant 0 : i32
    %dma_wait3A_409 = arith.constant 0 : i32
    %dma_wait3A_410 = tpu.memref_slice %arg6[%dma_wait3A_399, %dma_wait3A_408, %dma_wait3A_409] : memref<3x200x128xf32, #tpu.memory_space<vmem>> -> memref<1x200x128xf32, #tpu.memory_space<vmem>>
    %dma_wait3A_411 = tpu.memref_squeeze %dma_wait3A_410 : memref<1x200x128xf32, #tpu.memory_space<vmem>> -> memref<200x128xf32, #tpu.memory_space<vmem>>
    tpu.wait_dma2 semaphore(%arg11 : memref<!tpu.dma_semaphore, #tpu.memory_space<semaphore_mem>>) src(%dma_wait3A_411 : memref<200x128xf32, #tpu.memory_space<vmem>>) dst(%dma_wait3A_407 : memref<200x128xf32, #tpu.memory_space<hbm>>)
    return
  }
}

</mosaic_0001>

<sc_bundles>
// kernel: _sc_gather.3.cloned.1.call-start
scs
__scs_entry_jumppad:
0x0: {  	(pc) =	sbr.rel $0x88, $3  }
0x1: {  	(tag) =	ssettag $0x0;
	lr =	simm.s32 $0x1  }
0x2: {  	[smem:$0x3F9F] =	sst lr;
	_ =	strace $0xD0000000  }
0x3: {  	_ = 	snop  }
0x4: {  	_ = 	snop  }
0x5: {  	_ = 	snop  }
0x6: {  	_ = 	snop  }
0x7: {  	_ = 	snop  }
__scs_overlays_trampoline_lowered:
0x8: {  	[smem:$0x3FAE] =	sst s0  }
0x9: {  	[smem:$0x3FAF] =	sst s1  }
0xa: {  	[smem:$0x3FB0] =	sst s2  }
0xb: {  	[smem:$0x3FB1] =	sst s3  }
0xc: {  	[smem:$0x3FB2] =	sst s4  }
0xd: {  	[smem:$0x3FB3] =	sst s5  }
0xe: {  	[smem:$0x3FB4] =	sst s6  }
0xf: {  	[smem:$0x3FB5] =	sst s7  }
0x10: {  	[smem:$0x3FB6] =	sst s8  }
0x11: {  	[smem:$0x3FB7] =	sst s9;
	s0 =	simm.s32 @!p0 $0x0  }
0x12: {  	s1 =	sld [smem:$0x3F9D];
	s0 =	simm.s32 @p0 $0x1  }
0x13: {  	[smem:$0x3FB8] =	sst s0;
	s0 =	simm.s32 @!p1 $0x0  }
0x14: {  	s2 =	sld [smem:$0x3F9C];
	s0 =	simm.s32 @p1 $0x1  }
0x15: {  	[smem:$0x3FB9] =	sst s0;
	s0 =	simm.s32 @!p2 $0x0  }
0x16: {  	s3 =	sld [smem:$0x3FDB];
	s0 =	simm.s32 @p2 $0x1  }
0x17: {  	s4 =	simm.s32 $0x1BF5;
	[smem:$0x3FBB] =	sst s0  }
0x18: {  	s0 =	sld [smem:$0x3F9E];
	_ =	swait.ge [sflag:s4], $0x0  }
0x19: {  	s7 =	sld [smem:$0x3F9F]  }
0x1a: {  	s8 =	sadd.s32 $0xFFFFE003, lr  }
0x1b: {  	s9 =	sadd.s32 $0xFFFFFEF7, lr;
	s5 =	simm.s32 $0xFFFFFFFF;
	p2 =	slt.u32 s8, $0xFFFFF086  }
0x1c: {  	p1 =	slt.u32 s9, $0xF7A;
	s5 =	simm.s32 @!p2 $0x0  }
0x1d: {  	s5 =	simm.s32 @p1 $0x1;
	p0 =	seq.s32 s7, s2  }
0x1e: {  	s7 =	smul.u32 @!p0 $0xF7A, s2;
	p2 =	seq.s32 @!p0 s5, $0x0  }
0x1f: {  	s9 =	smul.u32 $0xF7A, s1;
	s8 =	simm.s32 @!p0 $0x1BF5;
	p2 =	por !p2, p0  }
0x20: {  	[sflag:s8] =	ssyncset.s32 @!p0 $0xFFFFF086;
	s6 =	sadd.s32 @!p0 s3, s7;
	s7 =	simm.s32 @!p0 $0x108  }
0x21: {  	s3 =	sadd.s32 s3, s9;
	s6 =	sadd.s32 @!p0 $0x88, s6;
	s7 =	simm.s32 @p2 $0x1082  }
0x22: {  	[simem:s7], [sflag:s8] =	dma.local @!p0 [hbm:s6], $0xF7A  }
0x23: {  	s9 =	sor.u32 $0xD0000000, s2;
	s6 =	simm.s32 $0x108;
	_ =	swait.ge @!p0 [sflag:s8], $0x0  }
0x24: {  	s3 =	sadd.s32 $0x88, s3;
	s6 =	simm.s32 @!p1 $0x1082;
	[sflag:s4] =	ssyncset.s32 $0xFFFFF086  }
0x25: {  	[simem:s6], [sflag:s4] =	dma.local [hbm:s3], $0xF7A  }
0x26: {  	[smem:$0x3F9F] =	sst s1;
	(tag) =	ssettag s2;
	_ =	strace s9  }
0x27: {  	s1 =	sld [smem:$0x3FAF]  }
0x28: {  	s2 =	sld [smem:$0x3FB0]  }
0x29: {  	s4 =	sld [smem:$0x3FB2]  }
0x2a: {  	p0 =	seq.s32 s5, $0x0;
	s5 =	sld [smem:$0x3FB3]  }
0x2b: {  	s6 =	sld [smem:$0x3FB4]  }
0x2c: {  	s7 =	sld [smem:$0x3FB5]  }
0x2d: {  	s3 =	simm.s32 $0x108;
	s8 =	sld [smem:$0x3FB6]  }
0x2e: {  	s3 =	simm.s32 @!p0 $0x1082;
	s9 =	sld [smem:$0x3FB7]  }
0x2f: {  	lr =	sadd.s32 s0, s3;
	s0 =	sld [smem:$0x3FAE]  }
0x30: {  	s3 =	sld [smem:$0x3FB1]  }
0x31: {  	[smem:$0x3FBA] =	sst s10  }
0x32: {  	s10 =	sld [smem:$0x3FB8];
	_ =	sdelay $0x3  }
0x33: {  	p0 =	seq.s32 s10, $0x1;
	s10 =	sld [smem:$0x3FBA];
	_ =	sdelay $0x3  }
0x34: {  	[smem:$0x3FBA] =	sst s10  }
0x35: {  	s10 =	sld [smem:$0x3FB9];
	_ =	sdelay $0x3  }
0x36: {  	p1 =	seq.s32 s10, $0x1;
	s10 =	sld [smem:$0x3FBA];
	_ =	sdelay $0x3  }
0x37: {  	[smem:$0x3FBA] =	sst s10  }
0x38: {  	s10 =	sld [smem:$0x3FBB]  }
0x39: {  	_ = 	snop;
	(pc) =	sbr.ind lr, $3  }
0x3a: {  	_ = 	snop  }
0x3b: {  	_ = 	snop  }
0x3c: {  	p2 =	seq.s32 s10, $0x1;
	s10 =	sld [smem:$0x3FBA]  }
0x3d: {  	_ =	shalt  }
0x3e: {  	_ =	shalt  }
0x3f: {  	_ =	shalt  }
0x40: {  	_ =	shalt  }
0x41: {  	_ =	shalt  }
0x42: {  	_ =	shalt  }
0x43: {  	_ =	shalt  }
0x44: {  	_ =	shalt  }
0x45: {  	_ =	shalt  }
0x46: {  	_ =	shalt  }
0x47: {  	_ =	shalt  }
0x48: {  	_ =	shalt  }
0x49: {  	_ =	shalt  }
0x4a: {  	_ =	shalt  }
0x4b: {  	_ =	shalt  }
0x4c: {  	_ =	shalt  }
0x4d: {  	_ =	shalt  }
0x4e: {  	_ =	shalt  }
0x4f: {  	_ =	shalt  }
0x50: {  	_ =	shalt  }
0x51: {  	_ =	shalt  }
0x52: {  	_ =	shalt  }
0x53: {  	_ =	shalt  }
0x54: {  	_ =	shalt  }
0x55: {  	_ =	shalt  }
0x56: {  	_ =	shalt  }
0x57: {  	_ =	shalt  }
0x58: {  	_ =	shalt  }
0x59: {  	_ =	shalt  }
0x5a: {  	_ =	shalt  }
0x5b: {  	_ =	shalt  }
0x5c: {  	_ =	shalt  }
0x5d: {  	_ =	shalt  }
0x5e: {  	_ =	shalt  }
0x5f: {  	_ =	shalt  }
0x60: {  	_ =	shalt  }
0x61: {  	_ =	shalt  }
0x62: {  	_ =	shalt  }
0x63: {  	_ =	shalt  }
0x64: {  	_ =	shalt  }
0x65: {  	_ =	shalt  }
0x66: {  	_ =	shalt  }
0x67: {  	_ =	shalt  }
0x68: {  	_ =	shalt  }
0x69: {  	_ =	shalt  }
0x6a: {  	_ =	shalt  }
0x6b: {  	_ =	shalt  }
0x6c: {  	_ =	shalt  }
0x6d: {  	_ =	shalt  }
0x6e: {  	_ =	shalt  }
0x6f: {  	_ =	shalt  }
0x70: {  	_ =	shalt  }
0x71: {  	_ =	shalt  }
0x72: {  	_ =	shalt  }
0x73: {  	_ =	shalt  }
0x74: {  	_ =	shalt  }
0x75: {  	_ =	shalt  }
0x76: {  	_ =	shalt  }
0x77: {  	_ =	shalt  }
0x78: {  	_ =	shalt  }
0x79: {  	_ =	shalt  }
0x7a: {  	_ =	shalt  }
0x7b: {  	_ =	shalt  }
0x7c: {  	_ =	shalt  }
0x7d: {  	_ =	shalt  }
0x7e: {  	_ =	shalt  }
0x7f: {  	_ =	shalt  }
0x80: {  	_ =	shalt  }
0x81: {  	_ =	shalt  }
0x82: {  	_ =	shalt  }
0x83: {  	_ =	shalt  }
0x84: {  	_ =	shalt  }
0x85: {  	_ =	shalt  }
0x86: {  	_ =	shalt  }
0x87: {  	_ =	shalt  }
.Lfunc_end0:
.L_simem_size_0:
called_computation_lowered:
.L_overlay_start_0:
0x88: {  	s2 =	sld [smem:$0x3FD9]  }
0x89: {  	s3 =	sld [smem:$0x3FFE];
	_ =	sdelay $0x1  }
0x8a: {  	s1 =	srdreg.scid  }
0x8b: {  	s0 =	sand.u32 $0x1, s1  }
0x8c: {  	s17 =	sshll.u32 s0, $0xA;
	s2 =	sadd.s32 s3, s2  }
0x8d: {  	s2 =	sadd.s32 s2, s17  }
0x8e: {  	[smem:$0x3FC6] =	sst s2  }
0x8f: {  	_ = 	snop  }
0x90: {  	s2 =	sld [smem:$0x3FC8]  }
0x91: {  	s18 =	sld [smem:$0x3FD0];
	(tm) =	ssettm $0x1  }
0x92: {  	s4 =	sld [smem:$0x3FFB];
	_ =	sdelay $0x3  }
0x93: {  	_ =	strace s4  }
0x94: {  	s4 =	sld [smem:$0x3FFC];
	_ =	sdelay $0x3  }
0x95: {  	_ =	strace s4  }
0x96: {  	s4 =	sld [smem:$0x3FFD];
	_ =	sdelay $0x3  }
0x97: {  	_ =	strace s4  }
0x98: {  	_ =	strace $0x8FFFFFFF  }
0x99: {  	s19 =	sld [smem:$0x3FDB];
	_ =	sdelay $0x1  }
0x9a: {  	s5 =	simm.s32 $_scs_section_size  }
0x9b: {  	s6 =	simm.s32 $_size__tile_overlayer_lowered;
	s7 =	simm.s32 $_tile_overlayer_lowered  }
0x9c: {  	s22 =	simm.s32 $0x1BFF;
	s21 =	sshll.u32 s7, $0x1;
	s4 =	sadd.s32 s5, s19  }
0x9d: {  	s8 =	simm.s32 $0x0;
	s20 =	sshll.u32 s6, $0x1;
	s6 =	sadd.s32 s21, s4  }
0x9e: {  	[timem:s8], [sflag:s22] =	dma.local [hbm:s6], s20  }
0x9f: {  	_ =	swait.ge [sflag:s22], s20  }
0xa0: {  	s5 =	ssub.s32 $0x0, s20;
	[sflag:s22] =	ssyncset.done $0x0  }
0xa1: {  	[sflag:s22] =	ssyncadd.s32 s5;
	_ =	sdelay $0x1  }
0xa2: {  	s23 =	simm.s32 $0x1B8B  }
0xa3: {  	_ =	swait.ge [sflag:s23], $0x1  }
0xa4: {  	[sflag:s23] =	ssyncset.done $0x0  }
0xa5: {  	s25 =	simm.s32 $0x1B8E;
	s24 =	sld [smem:$0x3FFE];
	[sflag:s23] =	ssyncadd.s32 $0xFFFFFFFF  }
0xa6: {  	s26 =	simm.s32 $execute0_lowered;
	[smem:$0x3FD2] =	sst s25  }
0xa7: {  	s6 =	sshll.u32 s26, $0x1;
	_ =	strace $0x80000046;
	[dreg:$0x1] =	wrdreg $0xFFFFFFFF  }
0xa8: {  	s28 =	simm.s32 $_size_execute0_lowered;
	s4 =	sadd.s32 s4, s6;
	[dreg:$0x0] =	wrdreg $0x0  }
0xa9: {  	s6 =	sshll.u32 s28, $0x1;
	[dreg:$0x2] =	wrdreg s4  }
0xaa: {  	[dreg:$0x3] =	wrdreg s6  }
0xab: {  	[dreg:$0x4] =	wrdreg $0xC0  }
0xac: {  	_ =	task [dreg:s8], $0x5FFFF  }
0xad: {  	[dreg:$0x1] =	wrdreg $0xFFFFFFFF  }
0xae: {  	[dreg:$0x0] =	wrdreg $0x60  }
0xaf: {  	[dreg:$0x2] =	wrdreg s24  }
0xb0: {  	[dreg:$0x3] =	wrdreg s2  }
0xb1: {  	[dreg:$0x4] =	wrdreg s18  }
0xb2: {  	[dreg:$0x5] =	wrdreg $0x9  }
0xb3: {  	_ =	task.clear_ibuf [dreg:s8], $0x6FFFF;
	_ =	strace $0x90000046  }
0xb4: {  	s29 =	simm.s32 $0x9;
	_ =	strace $0x80000048  }
0xb5: {  	_ =	swait.ge [sflag:s29], $0x1  }
0xb6: {  	[sflag:s29] =	ssyncadd.s32 $0xFFFFFFFF  }
0xb7: {  	_ =	strace $0x90000048  }
0xb8: {  	_ =	sfence  }
0xb9: {  	s30 =	sld [smem:$0x0];
	_ =	sdelay $0x2  }
0xba: {  	s31 =	sshll.u32 s1, $0xD;
	s1 =	sshrl.u32 s1, $0x2  }
0xbb: {  	s3 =	sand.u32 $0x4000, s31;
	s1 =	sadd.s32 s1, s30  }
0xbc: {  	s0 =	sor.u32 s3, s0;
	s1 =	sshll.u32 s1, $0x11  }
0xbd: {  	s0 =	sor.u32 s1, s0  }
0xbe: {  	s0 =	sadd.s32 $0x8F2B, s0  }
0xbf: {  	[sflag:s0] =	ssyncadd.remote.s32 $0x1  }
0xc0: {  	_ =	sfence.sel $0xFFFF  }
0xc1: {  	[dreg:$0x0] =	wrdreg $0xFFFFFFFF;
	(pc) =	sbr.abs _section_cstart, $3  }
0xc2: {  	[dreg:$0x1] =	wrdreg $0xFFFFFFFF  }
0xc3: {  	_ =	task.clear_ibuf [dreg:s8], $0x2FFFF;
	_ =	strace $0x9FFFFFFF  }
0xc4: {  	(tm) =	ssettm $0x7FFFFFFF  }
0xc5: {  	_ =	shalt  }
tec
execute0_lowered:
.L_overlay_start_1:
0x0: {  	(tag) =	ssettag $0x1  }
0x1: {  	s0 =	rddreg [dreg:$0x0]  }
0x2: {  	s2 =	rddreg [dreg:$0x1]  }
0x3: {  	s3 =	rddreg [dreg:$0x2]  }
0x4: {  	s1 =	srdreg.scid;
	s5 =	stileid.u32;
	s4 =	simm.s32 $0x0  }
0x5: {  	s15 =	simm.s32 $0x7;
	s16 =	simm.s32 $0x80;
	s17 =	simm.s32 $0x8000  }
0x6: {  	s18 =	simm.s32 $0x48;
	s20 =	simm.s32 $0xC000;
	s21 =	simm.s32 $0xE400  }
0x7: {  	s28 =	simm.s32 $0x18800;
	s1 =	sand.u32 $0x1, s1;
	s5 =	sshll.u32 s5, $0x1  }
0x8: {  	s29 =	simm.s32 $0x1;
	s30 =	simm.s32 $0x4;
	s6 =	sor.u32 s1, s5  }
0x9: {  	s31 =	simm.s32 $0x2;
	s19 =	simm.s32 $0x6;
	s5 =	smul.u32 $0x6400, s6  }
0xa: {  	[smem:$0x7FF] =	sst s4;
	s1 =	ssub.s32 $0x2, s1;
	s8 =	smul.u32 $0x320000, s6  }
0xb: {  	s7 =	sshll.u32 s6, $0xC;
	s22 =	sshrl.u32 s1, $0x1;
	s6 =	smul.u32 $0x64000, s6  }
0xc: {  	_ =	strace $0x80000047;
	s0 =	sadd.s32 s7, s0;
	s1 =	ssub.s32 s1, s22  }
0xd: {  	s0 =	sadd.s32 $0x400, s0;
	s23 =	sshrl.u32 s8, $0x3;
	s6 =	sadd.s32 s3, s6  }
0xe: {  	s8 =	sor.u32 $0xC8, s5;
	s9 =	sor.u32 $0x190, s5;
	s14 =	smax.u32 s1, $0x1  }
0xf: {  	s1 =	simm.s32 $0x3;
	[dreg:$0x4] =	wrdreg s0;
	s0 =	sadd.s32 s3, s23  }
0x10: {  	[dreg:$0x5] =	wrdreg s6;
	s23 =	simm.s32 $0x12400;
	s24 =	sadd.s32 $0x60E00, s0  }
0x11: {  	s25 =	sadd.s32 $0x61A80, s0;
	s26 =	sadd.s32 $0x62700, s0;
	[dreg:$0x6] =	wrdreg s24  }
0x12: {  	s13 =	sadd.s32 $0x63380, s0;
	s0 =	simm.s32 $0x5;
	[dreg:$0x7] =	wrdreg s25  }
0x13: {  	[dreg:$0x8] =	wrdreg s26;
	s25 =	simm.s32 $0x14800;
	s24 =	simm.s32 $0x0  }
.LBB2_1:
0x14: {  	s6 =	rddreg [dreg:$0x4]  }
0x15: {  	[tilespmem:s4], [sflag:$0x7] =	stream.linear.gather [hbm4b:s6+s4], $0x8000, $0x38;
	[tilespmem:$0x1AC00] =	vst v63  }
0x16: {  	_ =	swait.ge [sflag:s15], $0x8000  }
0x17: {  	[sflag:s15] =	ssyncset.done $0x0  }
0x18: {  	[sflag:s15] =	ssyncadd.s32 $0xFFFF8000  }
0x19: {  	[tilespmem:s17], [sflag:$0x1] =	stream.indirect.gather [hbm4b:s2+s16], $0x80, s4, s16, $0xb8;
	[tilespmem:$0x1AC00] =	vst v63  }
0x1a: {  	s11 =	simm.s32 $0x400  }
0x1b: {  	[tilespmem:s20], [sflag:$0x1] =	stream.indirect.gather [hbm4b:s2+s18], $0x80, s11, s18, $0xb8;
	[tilespmem:$0x1AC00] =	vst v63  }
0x1c: {  	_ = 	snop  }
0x1d: {  	[tilespmem:s21], [sflag:$0x2] =	stream.indirect.gather [hbm4b:s2+s16], $0x80, s16, s16, $0xb8;
	[tilespmem:$0x1AC00] =	vst v63  }
0x1e: {  	s12 =	simm.s32 $0x480  }
0x1f: {  	[tilespmem:s23], [sflag:$0x2] =	stream.indirect.gather [hbm4b:s2+s18], $0x80, s12, s18, $0xb8;
	[tilespmem:$0x1AC00] =	vst v63  }
0x20: {  	s22 =	simm.s32 $0x100  }
0x21: {  	[tilespmem:s25], [sflag:$0x3] =	stream.indirect.gather [hbm4b:s2+s16], $0x80, s22, s16, $0xb8;
	[tilespmem:$0x1AC00] =	vst v63  }
0x22: {  	s26 =	simm.s32 $0x500  }
0x23: {  	[tilespmem:s28], [sflag:$0x3] =	stream.indirect.gather [hbm4b:s2+s18], $0x80, s26, s18, $0xb8;
	[tilespmem:$0x1AC00] =	vst v63  }
0x24: {  	_ =	swait.ge [sflag:s29], $0x4000  }
0x25: {  	[sflag:s29] =	ssyncset.done $0x0  }
0x26: {  	[sflag:s29] =	ssyncadd.s32 $0xFFFFC000  }
0x27: {  	_ =	swait.ge [sflag:s29], $0x2400  }
0x28: {  	[sflag:s29] =	ssyncset.done $0x0  }
0x29: {  	s6 =	simm.s32 $0x8100;
	[sflag:s29] =	ssyncadd.s32 $0xFFFFDC00  }
0x2a: {  	v0 =	vld [tilespmem:s6+$0xF0]  }
0x2b: {  	v1 =	vld [tilespmem:s6+$0xFFFFFF10]  }
0x2c: {  	v2 =	vld [tilespmem:s6+$0xFFFFFF20]  }
0x2d: {  	v3 =	vld [tilespmem:s6+$0xFFFFFF30]  }
0x2e: {  	v6 =	vld [tilespmem:s6+$0xFFFFFF60]  }
0x2f: {  	v4 =	vld [tilespmem:s6+$0xFFFFFF40]  }
0x30: {  	v5 =	vld [tilespmem:s6+$0xFFFFFF50];
	v0 =	vmul.f32 $1.131370830e+01, v0  }
0x31: {  	v8 =	vld [tilespmem:s6+$0xFFFFFF80];
	v1 =	vmul.f32 $1.131370830e+01, v1  }
0x32: {  	v7 =	vld [tilespmem:s6+$0xFFFFFF70];
	v2 =	vmul.f32 $1.131370830e+01, v2;
	[tilespmem:s6+$0xF0] =	vst v0  }
0x33: {  	v6 =	vmul.f32 $1.131370830e+01, v6;
	v0 =	vld [tilespmem:s6+$0xFFFFFF90];
	[tilespmem:s6+$0xFFFFFF10] =	vst v1  }
0x34: {  	v1 =	vmul.f32 $1.131370830e+01, v3;
	v3 =	vld [tilespmem:s6+$0xFFFFFFA0];
	[tilespmem:s6+$0xFFFFFF20] =	vst v2;
	v2 =	vmul.f32 $1.131370830e+01, v4  }
0x35: {  	[tilespmem:s6+$0xFFFFFF60] =	vst v6;
	v6 =	vld [tilespmem:s6+$0xFFFFFFF0]  }
0x36: {  	v4 =	vld [tilespmem:s6+$0xFFFFFFB0];
	[tilespmem:s6+$0xFFFFFF40] =	vst v2;
	v2 =	vmul.f32 $1.131370830e+01, v8  }
0x37: {  	[tilespmem:s6+$0xFFFFFF30] =	vst v1;
	v1 =	vmul.f32 $1.131370830e+01, v5;
	v5 =	vld [tilespmem:s6+$0xFFFFFFC0]  }
0x38: {  	v8 =	vld [tilespmem:s6+$0xFFFFFFD0];
	[tilespmem:s6+$0xFFFFFF80] =	vst v2;
	v2 =	vmul.f32 $1.131370830e+01, v7  }
0x39: {  	[tilespmem:s6+$0xFFFFFF50] =	vst v1;
	v1 =	vld [tilespmem:s6+$0xFFFFFFE0];
	v0 =	vmul.f32 $1.131370830e+01, v0  }
0x3a: {  	v7 =	vld [tilespmem:s6+$0x30];
	v6 =	vmul.f32 $1.131370830e+01, v6;
	[tilespmem:s6+$0xFFFFFF70] =	vst v2  }
0x3b: {  	v2 =	vmul.f32 $1.131370830e+01, v3;
	v3 =	vld [tilespmem:s6+$0x0];
	[tilespmem:s6+$0xFFFFFF90] =	vst v0  }
0x3c: {  	v0 =	vmul.f32 $1.131370830e+01, v4;
	v4 =	vld [tilespmem:s6+$0x10];
	[tilespmem:s6+$0xFFFFFFF0] =	vst v6  }
0x3d: {  	[tilespmem:s6+$0xFFFFFFA0] =	vst v2;
	v2 =	vmul.f32 $1.131370830e+01, v5;
	v5 =	vld [tilespmem:s6+$0x20]  }
0x3e: {  	v6 =	vld [tilespmem:s6+$0x80];
	[tilespmem:s6+$0xFFFFFFB0] =	vst v0;
	v0 =	vmul.f32 $1.131370830e+01, v8  }
0x3f: {  	v1 =	vmul.f32 $1.131370830e+01, v1;
	[tilespmem:s6+$0xFFFFFFC0] =	vst v2;
	v2 =	vld [tilespmem:s6+$0x40]  }
0x40: {  	[tilespmem:s6+$0xFFFFFFD0] =	vst v0;
	v0 =	vmul.f32 $1.131370830e+01, v3  }
0x41: {  	v3 =	vld [tilespmem:s6+$0x50];
	[tilespmem:s6+$0xFFFFFFE0] =	vst v1;
	v4 =	vmul.f32 $1.131370830e+01, v4  }
0x42: {  	v1 =	vld [tilespmem:s6+$0x60];
	[tilespmem:s6+$0x0] =	vst v0;
	v0 =	vmul.f32 $1.131370830e+01, v5  }
0x43: {  	v6 =	vmul.f32 $1.131370830e+01, v6;
	v5 =	vld [tilespmem:s6+$0x70];
	[tilespmem:s6+$0x10] =	vst v4  }
0x44: {  	v4 =	vmul.f32 $1.131370830e+01, v7;
	v7 =	vld [tilespmem:s6+$0x90];
	[tilespmem:s6+$0x20] =	vst v0;
	v0 =	vmul.f32 $1.131370830e+01, v2  }
0x45: {  	v8 =	vld [tilespmem:s6+$0xA0];
	[tilespmem:s6+$0x80] =	vst v6  }
0x46: {  	v2 =	vmul.f32 $1.131370830e+01, v3;
	[tilespmem:s6+$0x40] =	vst v0;
	v0 =	vld [tilespmem:s6+$0xB0]  }
0x47: {  	[tilespmem:s6+$0x30] =	vst v4;
	v3 =	vmul.f32 $1.131370830e+01, v1;
	v1 =	vld [tilespmem:s6+$0xC0]  }
0x48: {  	[tilespmem:s6+$0x50] =	vst v2;
	v4 =	vmul.f32 $1.131370830e+01, v5;
	v2 =	vld [tilespmem:s6+$0xD0]  }
0x49: {  	[tilespmem:s6+$0x60] =	vst v3;
	v3 =	vld [tilespmem:s6+$0xE0];
	v5 =	vmul.f32 $1.131370830e+01, v7  }
0x4a: {  	s7 =	simm.s32 $0x0;
	s10 =	simm.s32 $0x8300;
	v6 =	vmul.f32 $1.131370830e+01, v8;
	[tilespmem:s6+$0x70] =	vst v4;
	v4 =	vld [tilespmem:s6+$0xFFFFFF00]  }
.LBB2_2:
0x4b: {  	v7 =	vld [tilespmem:s10+$0xF0];
	s7 =	sadd.s32 $0x4, s7;
	[tilespmem:s6+$0x90] =	vst v5;
	v0 =	vmul.f32 $1.131370830e+01, v0  }
0x4c: {  	v5 =	vld [tilespmem:s10+$0xFFFFFF10];
	p0 =	slt.u32 s7, $0xC4;
	[tilespmem:s6+$0xA0] =	vst v6;
	v1 =	vmul.f32 $1.131370830e+01, v1  }
0x4d: {  	v6 =	vld [tilespmem:s10+$0xFFFFFF20];
	[tilespmem:s6+$0xB0] =	vst v0;
	v0 =	vmul.f32 $1.131370830e+01, v2  }
0x4e: {  	v2 =	vld [tilespmem:s10+$0xFFFFFF30];
	[tilespmem:s6+$0xC0] =	vst v1;
	v1 =	vmul.f32 $1.131370830e+01, v3  }
0x4f: {  	v3 =	vld [tilespmem:s10+$0xFFFFFF40];
	v4 =	vmul.f32 $1.131370830e+01, v4;
	[tilespmem:s6+$0xD0] =	vst v0  }
0x50: {  	v0 =	vld [tilespmem:s10+$0xFFFFFF50];
	v7 =	vmul.f32 $1.131370830e+01, v7;
	[tilespmem:s6+$0xE0] =	vst v1  }
0x51: {  	v1 =	vmul.f32 $1.131370830e+01, v5;
	v5 =	vld [tilespmem:s10+$0xFFFFFF60];
	[tilespmem:s6+$0xFFFFFF00] =	vst v4;
	s6 =	smov.u32 s10  }
0x52: {  	v4 =	vmul.f32 $1.131370830e+01, v6;
	v6 =	vld [tilespmem:s10+$0xFFFFFF70];
	[tilespmem:s10+$0xF0] =	vst v7  }
0x53: {  	[tilespmem:s10+$0xFFFFFF10] =	vst v1;
	v1 =	vmul.f32 $1.131370830e+01, v2;
	v2 =	vld [tilespmem:s10+$0xFFFFFF80]  }
0x54: {  	[tilespmem:s10+$0xFFFFFF20] =	vst v4;
	v3 =	vmul.f32 $1.131370830e+01, v3;
	v4 =	vld [tilespmem:s10+$0xFFFFFF90]  }
0x55: {  	[tilespmem:s10+$0xFFFFFF30] =	vst v1;
	v0 =	vmul.f32 $1.131370830e+01, v0;
	v1 =	vld [tilespmem:s10+$0xFFFFFFA0]  }
0x56: {  	[tilespmem:s10+$0xFFFFFF40] =	vst v3;
	v3 =	vmul.f32 $1.131370830e+01, v5;
	v5 =	vld [tilespmem:s10+$0xFFFFFFB0]  }
0x57: {  	[tilespmem:s10+$0xFFFFFF50] =	vst v0;
	v0 =	vmul.f32 $1.131370830e+01, v6;
	v6 =	vld [tilespmem:s10+$0xFFFFFFC0]  }
0x58: {  	[tilespmem:s10+$0xFFFFFF60] =	vst v3;
	v2 =	vmul.f32 $1.131370830e+01, v2;
	v3 =	vld [tilespmem:s10+$0xFFFFFFD0]  }
0x59: {  	[tilespmem:s10+$0xFFFFFF70] =	vst v0;
	v0 =	vmul.f32 $1.131370830e+01, v4;
	v4 =	vld [tilespmem:s10+$0xFFFFFFE0]  }
0x5a: {  	[tilespmem:s10+$0xFFFFFF80] =	vst v2;
	v1 =	vmul.f32 $1.131370830e+01, v1;
	v2 =	vld [tilespmem:s10+$0xFFFFFFF0]  }
0x5b: {  	[tilespmem:s10+$0xFFFFFF90] =	vst v0;
	v0 =	vmul.f32 $1.131370830e+01, v5;
	v5 =	vld [tilespmem:s10+$0x0]  }
0x5c: {  	[tilespmem:s10+$0xFFFFFFA0] =	vst v1;
	v1 =	vmul.f32 $1.131370830e+01, v6;
	v6 =	vld [tilespmem:s10+$0x10]  }
0x5d: {  	[tilespmem:s10+$0xFFFFFFB0] =	vst v0;
	v0 =	vmul.f32 $1.131370830e+01, v3;
	v3 =	vld [tilespmem:s10+$0x20]  }
0x5e: {  	[tilespmem:s10+$0xFFFFFFC0] =	vst v1;
	v1 =	vmul.f32 $1.131370830e+01, v4;
	v4 =	vld [tilespmem:s10+$0x30]  }
0x5f: {  	[tilespmem:s10+$0xFFFFFFD0] =	vst v0;
	v0 =	vmul.f32 $1.131370830e+01, v2;
	v2 =	vld [tilespmem:s10+$0x40]  }
0x60: {  	[tilespmem:s10+$0xFFFFFFE0] =	vst v1;
	v1 =	vmul.f32 $1.131370830e+01, v5;
	v5 =	vld [tilespmem:s10+$0x50]  }
0x61: {  	[tilespmem:s10+$0xFFFFFFF0] =	vst v0;
	v0 =	vmul.f32 $1.131370830e+01, v6;
	v6 =	vld [tilespmem:s10+$0x60]  }
0x62: {  	[tilespmem:s10+$0x0] =	vst v1;
	v1 =	vmul.f32 $1.131370830e+01, v3;
	v3 =	vld [tilespmem:s10+$0x70]  }
0x63: {  	[tilespmem:s10+$0x10] =	vst v0;
	v0 =	vmul.f32 $1.131370830e+01, v4;
	v4 =	vld [tilespmem:s10+$0x80]  }
0x64: {  	[tilespmem:s10+$0x20] =	vst v1;
	v1 =	vmul.f32 $1.131370830e+01, v2;
	v7 =	vld [tilespmem:s10+$0x90]  }
0x65: {  	[tilespmem:s10+$0x30] =	vst v0;
	v2 =	vmul.f32 $1.131370830e+01, v5;
	v8 =	vld [tilespmem:s10+$0xA0]  }
.Ltmp0:
0x66: {  	[tilespmem:s10+$0x40] =	vst v1;
	v5 =	vmul.f32 $1.131370830e+01, v6;
	v0 =	vld [tilespmem:s10+$0xB0];
	(pc) =	sbr.rel @p0 .LBB2_2-.Ltmp0, $4  }
0x67: {  	[tilespmem:s10+$0x50] =	vst v2;
	v3 =	vmul.f32 $1.131370830e+01, v3;
	v1 =	vld [tilespmem:s10+$0xC0]  }
0x68: {  	[tilespmem:s10+$0x60] =	vst v5;
	v6 =	vmul.f32 $1.131370830e+01, v4;
	v2 =	vld [tilespmem:s10+$0xD0]  }
0x69: {  	[tilespmem:s10+$0x70] =	vst v3;
	v5 =	vmul.f32 $1.131370830e+01, v7;
	v3 =	vld [tilespmem:s10+$0xE0]  }
0x6a: {  	s10 =	sadd.s32 $0x200, s10;
	v4 =	vld [tilespmem:s6+$0xFFFFFF00];
	[tilespmem:s6+$0x80] =	vst v6;
	v6 =	vmul.f32 $1.131370830e+01, v8  }
0x6b: {  	[tilespmem:s6+$0x90] =	vst v5;
	v0 =	vmul.f32 $1.131370830e+01, v0  }
0x6c: {  	[tilespmem:s6+$0xA0] =	vst v6;
	v1 =	vmul.f32 $1.131370830e+01, v1  }
0x6d: {  	[tilespmem:s6+$0xB0] =	vst v0;
	v61 =	vmul.f32 $1.131370830e+01, v2  }
0x6e: {  	[tilespmem:s6+$0xC0] =	vst v1;
	v62 =	vmul.f32 $1.131370830e+01, v3  }
0x6f: {  	v63 =	vmul.f32 $1.131370830e+01, v4;
	[tilespmem:s6+$0xD0] =	vst v61  }
0x70: {  	[tilespmem:s6+$0xE0] =	vst v62  }
0x71: {  	[tilespmem:s6+$0xFFFFFF00] =	vst v63  }
0x72: {  	s26 =	simm.s32 $0x0;
	s6 =	rddreg [dreg:$0x5]  }
0x73: {  	[hbm4b:s6+s26] =	stream.linear.scatter [tilespmem:s17], [sflag:$0x4], $0x6400, $0x38;
	[tilespmem:$0x1AC00] =	vst v63  }
.LBB2_4:
0x74: {  	s6 =	smul.u32 $0x3, s26;
	_ =	sdelay $0x1  }
0x75: {  	s22 =	sadd.s32 $0x3, s6  }
0x76: {  	_ =	swait.ge [sflag:s30], $0x6400;
	s7 =	sshll.u32 s22, $0x8;
	s10 =	sshll.u32 s22, $0x7  }
0x77: {  	[sflag:s30] =	ssyncset.done $0x0;
	s7 =	sand.u32 $0x1F800, s7;
	s10 =	sand.u32 $0x380, s10  }
0x78: {  	[sflag:s30] =	ssyncadd.s32 $0xFFFF9C00;
	s7 =	sor.u32 s10, s7  }
0x79: {  	[tilespmem:s17], [sflag:$0x1] =	stream.indirect.gather [hbm4b:s2+s16], $0x80, s7, s16, $0xb8;
	[tilespmem:$0x1AC00] =	vst v63  }
0x7a: {  	s7 =	sor.u32 $0x400, s7  }
0x7b: {  	[tilespmem:s20], [sflag:$0x1] =	stream.indirect.gather [hbm4b:s2+s18], $0x80, s7, s18, $0xb8;
	[tilespmem:$0x1AC00] =	vst v63  }
0x7c: {  	_ =	swait.ge [sflag:s31], $0x4000  }
0x7d: {  	[sflag:s31] =	ssyncset.done $0x0  }
0x7e: {  	[sflag:s31] =	ssyncadd.s32 $0xFFFFC000  }
0x7f: {  	_ =	swait.ge [sflag:s31], $0x2400  }
0x80: {  	[sflag:s31] =	ssyncset.done $0x0  }
0x81: {  	s10 =	simm.s32 $0xE400;
	[sflag:s31] =	ssyncadd.s32 $0xFFFFDC00  }
0x82: {  	v0 =	vld [tilespmem:s10+$0x1F0]  }
0x83: {  	v1 =	vld [tilespmem:s10+$0x10]  }
0x84: {  	v2 =	vld [tilespmem:s10+$0x20]  }
0x85: {  	v3 =	vld [tilespmem:s10+$0x30]  }
0x86: {  	v6 =	vld [tilespmem:s10+$0x60]  }
0x87: {  	v4 =	vld [tilespmem:s10+$0x40]  }
0x88: {  	v5 =	vld [tilespmem:s10+$0x50];
	v0 =	vmul.f32 $1.131370830e+01, v0  }
0x89: {  	v8 =	vld [tilespmem:s10+$0x80];
	v1 =	vmul.f32 $1.131370830e+01, v1  }
0x8a: {  	v7 =	vld [tilespmem:s10+$0x70];
	v2 =	vmul.f32 $1.131370830e+01, v2;
	[tilespmem:s10+$0x1F0] =	vst v0  }
0x8b: {  	v6 =	vmul.f32 $1.131370830e+01, v6;
	v0 =	vld [tilespmem:s10+$0x90];
	[tilespmem:s10+$0x10] =	vst v1  }
0x8c: {  	v1 =	vmul.f32 $1.131370830e+01, v3;
	v3 =	vld [tilespmem:s10+$0xA0];
	[tilespmem:s10+$0x20] =	vst v2;
	v2 =	vmul.f32 $1.131370830e+01, v4  }
0x8d: {  	[tilespmem:s10+$0x60] =	vst v6;
	v6 =	vld [tilespmem:s10+$0xF0]  }
0x8e: {  	v4 =	vld [tilespmem:s10+$0xB0];
	[tilespmem:s10+$0x40] =	vst v2;
	v2 =	vmul.f32 $1.131370830e+01, v8  }
0x8f: {  	[tilespmem:s10+$0x30] =	vst v1;
	v1 =	vmul.f32 $1.131370830e+01, v5;
	v5 =	vld [tilespmem:s10+$0xC0]  }
0x90: {  	v8 =	vld [tilespmem:s10+$0xD0];
	[tilespmem:s10+$0x80] =	vst v2;
	v2 =	vmul.f32 $1.131370830e+01, v7  }
0x91: {  	[tilespmem:s10+$0x50] =	vst v1;
	v1 =	vld [tilespmem:s10+$0xE0];
	v0 =	vmul.f32 $1.131370830e+01, v0  }
0x92: {  	v7 =	vld [tilespmem:s10+$0x130];
	v6 =	vmul.f32 $1.131370830e+01, v6;
	[tilespmem:s10+$0x70] =	vst v2  }
0x93: {  	v2 =	vmul.f32 $1.131370830e+01, v3;
	v3 =	vld [tilespmem:s10+$0x100];
	[tilespmem:s10+$0x90] =	vst v0  }
0x94: {  	v0 =	vmul.f32 $1.131370830e+01, v4;
	v4 =	vld [tilespmem:s10+$0x110];
	[tilespmem:s10+$0xF0] =	vst v6  }
0x95: {  	[tilespmem:s10+$0xA0] =	vst v2;
	v2 =	vmul.f32 $1.131370830e+01, v5;
	v5 =	vld [tilespmem:s10+$0x120]  }
0x96: {  	v6 =	vld [tilespmem:s10+$0x180];
	[tilespmem:s10+$0xB0] =	vst v0;
	v0 =	vmul.f32 $1.131370830e+01, v8  }
0x97: {  	v1 =	vmul.f32 $1.131370830e+01, v1;
	[tilespmem:s10+$0xC0] =	vst v2;
	v2 =	vld [tilespmem:s10+$0x140]  }
0x98: {  	[tilespmem:s10+$0xD0] =	vst v0;
	v0 =	vmul.f32 $1.131370830e+01, v3;
	v3 =	vld [tilespmem:s10+$0x150]  }
0x99: {  	[tilespmem:s10+$0xE0] =	vst v1;
	v1 =	vld [tilespmem:s10+$0x160];
	v4 =	vmul.f32 $1.131370830e+01, v4  }
0x9a: {  	[tilespmem:s10+$0x100] =	vst v0;
	v0 =	vmul.f32 $1.131370830e+01, v5;
	v5 =	vld [tilespmem:s10+$0x170]  }
0x9b: {  	v6 =	vmul.f32 $1.131370830e+01, v6;
	[tilespmem:s10+$0x110] =	vst v4  }
0x9c: {  	v4 =	vmul.f32 $1.131370830e+01, v7;
	v7 =	vld [tilespmem:s10+$0x190];
	[tilespmem:s10+$0x120] =	vst v0;
	v0 =	vmul.f32 $1.131370830e+01, v2  }
0x9d: {  	v8 =	vld [tilespmem:s10+$0x1A0];
	[tilespmem:s10+$0x180] =	vst v6;
	v2 =	vmul.f32 $1.131370830e+01, v3  }
0x9e: {  	v3 =	vmul.f32 $1.131370830e+01, v1;
	[tilespmem:s10+$0x140] =	vst v0;
	v0 =	vld [tilespmem:s10+$0x1B0]  }
0x9f: {  	v1 =	vld [tilespmem:s10+$0x1C0];
	[tilespmem:s10+$0x150] =	vst v2;
	v2 =	vmul.f32 $1.131370830e+01, v5  }
0xa0: {  	[tilespmem:s10+$0x160] =	vst v3;
	v3 =	vld [tilespmem:s10+$0x1D0]  }
0xa1: {  	v5 =	vmul.f32 $1.131370830e+01, v7;
	[tilespmem:s10+$0x170] =	vst v2;
	v2 =	vld [tilespmem:s10+$0x1E0]  }
0xa2: {  	s11 =	simm.s32 $0xE600;
	s7 =	simm.s32 $0x0;
	v6 =	vmul.f32 $1.131370830e+01, v8;
	[tilespmem:s10+$0x130] =	vst v4;
	v4 =	vld [tilespmem:s10+$0x0]  }
.LBB2_5:
0xa3: {  	v7 =	vld [tilespmem:s11+$0x1F0];
	s7 =	sadd.s32 $0x4, s7;
	[tilespmem:s10+$0x190] =	vst v5;
	v0 =	vmul.f32 $1.131370830e+01, v0  }
0xa4: {  	v5 =	vld [tilespmem:s11+$0x10];
	p0 =	slt.u32 s7, $0xC4;
	[tilespmem:s10+$0x1A0] =	vst v6;
	v1 =	vmul.f32 $1.131370830e+01, v1  }
0xa5: {  	v6 =	vld [tilespmem:s11+$0x20];
	[tilespmem:s10+$0x1B0] =	vst v0;
	v0 =	vmul.f32 $1.131370830e+01, v3  }
0xa6: {  	v3 =	vld [tilespmem:s11+$0x30];
	[tilespmem:s10+$0x1C0] =	vst v1;
	v1 =	vmul.f32 $1.131370830e+01, v2  }
0xa7: {  	v2 =	vld [tilespmem:s11+$0x40];
	v4 =	vmul.f32 $1.131370830e+01, v4;
	[tilespmem:s10+$0x1D0] =	vst v0  }
0xa8: {  	v0 =	vld [tilespmem:s11+$0x50];
	v7 =	vmul.f32 $1.131370830e+01, v7;
	[tilespmem:s10+$0x1E0] =	vst v1  }
0xa9: {  	v1 =	vmul.f32 $1.131370830e+01, v5;
	v5 =	vld [tilespmem:s11+$0x60];
	[tilespmem:s10+$0x0] =	vst v4;
	s10 =	smov.u32 s11  }
0xaa: {  	v4 =	vmul.f32 $1.131370830e+01, v6;
	v6 =	vld [tilespmem:s11+$0x70];
	[tilespmem:s11+$0x1F0] =	vst v7  }
0xab: {  	[tilespmem:s11+$0x10] =	vst v1;
	v1 =	vmul.f32 $1.131370830e+01, v3;
	v3 =	vld [tilespmem:s11+$0x80]  }
0xac: {  	[tilespmem:s11+$0x20] =	vst v4;
	v2 =	vmul.f32 $1.131370830e+01, v2;
	v4 =	vld [tilespmem:s11+$0x90]  }
0xad: {  	[tilespmem:s11+$0x30] =	vst v1;
	v0 =	vmul.f32 $1.131370830e+01, v0;
	v1 =	vld [tilespmem:s11+$0xA0]  }
0xae: {  	[tilespmem:s11+$0x40] =	vst v2;
	v2 =	vmul.f32 $1.131370830e+01, v5;
	v5 =	vld [tilespmem:s11+$0xB0]  }
0xaf: {  	[tilespmem:s11+$0x50] =	vst v0;
	v0 =	vmul.f32 $1.131370830e+01, v6;
	v6 =	vld [tilespmem:s11+$0xC0]  }
0xb0: {  	[tilespmem:s11+$0x60] =	vst v2;
	v2 =	vmul.f32 $1.131370830e+01, v3;
	v3 =	vld [tilespmem:s11+$0xD0]  }
0xb1: {  	[tilespmem:s11+$0x70] =	vst v0;
	v0 =	vmul.f32 $1.131370830e+01, v4;
	v4 =	vld [tilespmem:s11+$0xE0]  }
0xb2: {  	[tilespmem:s11+$0x80] =	vst v2;
	v1 =	vmul.f32 $1.131370830e+01, v1;
	v2 =	vld [tilespmem:s11+$0xF0]  }
0xb3: {  	[tilespmem:s11+$0x90] =	vst v0;
	v0 =	vmul.f32 $1.131370830e+01, v5;
	v5 =	vld [tilespmem:s11+$0x100]  }
0xb4: {  	[tilespmem:s11+$0xA0] =	vst v1;
	v1 =	vmul.f32 $1.131370830e+01, v6;
	v6 =	vld [tilespmem:s11+$0x110]  }
0xb5: {  	[tilespmem:s11+$0xB0] =	vst v0;
	v0 =	vmul.f32 $1.131370830e+01, v3;
	v3 =	vld [tilespmem:s11+$0x120]  }
0xb6: {  	[tilespmem:s11+$0xC0] =	vst v1;
	v1 =	vmul.f32 $1.131370830e+01, v4;
	v4 =	vld [tilespmem:s11+$0x130]  }
0xb7: {  	[tilespmem:s11+$0xD0] =	vst v0;
	v0 =	vmul.f32 $1.131370830e+01, v2;
	v2 =	vld [tilespmem:s11+$0x140]  }
0xb8: {  	[tilespmem:s11+$0xE0] =	vst v1;
	v1 =	vmul.f32 $1.131370830e+01, v5;
	v5 =	vld [tilespmem:s11+$0x150]  }
0xb9: {  	[tilespmem:s11+$0xF0] =	vst v0;
	v0 =	vmul.f32 $1.131370830e+01, v6;
	v6 =	vld [tilespmem:s11+$0x160]  }
0xba: {  	[tilespmem:s11+$0x100] =	vst v1;
	v1 =	vmul.f32 $1.131370830e+01, v3;
	v3 =	vld [tilespmem:s11+$0x170]  }
0xbb: {  	[tilespmem:s11+$0x110] =	vst v0;
	v0 =	vmul.f32 $1.131370830e+01, v4;
	v4 =	vld [tilespmem:s11+$0x180]  }
0xbc: {  	[tilespmem:s11+$0x120] =	vst v1;
	v1 =	vmul.f32 $1.131370830e+01, v2;
	v2 =	vld [tilespmem:s11+$0x190]  }
0xbd: {  	[tilespmem:s11+$0x130] =	vst v0;
	v5 =	vmul.f32 $1.131370830e+01, v5;
	v7 =	vld [tilespmem:s11+$0x1A0]  }
.Ltmp1:
0xbe: {  	[tilespmem:s11+$0x140] =	vst v1;
	v6 =	vmul.f32 $1.131370830e+01, v6;
	v0 =	vld [tilespmem:s11+$0x1B0];
	(pc) =	sbr.rel @p0 .LBB2_5-.Ltmp1, $4  }
0xbf: {  	[tilespmem:s11+$0x150] =	vst v5;
	v5 =	vmul.f32 $1.131370830e+01, v3;
	v1 =	vld [tilespmem:s11+$0x1C0]  }
0xc0: {  	[tilespmem:s11+$0x160] =	vst v6;
	v6 =	vmul.f32 $1.131370830e+01, v4;
	v3 =	vld [tilespmem:s11+$0x1D0]  }
0xc1: {  	[tilespmem:s11+$0x170] =	vst v5;
	v5 =	vmul.f32 $1.131370830e+01, v2;
	v2 =	vld [tilespmem:s11+$0x1E0]  }
0xc2: {  	s11 =	sadd.s32 $0x200, s11;
	v4 =	vld [tilespmem:s10+$0x0];
	[tilespmem:s10+$0x180] =	vst v6;
	v6 =	vmul.f32 $1.131370830e+01, v7  }
0xc3: {  	[tilespmem:s10+$0x190] =	vst v5;
	v0 =	vmul.f32 $1.131370830e+01, v0  }
0xc4: {  	[tilespmem:s10+$0x1A0] =	vst v6;
	v1 =	vmul.f32 $1.131370830e+01, v1  }
0xc5: {  	s7 =	smul.u32 $0x258, s26;
	[tilespmem:s10+$0x1B0] =	vst v0;
	v0 =	vmul.f32 $1.131370830e+01, v3  }
0xc6: {  	[tilespmem:s10+$0x1C0] =	vst v1;
	v1 =	vmul.f32 $1.131370830e+01, v2  }
0xc7: {  	s11 =	sadd.s32 s7, s8;
	v2 =	vmul.f32 $1.131370830e+01, v4;
	[tilespmem:s10+$0x1D0] =	vst v0  }
0xc8: {  	s11 =	sshll.u32 s11, $0x4;
	[tilespmem:s10+$0x1E0] =	vst v1  }
0xc9: {  	s12 =	sadd.s32 s3, s11;
	s11 =	sadd.s32 $0x4, s6;
	[tilespmem:s10+$0x0] =	vst v2  }
0xca: {  	[hbm4b:s12+s4] =	stream.linear.scatter [tilespmem:s21], [sflag:$0x5], $0x6400, $0x38;
	[tilespmem:$0x1AC00] =	vst v63  }
0xcb: {  	s10 =	sshll.u32 s11, $0x7;
	s12 =	sshll.u32 s11, $0x8;
	_ =	swait.ge [sflag:s0], $0x6400  }
0xcc: {  	s10 =	sand.u32 $0x380, s10;
	s11 =	sand.u32 $0x1F800, s12;
	[sflag:s0] =	ssyncset.done $0x0  }
0xcd: {  	s10 =	sor.u32 s10, s11;
	[sflag:s0] =	ssyncadd.s32 $0xFFFF9C00  }
0xce: {  	[tilespmem:s21], [sflag:$0x2] =	stream.indirect.gather [hbm4b:s2+s16], $0x80, s10, s16, $0xb8;
	[tilespmem:$0x1AC00] =	vst v63  }
0xcf: {  	s10 =	sor.u32 $0x400, s10  }
0xd0: {  	[tilespmem:s23], [sflag:$0x2] =	stream.indirect.gather [hbm4b:s2+s18], $0x80, s10, s18, $0xb8;
	[tilespmem:$0x1AC00] =	vst v63  }
0xd1: {  	_ =	swait.ge [sflag:s1], $0x4000  }
0xd2: {  	[sflag:s1] =	ssyncset.done $0x0  }
0xd3: {  	[sflag:s1] =	ssyncadd.s32 $0xFFFFC000  }
0xd4: {  	_ =	swait.ge [sflag:s1], $0x2400  }
0xd5: {  	[sflag:s1] =	ssyncset.done $0x0  }
0xd6: {  	s10 =	simm.s32 $0x14800;
	[sflag:s1] =	ssyncadd.s32 $0xFFFFDC00  }
0xd7: {  	v0 =	vld [tilespmem:s10+$0x1F0]  }
0xd8: {  	v1 =	vld [tilespmem:s10+$0x10]  }
0xd9: {  	v2 =	vld [tilespmem:s10+$0x20]  }
0xda: {  	v3 =	vld [tilespmem:s10+$0x30]  }
0xdb: {  	v6 =	vld [tilespmem:s10+$0x60]  }
0xdc: {  	v4 =	vld [tilespmem:s10+$0x40]  }
0xdd: {  	v5 =	vld [tilespmem:s10+$0x50];
	v0 =	vmul.f32 $1.131370830e+01, v0  }
0xde: {  	v8 =	vld [tilespmem:s10+$0x80];
	v1 =	vmul.f32 $1.131370830e+01, v1  }
0xdf: {  	v7 =	vld [tilespmem:s10+$0x70];
	v2 =	vmul.f32 $1.131370830e+01, v2;
	[tilespmem:s10+$0x1F0] =	vst v0  }
0xe0: {  	v6 =	vmul.f32 $1.131370830e+01, v6;
	v0 =	vld [tilespmem:s10+$0x90];
	[tilespmem:s10+$0x10] =	vst v1  }
0xe1: {  	v1 =	vmul.f32 $1.131370830e+01, v3;
	v3 =	vld [tilespmem:s10+$0xA0];
	[tilespmem:s10+$0x20] =	vst v2;
	v2 =	vmul.f32 $1.131370830e+01, v4  }
0xe2: {  	[tilespmem:s10+$0x60] =	vst v6;
	v6 =	vld [tilespmem:s10+$0xF0]  }
0xe3: {  	v4 =	vld [tilespmem:s10+$0xB0];
	[tilespmem:s10+$0x40] =	vst v2;
	v2 =	vmul.f32 $1.131370830e+01, v8  }
0xe4: {  	[tilespmem:s10+$0x30] =	vst v1;
	v1 =	vmul.f32 $1.131370830e+01, v5;
	v5 =	vld [tilespmem:s10+$0xC0]  }
0xe5: {  	v8 =	vld [tilespmem:s10+$0xD0];
	[tilespmem:s10+$0x80] =	vst v2;
	v2 =	vmul.f32 $1.131370830e+01, v7  }
0xe6: {  	[tilespmem:s10+$0x50] =	vst v1;
	v1 =	vld [tilespmem:s10+$0xE0];
	v0 =	vmul.f32 $1.131370830e+01, v0  }
0xe7: {  	v7 =	vld [tilespmem:s10+$0x130];
	v6 =	vmul.f32 $1.131370830e+01, v6;
	[tilespmem:s10+$0x70] =	vst v2  }
0xe8: {  	v2 =	vmul.f32 $1.131370830e+01, v3;
	v3 =	vld [tilespmem:s10+$0x100];
	[tilespmem:s10+$0x90] =	vst v0  }
0xe9: {  	v0 =	vmul.f32 $1.131370830e+01, v4;
	v4 =	vld [tilespmem:s10+$0x110];
	[tilespmem:s10+$0xF0] =	vst v6  }
0xea: {  	[tilespmem:s10+$0xA0] =	vst v2;
	v2 =	vmul.f32 $1.131370830e+01, v5;
	v5 =	vld [tilespmem:s10+$0x120]  }
0xeb: {  	v6 =	vld [tilespmem:s10+$0x180];
	[tilespmem:s10+$0xB0] =	vst v0;
	v0 =	vmul.f32 $1.131370830e+01, v8  }
0xec: {  	v1 =	vmul.f32 $1.131370830e+01, v1;
	[tilespmem:s10+$0xC0] =	vst v2;
	v2 =	vld [tilespmem:s10+$0x140]  }
0xed: {  	[tilespmem:s10+$0xD0] =	vst v0;
	v0 =	vmul.f32 $1.131370830e+01, v3  }
0xee: {  	v3 =	vld [tilespmem:s10+$0x150];
	[tilespmem:s10+$0xE0] =	vst v1;
	v4 =	vmul.f32 $1.131370830e+01, v4  }
0xef: {  	v1 =	vld [tilespmem:s10+$0x160];
	[tilespmem:s10+$0x100] =	vst v0;
	v0 =	vmul.f32 $1.131370830e+01, v5  }
0xf0: {  	v6 =	vmul.f32 $1.131370830e+01, v6;
	v5 =	vld [tilespmem:s10+$0x170];
	[tilespmem:s10+$0x110] =	vst v4  }
0xf1: {  	v4 =	vmul.f32 $1.131370830e+01, v7;
	v7 =	vld [tilespmem:s10+$0x190];
	[tilespmem:s10+$0x120] =	vst v0;
	v0 =	vmul.f32 $1.131370830e+01, v2  }
0xf2: {  	v8 =	vld [tilespmem:s10+$0x1A0];
	[tilespmem:s10+$0x180] =	vst v6  }
0xf3: {  	v2 =	vmul.f32 $1.131370830e+01, v3;
	[tilespmem:s10+$0x140] =	vst v0;
	v0 =	vld [tilespmem:s10+$0x1B0]  }
0xf4: {  	[tilespmem:s10+$0x130] =	vst v4;
	v3 =	vmul.f32 $1.131370830e+01, v1;
	v1 =	vld [tilespmem:s10+$0x1C0]  }
0xf5: {  	[tilespmem:s10+$0x150] =	vst v2;
	v4 =	vmul.f32 $1.131370830e+01, v5;
	v2 =	vld [tilespmem:s10+$0x1D0]  }
0xf6: {  	[tilespmem:s10+$0x160] =	vst v3;
	v3 =	vld [tilespmem:s10+$0x1E0];
	v5 =	vmul.f32 $1.131370830e+01, v7  }
0xf7: {  	s12 =	simm.s32 $0x14A00;
	s11 =	simm.s32 $0x0;
	v6 =	vmul.f32 $1.131370830e+01, v8;
	[tilespmem:s10+$0x170] =	vst v4;
	v4 =	vld [tilespmem:s10+$0x0]  }
.LBB2_7:
0xf8: {  	v7 =	vld [tilespmem:s12+$0x1F0];
	s11 =	sadd.s32 $0x4, s11;
	[tilespmem:s10+$0x190] =	vst v5;
	v0 =	vmul.f32 $1.131370830e+01, v0  }
0xf9: {  	v5 =	vld [tilespmem:s12+$0x10];
	p0 =	slt.u32 s11, $0xC4;
	[tilespmem:s10+$0x1A0] =	vst v6;
	v1 =	vmul.f32 $1.131370830e+01, v1  }
0xfa: {  	v6 =	vld [tilespmem:s12+$0x20];
	[tilespmem:s10+$0x1B0] =	vst v0;
	v0 =	vmul.f32 $1.131370830e+01, v2  }
0xfb: {  	v2 =	vld [tilespmem:s12+$0x30];
	[tilespmem:s10+$0x1C0] =	vst v1;
	v1 =	vmul.f32 $1.131370830e+01, v3  }
0xfc: {  	v3 =	vld [tilespmem:s12+$0x40];
	v4 =	vmul.f32 $1.131370830e+01, v4;
	[tilespmem:s10+$0x1D0] =	vst v0  }
0xfd: {  	v0 =	vld [tilespmem:s12+$0x50];
	v7 =	vmul.f32 $1.131370830e+01, v7;
	[tilespmem:s10+$0x1E0] =	vst v1  }
0xfe: {  	v1 =	vmul.f32 $1.131370830e+01, v5;
	v5 =	vld [tilespmem:s12+$0x60];
	[tilespmem:s10+$0x0] =	vst v4;
	s10 =	smov.u32 s12  }
0xff: {  	v4 =	vmul.f32 $1.131370830e+01, v6;
	v6 =	vld [tilespmem:s12+$0x70];
	[tilespmem:s12+$0x1F0] =	vst v7  }
0x100: {  	[tilespmem:s12+$0x10] =	vst v1;
	v1 =	vmul.f32 $1.131370830e+01, v2;
	v2 =	vld [tilespmem:s12+$0x80]  }
0x101: {  	[tilespmem:s12+$0x20] =	vst v4;
	v3 =	vmul.f32 $1.131370830e+01, v3;
	v4 =	vld [tilespmem:s12+$0x90]  }
0x102: {  	[tilespmem:s12+$0x30] =	vst v1;
	v0 =	vmul.f32 $1.131370830e+01, v0;
	v1 =	vld [tilespmem:s12+$0xA0]  }
0x103: {  	[tilespmem:s12+$0x40] =	vst v3;
	v3 =	vmul.f32 $1.131370830e+01, v5;
	v5 =	vld [tilespmem:s12+$0xB0]  }
0x104: {  	[tilespmem:s12+$0x50] =	vst v0;
	v0 =	vmul.f32 $1.131370830e+01, v6;
	v6 =	vld [tilespmem:s12+$0xC0]  }
0x105: {  	[tilespmem:s12+$0x60] =	vst v3;
	v2 =	vmul.f32 $1.131370830e+01, v2;
	v3 =	vld [tilespmem:s12+$0xD0]  }
0x106: {  	[tilespmem:s12+$0x70] =	vst v0;
	v0 =	vmul.f32 $1.131370830e+01, v4;
	v4 =	vld [tilespmem:s12+$0xE0]  }
0x107: {  	[tilespmem:s12+$0x80] =	vst v2;
	v1 =	vmul.f32 $1.131370830e+01, v1;
	v2 =	vld [tilespmem:s12+$0xF0]  }
0x108: {  	[tilespmem:s12+$0x90] =	vst v0;
	v0 =	vmul.f32 $1.131370830e+01, v5;
	v5 =	vld [tilespmem:s12+$0x100]  }
0x109: {  	[tilespmem:s12+$0xA0] =	vst v1;
	v1 =	vmul.f32 $1.131370830e+01, v6;
	v6 =	vld [tilespmem:s12+$0x110]  }
0x10a: {  	[tilespmem:s12+$0xB0] =	vst v0;
	v0 =	vmul.f32 $1.131370830e+01, v3;
	v3 =	vld [tilespmem:s12+$0x120]  }
0x10b: {  	[tilespmem:s12+$0xC0] =	vst v1;
	v1 =	vmul.f32 $1.131370830e+01, v4;
	v4 =	vld [tilespmem:s12+$0x130]  }
0x10c: {  	[tilespmem:s12+$0xD0] =	vst v0;
	v0 =	vmul.f32 $1.131370830e+01, v2;
	v2 =	vld [tilespmem:s12+$0x140]  }
0x10d: {  	[tilespmem:s12+$0xE0] =	vst v1;
	v1 =	vmul.f32 $1.131370830e+01, v5;
	v5 =	vld [tilespmem:s12+$0x150]  }
0x10e: {  	[tilespmem:s12+$0xF0] =	vst v0;
	v0 =	vmul.f32 $1.131370830e+01, v6;
	v6 =	vld [tilespmem:s12+$0x160]  }
0x10f: {  	[tilespmem:s12+$0x100] =	vst v1;
	v1 =	vmul.f32 $1.131370830e+01, v3;
	v3 =	vld [tilespmem:s12+$0x170]  }
0x110: {  	[tilespmem:s12+$0x110] =	vst v0;
	v0 =	vmul.f32 $1.131370830e+01, v4;
	v4 =	vld [tilespmem:s12+$0x180]  }
0x111: {  	[tilespmem:s12+$0x120] =	vst v1;
	v1 =	vmul.f32 $1.131370830e+01, v2;
	v7 =	vld [tilespmem:s12+$0x190]  }
0x112: {  	[tilespmem:s12+$0x130] =	vst v0;
	v2 =	vmul.f32 $1.131370830e+01, v5;
	v8 =	vld [tilespmem:s12+$0x1A0]  }
.Ltmp2:
0x113: {  	[tilespmem:s12+$0x140] =	vst v1;
	v5 =	vmul.f32 $1.131370830e+01, v6;
	v0 =	vld [tilespmem:s12+$0x1B0];
	(pc) =	sbr.rel @p0 .LBB2_7-.Ltmp2, $4  }
0x114: {  	[tilespmem:s12+$0x150] =	vst v2;
	v3 =	vmul.f32 $1.131370830e+01, v3;
	v1 =	vld [tilespmem:s12+$0x1C0]  }
0x115: {  	[tilespmem:s12+$0x160] =	vst v5;
	v6 =	vmul.f32 $1.131370830e+01, v4;
	v2 =	vld [tilespmem:s12+$0x1D0]  }
0x116: {  	[tilespmem:s12+$0x170] =	vst v3;
	v5 =	vmul.f32 $1.131370830e+01, v7;
	v3 =	vld [tilespmem:s12+$0x1E0]  }
0x117: {  	s12 =	sadd.s32 $0x200, s12;
	v4 =	vld [tilespmem:s10+$0x0];
	[tilespmem:s10+$0x180] =	vst v6;
	v6 =	vmul.f32 $1.131370830e+01, v8  }
0x118: {  	[tilespmem:s10+$0x190] =	vst v5;
	v0 =	vmul.f32 $1.131370830e+01, v0  }
0x119: {  	[tilespmem:s10+$0x1A0] =	vst v6;
	v1 =	vmul.f32 $1.131370830e+01, v1  }
0x11a: {  	[tilespmem:s10+$0x1B0] =	vst v0;
	v0 =	vmul.f32 $1.131370830e+01, v2  }
0x11b: {  	[tilespmem:s10+$0x1C0] =	vst v1;
	v1 =	vmul.f32 $1.131370830e+01, v3  }
0x11c: {  	s7 =	sadd.s32 s7, s9;
	v2 =	vmul.f32 $1.131370830e+01, v4;
	[tilespmem:s10+$0x1D0] =	vst v0  }
0x11d: {  	s7 =	sshll.u32 s7, $0x4;
	[tilespmem:s10+$0x1E0] =	vst v1  }
0x11e: {  	s6 =	sadd.s32 $0x5, s6;
	s7 =	sadd.s32 s3, s7;
	[tilespmem:s10+$0x0] =	vst v2  }
0x11f: {  	[hbm4b:s7+s4] =	stream.linear.scatter [tilespmem:s25], [sflag:$0x6], $0x6400, $0x38;
	[tilespmem:$0x1AC00] =	vst v63  }
0x120: {  	s12 =	sshll.u32 s6, $0x8;
	s6 =	sshll.u32 s6, $0x7;
	_ =	swait.ge [sflag:s19], $0x6400  }
0x121: {  	s6 =	sand.u32 $0x380, s6;
	s7 =	sand.u32 $0x1F800, s12;
	[sflag:s19] =	ssyncset.done $0x0  }
0x122: {  	s6 =	sor.u32 s6, s7;
	[sflag:s19] =	ssyncadd.s32 $0xFFFF9C00  }
0x123: {  	[tilespmem:s25], [sflag:$0x3] =	stream.indirect.gather [hbm4b:s2+s16], $0x80, s6, s16, $0xb8;
	[tilespmem:$0x1AC00] =	vst v63  }
0x124: {  	s6 =	sor.u32 $0x400, s6  }
0x125: {  	[tilespmem:s28], [sflag:$0x3] =	stream.indirect.gather [hbm4b:s2+s18], $0x80, s6, s18, $0xb8;
	[tilespmem:$0x1AC00] =	vst v63  }
0x126: {  	_ =	swait.ge [sflag:s29], $0x4000  }
0x127: {  	[sflag:s29] =	ssyncset.done $0x0  }
0x128: {  	[sflag:s29] =	ssyncadd.s32 $0xFFFFC000  }
0x129: {  	_ =	swait.ge [sflag:s29], $0x2400  }
0x12a: {  	[sflag:s29] =	ssyncset.done $0x0  }
0x12b: {  	s6 =	simm.s32 $0x8100;
	[sflag:s29] =	ssyncadd.s32 $0xFFFFDC00  }
0x12c: {  	v0 =	vld [tilespmem:s6+$0xF0]  }
0x12d: {  	v1 =	vld [tilespmem:s6+$0xFFFFFF10]  }
0x12e: {  	v2 =	vld [tilespmem:s6+$0xFFFFFF20]  }
0x12f: {  	v3 =	vld [tilespmem:s6+$0xFFFFFF30]  }
0x130: {  	v6 =	vld [tilespmem:s6+$0xFFFFFF60]  }
0x131: {  	v4 =	vld [tilespmem:s6+$0xFFFFFF40]  }
0x132: {  	v5 =	vld [tilespmem:s6+$0xFFFFFF50];
	v0 =	vmul.f32 $1.131370830e+01, v0  }
0x133: {  	v8 =	vld [tilespmem:s6+$0xFFFFFF80];
	v1 =	vmul.f32 $1.131370830e+01, v1  }
0x134: {  	v7 =	vld [tilespmem:s6+$0xFFFFFF70];
	v2 =	vmul.f32 $1.131370830e+01, v2;
	[tilespmem:s6+$0xF0] =	vst v0  }
0x135: {  	v6 =	vmul.f32 $1.131370830e+01, v6;
	v0 =	vld [tilespmem:s6+$0xFFFFFF90];
	[tilespmem:s6+$0xFFFFFF10] =	vst v1  }
0x136: {  	v1 =	vmul.f32 $1.131370830e+01, v3;
	v3 =	vld [tilespmem:s6+$0xFFFFFFA0];
	[tilespmem:s6+$0xFFFFFF20] =	vst v2;
	v2 =	vmul.f32 $1.131370830e+01, v4  }
0x137: {  	[tilespmem:s6+$0xFFFFFF60] =	vst v6;
	v6 =	vld [tilespmem:s6+$0xFFFFFFF0]  }
0x138: {  	v4 =	vld [tilespmem:s6+$0xFFFFFFB0];
	[tilespmem:s6+$0xFFFFFF40] =	vst v2;
	v2 =	vmul.f32 $1.131370830e+01, v8  }
0x139: {  	[tilespmem:s6+$0xFFFFFF30] =	vst v1;
	v1 =	vmul.f32 $1.131370830e+01, v5;
	v5 =	vld [tilespmem:s6+$0xFFFFFFC0]  }
0x13a: {  	v8 =	vld [tilespmem:s6+$0xFFFFFFD0];
	[tilespmem:s6+$0xFFFFFF80] =	vst v2;
	v2 =	vmul.f32 $1.131370830e+01, v7  }
0x13b: {  	[tilespmem:s6+$0xFFFFFF50] =	vst v1;
	v1 =	vld [tilespmem:s6+$0xFFFFFFE0];
	v0 =	vmul.f32 $1.131370830e+01, v0  }
0x13c: {  	v7 =	vld [tilespmem:s6+$0x30];
	v6 =	vmul.f32 $1.131370830e+01, v6;
	[tilespmem:s6+$0xFFFFFF70] =	vst v2  }
0x13d: {  	v2 =	vmul.f32 $1.131370830e+01, v3;
	v3 =	vld [tilespmem:s6+$0x0];
	[tilespmem:s6+$0xFFFFFF90] =	vst v0  }
0x13e: {  	v0 =	vmul.f32 $1.131370830e+01, v4;
	v4 =	vld [tilespmem:s6+$0x10];
	[tilespmem:s6+$0xFFFFFFF0] =	vst v6  }
0x13f: {  	[tilespmem:s6+$0xFFFFFFA0] =	vst v2;
	v2 =	vmul.f32 $1.131370830e+01, v5;
	v5 =	vld [tilespmem:s6+$0x20]  }
0x140: {  	v6 =	vld [tilespmem:s6+$0x80];
	[tilespmem:s6+$0xFFFFFFB0] =	vst v0;
	v0 =	vmul.f32 $1.131370830e+01, v8  }
0x141: {  	v1 =	vmul.f32 $1.131370830e+01, v1;
	[tilespmem:s6+$0xFFFFFFC0] =	vst v2;
	v2 =	vld [tilespmem:s6+$0x40]  }
0x142: {  	[tilespmem:s6+$0xFFFFFFD0] =	vst v0;
	v0 =	vmul.f32 $1.131370830e+01, v3;
	v3 =	vld [tilespmem:s6+$0x50]  }
0x143: {  	[tilespmem:s6+$0xFFFFFFE0] =	vst v1;
	v1 =	vld [tilespmem:s6+$0x60];
	v4 =	vmul.f32 $1.131370830e+01, v4  }
0x144: {  	[tilespmem:s6+$0x0] =	vst v0;
	v0 =	vmul.f32 $1.131370830e+01, v5;
	v5 =	vld [tilespmem:s6+$0x70]  }
0x145: {  	v6 =	vmul.f32 $1.131370830e+01, v6;
	[tilespmem:s6+$0x10] =	vst v4  }
0x146: {  	v4 =	vmul.f32 $1.131370830e+01, v7;
	v7 =	vld [tilespmem:s6+$0x90];
	[tilespmem:s6+$0x20] =	vst v0;
	v0 =	vmul.f32 $1.131370830e+01, v2  }
0x147: {  	v8 =	vld [tilespmem:s6+$0xA0];
	[tilespmem:s6+$0x80] =	vst v6;
	v2 =	vmul.f32 $1.131370830e+01, v3  }
0x148: {  	v3 =	vmul.f32 $1.131370830e+01, v1;
	[tilespmem:s6+$0x40] =	vst v0;
	v0 =	vld [tilespmem:s6+$0xB0]  }
0x149: {  	v1 =	vld [tilespmem:s6+$0xC0];
	[tilespmem:s6+$0x50] =	vst v2;
	v2 =	vmul.f32 $1.131370830e+01, v5  }
0x14a: {  	[tilespmem:s6+$0x60] =	vst v3;
	v3 =	vld [tilespmem:s6+$0xD0]  }
0x14b: {  	v5 =	vmul.f32 $1.131370830e+01, v7;
	[tilespmem:s6+$0x70] =	vst v2;
	v2 =	vld [tilespmem:s6+$0xE0]  }
0x14c: {  	s10 =	simm.s32 $0x8300;
	s7 =	simm.s32 $0x0;
	v6 =	vmul.f32 $1.131370830e+01, v8;
	[tilespmem:s6+$0x30] =	vst v4;
	v4 =	vld [tilespmem:s6+$0xFFFFFF00]  }
.LBB2_9:
0x14d: {  	v7 =	vld [tilespmem:s10+$0xF0];
	s7 =	sadd.s32 $0x4, s7;
	[tilespmem:s6+$0x90] =	vst v5;
	v0 =	vmul.f32 $1.131370830e+01, v0  }
0x14e: {  	v5 =	vld [tilespmem:s10+$0xFFFFFF10];
	p0 =	slt.u32 s7, $0xC4;
	[tilespmem:s6+$0xA0] =	vst v6;
	v1 =	vmul.f32 $1.131370830e+01, v1  }
0x14f: {  	v6 =	vld [tilespmem:s10+$0xFFFFFF20];
	[tilespmem:s6+$0xB0] =	vst v0;
	v0 =	vmul.f32 $1.131370830e+01, v3  }
0x150: {  	v3 =	vld [tilespmem:s10+$0xFFFFFF30];
	[tilespmem:s6+$0xC0] =	vst v1;
	v1 =	vmul.f32 $1.131370830e+01, v2  }
0x151: {  	v2 =	vld [tilespmem:s10+$0xFFFFFF40];
	v4 =	vmul.f32 $1.131370830e+01, v4;
	[tilespmem:s6+$0xD0] =	vst v0  }
0x152: {  	v0 =	vld [tilespmem:s10+$0xFFFFFF50];
	v7 =	vmul.f32 $1.131370830e+01, v7;
	[tilespmem:s6+$0xE0] =	vst v1  }
0x153: {  	v1 =	vmul.f32 $1.131370830e+01, v5;
	v5 =	vld [tilespmem:s10+$0xFFFFFF60];
	[tilespmem:s6+$0xFFFFFF00] =	vst v4;
	s6 =	smov.u32 s10  }
0x154: {  	v4 =	vmul.f32 $1.131370830e+01, v6;
	v6 =	vld [tilespmem:s10+$0xFFFFFF70];
	[tilespmem:s10+$0xF0] =	vst v7  }
0x155: {  	[tilespmem:s10+$0xFFFFFF10] =	vst v1;
	v1 =	vmul.f32 $1.131370830e+01, v3;
	v3 =	vld [tilespmem:s10+$0xFFFFFF80]  }
0x156: {  	[tilespmem:s10+$0xFFFFFF20] =	vst v4;
	v2 =	vmul.f32 $1.131370830e+01, v2;
	v4 =	vld [tilespmem:s10+$0xFFFFFF90]  }
0x157: {  	[tilespmem:s10+$0xFFFFFF30] =	vst v1;
	v0 =	vmul.f32 $1.131370830e+01, v0;
	v1 =	vld [tilespmem:s10+$0xFFFFFFA0]  }
0x158: {  	[tilespmem:s10+$0xFFFFFF40] =	vst v2;
	v2 =	vmul.f32 $1.131370830e+01, v5;
	v5 =	vld [tilespmem:s10+$0xFFFFFFB0]  }
0x159: {  	[tilespmem:s10+$0xFFFFFF50] =	vst v0;
	v0 =	vmul.f32 $1.131370830e+01, v6;
	v6 =	vld [tilespmem:s10+$0xFFFFFFC0]  }
0x15a: {  	[tilespmem:s10+$0xFFFFFF60] =	vst v2;
	v2 =	vmul.f32 $1.131370830e+01, v3;
	v3 =	vld [tilespmem:s10+$0xFFFFFFD0]  }
0x15b: {  	[tilespmem:s10+$0xFFFFFF70] =	vst v0;
	v0 =	vmul.f32 $1.131370830e+01, v4;
	v4 =	vld [tilespmem:s10+$0xFFFFFFE0]  }
0x15c: {  	[tilespmem:s10+$0xFFFFFF80] =	vst v2;
	v1 =	vmul.f32 $1.131370830e+01, v1;
	v2 =	vld [tilespmem:s10+$0xFFFFFFF0]  }
0x15d: {  	[tilespmem:s10+$0xFFFFFF90] =	vst v0;
	v0 =	vmul.f32 $1.131370830e+01, v5;
	v5 =	vld [tilespmem:s10+$0x0]  }
0x15e: {  	[tilespmem:s10+$0xFFFFFFA0] =	vst v1;
	v1 =	vmul.f32 $1.131370830e+01, v6;
	v6 =	vld [tilespmem:s10+$0x10]  }
0x15f: {  	[tilespmem:s10+$0xFFFFFFB0] =	vst v0;
	v0 =	vmul.f32 $1.131370830e+01, v3;
	v3 =	vld [tilespmem:s10+$0x20]  }
0x160: {  	[tilespmem:s10+$0xFFFFFFC0] =	vst v1;
	v1 =	vmul.f32 $1.131370830e+01, v4;
	v4 =	vld [tilespmem:s10+$0x30]  }
0x161: {  	[tilespmem:s10+$0xFFFFFFD0] =	vst v0;
	v0 =	vmul.f32 $1.131370830e+01, v2;
	v2 =	vld [tilespmem:s10+$0x40]  }
0x162: {  	[tilespmem:s10+$0xFFFFFFE0] =	vst v1;
	v1 =	vmul.f32 $1.131370830e+01, v5;
	v5 =	vld [tilespmem:s10+$0x50]  }
0x163: {  	[tilespmem:s10+$0xFFFFFFF0] =	vst v0;
	v0 =	vmul.f32 $1.131370830e+01, v6;
	v6 =	vld [tilespmem:s10+$0x60]  }
0x164: {  	[tilespmem:s10+$0x0] =	vst v1;
	v1 =	vmul.f32 $1.131370830e+01, v3;
	v3 =	vld [tilespmem:s10+$0x70]  }
0x165: {  	[tilespmem:s10+$0x10] =	vst v0;
	v0 =	vmul.f32 $1.131370830e+01, v4;
	v4 =	vld [tilespmem:s10+$0x80]  }
0x166: {  	[tilespmem:s10+$0x20] =	vst v1;
	v1 =	vmul.f32 $1.131370830e+01, v2;
	v2 =	vld [tilespmem:s10+$0x90]  }
0x167: {  	[tilespmem:s10+$0x30] =	vst v0;
	v5 =	vmul.f32 $1.131370830e+01, v5;
	v7 =	vld [tilespmem:s10+$0xA0]  }
.Ltmp3:
0x168: {  	[tilespmem:s10+$0x40] =	vst v1;
	v6 =	vmul.f32 $1.131370830e+01, v6;
	v0 =	vld [tilespmem:s10+$0xB0];
	(pc) =	sbr.rel @p0 .LBB2_9-.Ltmp3, $4  }
0x169: {  	[tilespmem:s10+$0x50] =	vst v5;
	v5 =	vmul.f32 $1.131370830e+01, v3;
	v1 =	vld [tilespmem:s10+$0xC0]  }
0x16a: {  	[tilespmem:s10+$0x60] =	vst v6;
	v6 =	vmul.f32 $1.131370830e+01, v4;
	v3 =	vld [tilespmem:s10+$0xD0]  }
0x16b: {  	[tilespmem:s10+$0x70] =	vst v5;
	v5 =	vmul.f32 $1.131370830e+01, v2;
	v2 =	vld [tilespmem:s10+$0xE0]  }
0x16c: {  	s10 =	sadd.s32 $0x200, s10;
	v4 =	vld [tilespmem:s6+$0xFFFFFF00];
	[tilespmem:s6+$0x80] =	vst v6;
	v6 =	vmul.f32 $1.131370830e+01, v7  }
0x16d: {  	[tilespmem:s6+$0x90] =	vst v5;
	v0 =	vmul.f32 $1.131370830e+01, v0  }
0x16e: {  	s26 =	sadd.s32 $0x1, s26;
	[tilespmem:s6+$0xA0] =	vst v6;
	v1 =	vmul.f32 $1.131370830e+01, v1  }
0x16f: {  	s7 =	smul.u32 $0xC8, s22;
	p0 =	sne.s32 s26, $0x29;
	[tilespmem:s6+$0xB0] =	vst v0;
	v61 =	vmul.f32 $1.131370830e+01, v3  }
.Ltmp4:
0x170: {  	[tilespmem:s6+$0xC0] =	vst v1;
	v62 =	vmul.f32 $1.131370830e+01, v2;
	(pc) =	sbr.rel @p0 .LBB2_4-.Ltmp4, $4  }
0x171: {  	s7 =	sadd.s32 s5, s7;
	v63 =	vmul.f32 $1.131370830e+01, v4;
	[tilespmem:s6+$0xD0] =	vst v61  }
0x172: {  	s7 =	sshll.u32 s7, $0x4;
	[tilespmem:s6+$0xE0] =	vst v62  }
0x173: {  	s22 =	sadd.s32 s3, s7;
	[tilespmem:s6+$0xFFFFFF00] =	vst v63  }
0x174: {  	[hbm4b:s22+s4] =	stream.linear.scatter [tilespmem:s17], [sflag:$0x4], $0x6400, $0x38;
	[tilespmem:$0x1AC00] =	vst v63  }
0x175: {  	_ =	swait.ge [sflag:s30], $0x6400  }
0x176: {  	[sflag:s30] =	ssyncset.done $0x0  }
0x177: {  	s6 =	simm.s32 $0x7B00;
	[sflag:s30] =	ssyncadd.s32 $0xFFFF9C00  }
0x178: {  	[tilespmem:s17], [sflag:$0x1] =	stream.indirect.gather [hbm4b:s2+s16], $0x80, s6, s16, $0xb8;
	[tilespmem:$0x1AC00] =	vst v63  }
0x179: {  	s26 =	simm.s32 $0x7F00  }
0x17a: {  	[tilespmem:s20], [sflag:$0x1] =	stream.indirect.gather [hbm4b:s2+s18], $0x80, s26, s18, $0xb8;
	[tilespmem:$0x1AC00] =	vst v63  }
0x17b: {  	_ =	swait.ge [sflag:s31], $0x4000  }
0x17c: {  	[sflag:s31] =	ssyncset.done $0x0  }
0x17d: {  	[sflag:s31] =	ssyncadd.s32 $0xFFFFC000  }
0x17e: {  	_ =	swait.ge [sflag:s31], $0x2400  }
0x17f: {  	[sflag:s31] =	ssyncset.done $0x0  }
0x180: {  	s6 =	simm.s32 $0xE400;
	[sflag:s31] =	ssyncadd.s32 $0xFFFFDC00  }
0x181: {  	v0 =	vld [tilespmem:s6+$0x1F0]  }
0x182: {  	v1 =	vld [tilespmem:s6+$0x10]  }
0x183: {  	v2 =	vld [tilespmem:s6+$0x20]  }
0x184: {  	v3 =	vld [tilespmem:s6+$0x30]  }
0x185: {  	v6 =	vld [tilespmem:s6+$0x60]  }
0x186: {  	v4 =	vld [tilespmem:s6+$0x40]  }
0x187: {  	v5 =	vld [tilespmem:s6+$0x50];
	v0 =	vmul.f32 $1.131370830e+01, v0  }
0x188: {  	v8 =	vld [tilespmem:s6+$0x80];
	v1 =	vmul.f32 $1.131370830e+01, v1  }
0x189: {  	v7 =	vld [tilespmem:s6+$0x70];
	v2 =	vmul.f32 $1.131370830e+01, v2;
	[tilespmem:s6+$0x1F0] =	vst v0  }
0x18a: {  	v6 =	vmul.f32 $1.131370830e+01, v6;
	v0 =	vld [tilespmem:s6+$0x90];
	[tilespmem:s6+$0x10] =	vst v1  }
0x18b: {  	v1 =	vmul.f32 $1.131370830e+01, v3;
	v3 =	vld [tilespmem:s6+$0xA0];
	[tilespmem:s6+$0x20] =	vst v2;
	v2 =	vmul.f32 $1.131370830e+01, v4  }
0x18c: {  	[tilespmem:s6+$0x60] =	vst v6;
	v6 =	vld [tilespmem:s6+$0xF0]  }
0x18d: {  	v4 =	vld [tilespmem:s6+$0xB0];
	[tilespmem:s6+$0x40] =	vst v2;
	v2 =	vmul.f32 $1.131370830e+01, v8  }
0x18e: {  	[tilespmem:s6+$0x30] =	vst v1;
	v1 =	vmul.f32 $1.131370830e+01, v5;
	v5 =	vld [tilespmem:s6+$0xC0]  }
0x18f: {  	v8 =	vld [tilespmem:s6+$0xD0];
	[tilespmem:s6+$0x80] =	vst v2;
	v2 =	vmul.f32 $1.131370830e+01, v7  }
0x190: {  	[tilespmem:s6+$0x50] =	vst v1;
	v1 =	vld [tilespmem:s6+$0xE0];
	v0 =	vmul.f32 $1.131370830e+01, v0  }
0x191: {  	v7 =	vld [tilespmem:s6+$0x130];
	v6 =	vmul.f32 $1.131370830e+01, v6;
	[tilespmem:s6+$0x70] =	vst v2  }
0x192: {  	v2 =	vmul.f32 $1.131370830e+01, v3;
	v3 =	vld [tilespmem:s6+$0x100];
	[tilespmem:s6+$0x90] =	vst v0  }
0x193: {  	v0 =	vmul.f32 $1.131370830e+01, v4;
	v4 =	vld [tilespmem:s6+$0x110];
	[tilespmem:s6+$0xF0] =	vst v6  }
0x194: {  	[tilespmem:s6+$0xA0] =	vst v2;
	v2 =	vmul.f32 $1.131370830e+01, v5;
	v5 =	vld [tilespmem:s6+$0x120]  }
0x195: {  	v6 =	vld [tilespmem:s6+$0x180];
	[tilespmem:s6+$0xB0] =	vst v0;
	v0 =	vmul.f32 $1.131370830e+01, v8  }
0x196: {  	v1 =	vmul.f32 $1.131370830e+01, v1;
	[tilespmem:s6+$0xC0] =	vst v2;
	v2 =	vld [tilespmem:s6+$0x140]  }
0x197: {  	[tilespmem:s6+$0xD0] =	vst v0;
	v0 =	vmul.f32 $1.131370830e+01, v3  }
0x198: {  	v3 =	vld [tilespmem:s6+$0x150];
	[tilespmem:s6+$0xE0] =	vst v1;
	v4 =	vmul.f32 $1.131370830e+01, v4  }
0x199: {  	v1 =	vld [tilespmem:s6+$0x160];
	[tilespmem:s6+$0x100] =	vst v0;
	v0 =	vmul.f32 $1.131370830e+01, v5  }
0x19a: {  	v6 =	vmul.f32 $1.131370830e+01, v6;
	v5 =	vld [tilespmem:s6+$0x170];
	[tilespmem:s6+$0x110] =	vst v4  }
0x19b: {  	v4 =	vmul.f32 $1.131370830e+01, v7;
	v7 =	vld [tilespmem:s6+$0x190];
	[tilespmem:s6+$0x120] =	vst v0;
	v0 =	vmul.f32 $1.131370830e+01, v2  }
0x19c: {  	v8 =	vld [tilespmem:s6+$0x1A0];
	[tilespmem:s6+$0x180] =	vst v6  }
0x19d: {  	v2 =	vmul.f32 $1.131370830e+01, v3;
	[tilespmem:s6+$0x140] =	vst v0;
	v0 =	vld [tilespmem:s6+$0x1B0]  }
0x19e: {  	[tilespmem:s6+$0x130] =	vst v4;
	v3 =	vmul.f32 $1.131370830e+01, v1;
	v1 =	vld [tilespmem:s6+$0x1C0]  }
0x19f: {  	[tilespmem:s6+$0x150] =	vst v2;
	v4 =	vmul.f32 $1.131370830e+01, v5;
	v2 =	vld [tilespmem:s6+$0x1D0]  }
0x1a0: {  	[tilespmem:s6+$0x160] =	vst v3;
	v3 =	vld [tilespmem:s6+$0x1E0];
	v5 =	vmul.f32 $1.131370830e+01, v7  }
0x1a1: {  	s7 =	simm.s32 $0x0;
	s10 =	simm.s32 $0xE600;
	v6 =	vmul.f32 $1.131370830e+01, v8;
	[tilespmem:s6+$0x170] =	vst v4;
	v4 =	vld [tilespmem:s6+$0x0]  }
.LBB2_12:
0x1a2: {  	v7 =	vld [tilespmem:s10+$0x1F0];
	s7 =	sadd.s32 $0x4, s7;
	[tilespmem:s6+$0x190] =	vst v5;
	v0 =	vmul.f32 $1.131370830e+01, v0  }
0x1a3: {  	v5 =	vld [tilespmem:s10+$0x10];
	p0 =	slt.u32 s7, $0xC4;
	[tilespmem:s6+$0x1A0] =	vst v6;
	v1 =	vmul.f32 $1.131370830e+01, v1  }
0x1a4: {  	v6 =	vld [tilespmem:s10+$0x20];
	[tilespmem:s6+$0x1B0] =	vst v0;
	v0 =	vmul.f32 $1.131370830e+01, v2  }
0x1a5: {  	v2 =	vld [tilespmem:s10+$0x30];
	[tilespmem:s6+$0x1C0] =	vst v1;
	v1 =	vmul.f32 $1.131370830e+01, v3  }
0x1a6: {  	v3 =	vld [tilespmem:s10+$0x40];
	v4 =	vmul.f32 $1.131370830e+01, v4;
	[tilespmem:s6+$0x1D0] =	vst v0  }
0x1a7: {  	v0 =	vld [tilespmem:s10+$0x50];
	v7 =	vmul.f32 $1.131370830e+01, v7;
	[tilespmem:s6+$0x1E0] =	vst v1  }
0x1a8: {  	v1 =	vmul.f32 $1.131370830e+01, v5;
	v5 =	vld [tilespmem:s10+$0x60];
	[tilespmem:s6+$0x0] =	vst v4;
	s6 =	smov.u32 s10  }
0x1a9: {  	v4 =	vmul.f32 $1.131370830e+01, v6;
	v6 =	vld [tilespmem:s10+$0x70];
	[tilespmem:s10+$0x1F0] =	vst v7  }
0x1aa: {  	[tilespmem:s10+$0x10] =	vst v1;
	v1 =	vmul.f32 $1.131370830e+01, v2;
	v2 =	vld [tilespmem:s10+$0x80]  }
0x1ab: {  	[tilespmem:s10+$0x20] =	vst v4;
	v3 =	vmul.f32 $1.131370830e+01, v3;
	v4 =	vld [tilespmem:s10+$0x90]  }
0x1ac: {  	[tilespmem:s10+$0x30] =	vst v1;
	v0 =	vmul.f32 $1.131370830e+01, v0;
	v1 =	vld [tilespmem:s10+$0xA0]  }
0x1ad: {  	[tilespmem:s10+$0x40] =	vst v3;
	v3 =	vmul.f32 $1.131370830e+01, v5;
	v5 =	vld [tilespmem:s10+$0xB0]  }
0x1ae: {  	[tilespmem:s10+$0x50] =	vst v0;
	v0 =	vmul.f32 $1.131370830e+01, v6;
	v6 =	vld [tilespmem:s10+$0xC0]  }
0x1af: {  	[tilespmem:s10+$0x60] =	vst v3;
	v2 =	vmul.f32 $1.131370830e+01, v2;
	v3 =	vld [tilespmem:s10+$0xD0]  }
0x1b0: {  	[tilespmem:s10+$0x70] =	vst v0;
	v0 =	vmul.f32 $1.131370830e+01, v4;
	v4 =	vld [tilespmem:s10+$0xE0]  }
0x1b1: {  	[tilespmem:s10+$0x80] =	vst v2;
	v1 =	vmul.f32 $1.131370830e+01, v1;
	v2 =	vld [tilespmem:s10+$0xF0]  }
0x1b2: {  	[tilespmem:s10+$0x90] =	vst v0;
	v0 =	vmul.f32 $1.131370830e+01, v5;
	v5 =	vld [tilespmem:s10+$0x100]  }
0x1b3: {  	[tilespmem:s10+$0xA0] =	vst v1;
	v1 =	vmul.f32 $1.131370830e+01, v6;
	v6 =	vld [tilespmem:s10+$0x110]  }
0x1b4: {  	[tilespmem:s10+$0xB0] =	vst v0;
	v0 =	vmul.f32 $1.131370830e+01, v3;
	v3 =	vld [tilespmem:s10+$0x120]  }
0x1b5: {  	[tilespmem:s10+$0xC0] =	vst v1;
	v1 =	vmul.f32 $1.131370830e+01, v4;
	v4 =	vld [tilespmem:s10+$0x130]  }
0x1b6: {  	[tilespmem:s10+$0xD0] =	vst v0;
	v0 =	vmul.f32 $1.131370830e+01, v2;
	v2 =	vld [tilespmem:s10+$0x140]  }
0x1b7: {  	[tilespmem:s10+$0xE0] =	vst v1;
	v1 =	vmul.f32 $1.131370830e+01, v5;
	v5 =	vld [tilespmem:s10+$0x150]  }
0x1b8: {  	[tilespmem:s10+$0xF0] =	vst v0;
	v0 =	vmul.f32 $1.131370830e+01, v6;
	v6 =	vld [tilespmem:s10+$0x160]  }
0x1b9: {  	[tilespmem:s10+$0x100] =	vst v1;
	v1 =	vmul.f32 $1.131370830e+01, v3;
	v3 =	vld [tilespmem:s10+$0x170]  }
0x1ba: {  	[tilespmem:s10+$0x110] =	vst v0;
	v0 =	vmul.f32 $1.131370830e+01, v4;
	v4 =	vld [tilespmem:s10+$0x180]  }
0x1bb: {  	[tilespmem:s10+$0x120] =	vst v1;
	v1 =	vmul.f32 $1.131370830e+01, v2;
	v7 =	vld [tilespmem:s10+$0x190]  }
0x1bc: {  	[tilespmem:s10+$0x130] =	vst v0;
	v2 =	vmul.f32 $1.131370830e+01, v5;
	v8 =	vld [tilespmem:s10+$0x1A0]  }
.Ltmp5:
0x1bd: {  	[tilespmem:s10+$0x140] =	vst v1;
	v5 =	vmul.f32 $1.131370830e+01, v6;
	v0 =	vld [tilespmem:s10+$0x1B0];
	(pc) =	sbr.rel @p0 .LBB2_12-.Ltmp5, $4  }
0x1be: {  	[tilespmem:s10+$0x150] =	vst v2;
	v3 =	vmul.f32 $1.131370830e+01, v3;
	v1 =	vld [tilespmem:s10+$0x1C0]  }
0x1bf: {  	[tilespmem:s10+$0x160] =	vst v5;
	v6 =	vmul.f32 $1.131370830e+01, v4;
	v2 =	vld [tilespmem:s10+$0x1D0]  }
0x1c0: {  	[tilespmem:s10+$0x170] =	vst v3;
	v5 =	vmul.f32 $1.131370830e+01, v7;
	v3 =	vld [tilespmem:s10+$0x1E0]  }
0x1c1: {  	s10 =	sadd.s32 $0x200, s10;
	v4 =	vld [tilespmem:s6+$0x0];
	[tilespmem:s6+$0x180] =	vst v6;
	v6 =	vmul.f32 $1.131370830e+01, v8  }
0x1c2: {  	[tilespmem:s6+$0x190] =	vst v5;
	v0 =	vmul.f32 $1.131370830e+01, v0  }
0x1c3: {  	[tilespmem:s6+$0x1A0] =	vst v6;
	v1 =	vmul.f32 $1.131370830e+01, v1  }
0x1c4: {  	[tilespmem:s6+$0x1B0] =	vst v0;
	v0 =	vmul.f32 $1.131370830e+01, v2  }
0x1c5: {  	[tilespmem:s6+$0x1C0] =	vst v1;
	v1 =	vmul.f32 $1.131370830e+01, v3  }
0x1c6: {  	v2 =	vmul.f32 $1.131370830e+01, v4;
	[tilespmem:s6+$0x1D0] =	vst v0  }
0x1c7: {  	[tilespmem:s6+$0x1E0] =	vst v1  }
0x1c8: {  	[tilespmem:s6+$0x0] =	vst v2  }
0x1c9: {  	s6 =	rddreg [dreg:$0x6]  }
0x1ca: {  	[hbm4b:s6+s4] =	stream.linear.scatter [tilespmem:s21], [sflag:$0x5], $0x6400, $0x38;
	[tilespmem:$0x1AC00] =	vst v63  }
0x1cb: {  	_ =	swait.ge [sflag:s0], $0x6400  }
0x1cc: {  	[sflag:s0] =	ssyncset.done $0x0  }
0x1cd: {  	s22 =	simm.s32 $0x7B80;
	[sflag:s0] =	ssyncadd.s32 $0xFFFF9C00  }
0x1ce: {  	[tilespmem:s21], [sflag:$0x2] =	stream.indirect.gather [hbm4b:s2+s16], $0x80, s22, s16, $0xb8;
	[tilespmem:$0x1AC00] =	vst v63  }
0x1cf: {  	s26 =	simm.s32 $0x7F80  }
0x1d0: {  	[tilespmem:s23], [sflag:$0x2] =	stream.indirect.gather [hbm4b:s2+s18], $0x80, s26, s18, $0xb8;
	[tilespmem:$0x1AC00] =	vst v63  }
0x1d1: {  	_ =	swait.ge [sflag:s1], $0x4000  }
0x1d2: {  	[sflag:s1] =	ssyncset.done $0x0  }
0x1d3: {  	[sflag:s1] =	ssyncadd.s32 $0xFFFFC000  }
0x1d4: {  	_ =	swait.ge [sflag:s1], $0x2400  }
0x1d5: {  	[sflag:s1] =	ssyncset.done $0x0  }
0x1d6: {  	s6 =	simm.s32 $0x14800;
	[sflag:s1] =	ssyncadd.s32 $0xFFFFDC00  }
0x1d7: {  	v0 =	vld [tilespmem:s6+$0x1F0]  }
0x1d8: {  	v1 =	vld [tilespmem:s6+$0x10]  }
0x1d9: {  	v2 =	vld [tilespmem:s6+$0x20]  }
0x1da: {  	v3 =	vld [tilespmem:s6+$0x30]  }
0x1db: {  	v6 =	vld [tilespmem:s6+$0x60]  }
0x1dc: {  	v4 =	vld [tilespmem:s6+$0x40]  }
0x1dd: {  	v5 =	vld [tilespmem:s6+$0x50];
	v0 =	vmul.f32 $1.131370830e+01, v0  }
0x1de: {  	v8 =	vld [tilespmem:s6+$0x80];
	v1 =	vmul.f32 $1.131370830e+01, v1  }
0x1df: {  	v7 =	vld [tilespmem:s6+$0x70];
	v2 =	vmul.f32 $1.131370830e+01, v2;
	[tilespmem:s6+$0x1F0] =	vst v0  }
0x1e0: {  	v6 =	vmul.f32 $1.131370830e+01, v6;
	v0 =	vld [tilespmem:s6+$0x90];
	[tilespmem:s6+$0x10] =	vst v1  }
0x1e1: {  	v1 =	vmul.f32 $1.131370830e+01, v3;
	v3 =	vld [tilespmem:s6+$0xA0];
	[tilespmem:s6+$0x20] =	vst v2;
	v2 =	vmul.f32 $1.131370830e+01, v4  }
0x1e2: {  	[tilespmem:s6+$0x60] =	vst v6;
	v6 =	vld [tilespmem:s6+$0xF0]  }
0x1e3: {  	v4 =	vld [tilespmem:s6+$0xB0];
	[tilespmem:s6+$0x40] =	vst v2;
	v2 =	vmul.f32 $1.131370830e+01, v8  }
0x1e4: {  	[tilespmem:s6+$0x30] =	vst v1;
	v1 =	vmul.f32 $1.131370830e+01, v5;
	v5 =	vld [tilespmem:s6+$0xC0]  }
0x1e5: {  	v8 =	vld [tilespmem:s6+$0xD0];
	[tilespmem:s6+$0x80] =	vst v2;
	v2 =	vmul.f32 $1.131370830e+01, v7  }
0x1e6: {  	[tilespmem:s6+$0x50] =	vst v1;
	v1 =	vld [tilespmem:s6+$0xE0];
	v0 =	vmul.f32 $1.131370830e+01, v0  }
0x1e7: {  	v7 =	vld [tilespmem:s6+$0x130];
	v6 =	vmul.f32 $1.131370830e+01, v6;
	[tilespmem:s6+$0x70] =	vst v2  }
0x1e8: {  	v2 =	vmul.f32 $1.131370830e+01, v3;
	v3 =	vld [tilespmem:s6+$0x100];
	[tilespmem:s6+$0x90] =	vst v0  }
0x1e9: {  	v0 =	vmul.f32 $1.131370830e+01, v4;
	v4 =	vld [tilespmem:s6+$0x110];
	[tilespmem:s6+$0xF0] =	vst v6  }
0x1ea: {  	[tilespmem:s6+$0xA0] =	vst v2;
	v2 =	vmul.f32 $1.131370830e+01, v5;
	v5 =	vld [tilespmem:s6+$0x120]  }
0x1eb: {  	v6 =	vld [tilespmem:s6+$0x180];
	[tilespmem:s6+$0xB0] =	vst v0;
	v0 =	vmul.f32 $1.131370830e+01, v8  }
0x1ec: {  	v1 =	vmul.f32 $1.131370830e+01, v1;
	[tilespmem:s6+$0xC0] =	vst v2;
	v2 =	vld [tilespmem:s6+$0x140]  }
0x1ed: {  	[tilespmem:s6+$0xD0] =	vst v0;
	v0 =	vmul.f32 $1.131370830e+01, v3  }
0x1ee: {  	v3 =	vld [tilespmem:s6+$0x150];
	[tilespmem:s6+$0xE0] =	vst v1;
	v4 =	vmul.f32 $1.131370830e+01, v4  }
0x1ef: {  	v1 =	vld [tilespmem:s6+$0x160];
	[tilespmem:s6+$0x100] =	vst v0;
	v0 =	vmul.f32 $1.131370830e+01, v5  }
0x1f0: {  	v6 =	vmul.f32 $1.131370830e+01, v6;
	v5 =	vld [tilespmem:s6+$0x170];
	[tilespmem:s6+$0x110] =	vst v4  }
0x1f1: {  	v4 =	vmul.f32 $1.131370830e+01, v7;
	v7 =	vld [tilespmem:s6+$0x190];
	[tilespmem:s6+$0x120] =	vst v0;
	v0 =	vmul.f32 $1.131370830e+01, v2  }
0x1f2: {  	v8 =	vld [tilespmem:s6+$0x1A0];
	[tilespmem:s6+$0x180] =	vst v6  }
0x1f3: {  	v2 =	vmul.f32 $1.131370830e+01, v3;
	[tilespmem:s6+$0x140] =	vst v0;
	v0 =	vld [tilespmem:s6+$0x1B0]  }
0x1f4: {  	[tilespmem:s6+$0x130] =	vst v4;
	v3 =	vmul.f32 $1.131370830e+01, v1;
	v1 =	vld [tilespmem:s6+$0x1C0]  }
0x1f5: {  	[tilespmem:s6+$0x150] =	vst v2;
	v4 =	vmul.f32 $1.131370830e+01, v5;
	v2 =	vld [tilespmem:s6+$0x1D0]  }
0x1f6: {  	[tilespmem:s6+$0x160] =	vst v3;
	v3 =	vld [tilespmem:s6+$0x1E0];
	v5 =	vmul.f32 $1.131370830e+01, v7  }
0x1f7: {  	s7 =	simm.s32 $0x0;
	s10 =	simm.s32 $0x14A00;
	v6 =	vmul.f32 $1.131370830e+01, v8;
	[tilespmem:s6+$0x170] =	vst v4;
	v4 =	vld [tilespmem:s6+$0x0]  }
.LBB2_14:
0x1f8: {  	v7 =	vld [tilespmem:s10+$0x1F0];
	s7 =	sadd.s32 $0x4, s7;
	[tilespmem:s6+$0x190] =	vst v5;
	v0 =	vmul.f32 $1.131370830e+01, v0  }
0x1f9: {  	v5 =	vld [tilespmem:s10+$0x10];
	p0 =	slt.u32 s7, $0xC4;
	[tilespmem:s6+$0x1A0] =	vst v6;
	v1 =	vmul.f32 $1.131370830e+01, v1  }
0x1fa: {  	v6 =	vld [tilespmem:s10+$0x20];
	[tilespmem:s6+$0x1B0] =	vst v0;
	v0 =	vmul.f32 $1.131370830e+01, v2  }
0x1fb: {  	v2 =	vld [tilespmem:s10+$0x30];
	[tilespmem:s6+$0x1C0] =	vst v1;
	v1 =	vmul.f32 $1.131370830e+01, v3  }
0x1fc: {  	v3 =	vld [tilespmem:s10+$0x40];
	v4 =	vmul.f32 $1.131370830e+01, v4;
	[tilespmem:s6+$0x1D0] =	vst v0  }
0x1fd: {  	v0 =	vld [tilespmem:s10+$0x50];
	v7 =	vmul.f32 $1.131370830e+01, v7;
	[tilespmem:s6+$0x1E0] =	vst v1  }
0x1fe: {  	v1 =	vmul.f32 $1.131370830e+01, v5;
	v5 =	vld [tilespmem:s10+$0x60];
	[tilespmem:s6+$0x0] =	vst v4;
	s6 =	smov.u32 s10  }
0x1ff: {  	v4 =	vmul.f32 $1.131370830e+01, v6;
	v6 =	vld [tilespmem:s10+$0x70];
	[tilespmem:s10+$0x1F0] =	vst v7  }
0x200: {  	[tilespmem:s10+$0x10] =	vst v1;
	v1 =	vmul.f32 $1.131370830e+01, v2;
	v2 =	vld [tilespmem:s10+$0x80]  }
0x201: {  	[tilespmem:s10+$0x20] =	vst v4;
	v3 =	vmul.f32 $1.131370830e+01, v3;
	v4 =	vld [tilespmem:s10+$0x90]  }
0x202: {  	[tilespmem:s10+$0x30] =	vst v1;
	v0 =	vmul.f32 $1.131370830e+01, v0;
	v1 =	vld [tilespmem:s10+$0xA0]  }
0x203: {  	[tilespmem:s10+$0x40] =	vst v3;
	v3 =	vmul.f32 $1.131370830e+01, v5;
	v5 =	vld [tilespmem:s10+$0xB0]  }
0x204: {  	[tilespmem:s10+$0x50] =	vst v0;
	v0 =	vmul.f32 $1.131370830e+01, v6;
	v6 =	vld [tilespmem:s10+$0xC0]  }
0x205: {  	[tilespmem:s10+$0x60] =	vst v3;
	v2 =	vmul.f32 $1.131370830e+01, v2;
	v3 =	vld [tilespmem:s10+$0xD0]  }
0x206: {  	[tilespmem:s10+$0x70] =	vst v0;
	v0 =	vmul.f32 $1.131370830e+01, v4;
	v4 =	vld [tilespmem:s10+$0xE0]  }
0x207: {  	[tilespmem:s10+$0x80] =	vst v2;
	v1 =	vmul.f32 $1.131370830e+01, v1;
	v2 =	vld [tilespmem:s10+$0xF0]  }
0x208: {  	[tilespmem:s10+$0x90] =	vst v0;
	v0 =	vmul.f32 $1.131370830e+01, v5;
	v5 =	vld [tilespmem:s10+$0x100]  }
0x209: {  	[tilespmem:s10+$0xA0] =	vst v1;
	v1 =	vmul.f32 $1.131370830e+01, v6;
	v6 =	vld [tilespmem:s10+$0x110]  }
0x20a: {  	[tilespmem:s10+$0xB0] =	vst v0;
	v0 =	vmul.f32 $1.131370830e+01, v3;
	v3 =	vld [tilespmem:s10+$0x120]  }
0x20b: {  	[tilespmem:s10+$0xC0] =	vst v1;
	v1 =	vmul.f32 $1.131370830e+01, v4;
	v4 =	vld [tilespmem:s10+$0x130]  }
0x20c: {  	[tilespmem:s10+$0xD0] =	vst v0;
	v0 =	vmul.f32 $1.131370830e+01, v2;
	v2 =	vld [tilespmem:s10+$0x140]  }
0x20d: {  	[tilespmem:s10+$0xE0] =	vst v1;
	v1 =	vmul.f32 $1.131370830e+01, v5;
	v5 =	vld [tilespmem:s10+$0x150]  }
0x20e: {  	[tilespmem:s10+$0xF0] =	vst v0;
	v0 =	vmul.f32 $1.131370830e+01, v6;
	v6 =	vld [tilespmem:s10+$0x160]  }
0x20f: {  	[tilespmem:s10+$0x100] =	vst v1;
	v1 =	vmul.f32 $1.131370830e+01, v3;
	v3 =	vld [tilespmem:s10+$0x170]  }
0x210: {  	[tilespmem:s10+$0x110] =	vst v0;
	v0 =	vmul.f32 $1.131370830e+01, v4;
	v4 =	vld [tilespmem:s10+$0x180]  }
0x211: {  	[tilespmem:s10+$0x120] =	vst v1;
	v1 =	vmul.f32 $1.131370830e+01, v2;
	v7 =	vld [tilespmem:s10+$0x190]  }
0x212: {  	[tilespmem:s10+$0x130] =	vst v0;
	v2 =	vmul.f32 $1.131370830e+01, v5;
	v8 =	vld [tilespmem:s10+$0x1A0]  }
.Ltmp6:
0x213: {  	[tilespmem:s10+$0x140] =	vst v1;
	v5 =	vmul.f32 $1.131370830e+01, v6;
	v0 =	vld [tilespmem:s10+$0x1B0];
	(pc) =	sbr.rel @p0 .LBB2_14-.Ltmp6, $4  }
0x214: {  	[tilespmem:s10+$0x150] =	vst v2;
	v3 =	vmul.f32 $1.131370830e+01, v3;
	v1 =	vld [tilespmem:s10+$0x1C0]  }
0x215: {  	[tilespmem:s10+$0x160] =	vst v5;
	v6 =	vmul.f32 $1.131370830e+01, v4;
	v2 =	vld [tilespmem:s10+$0x1D0]  }
0x216: {  	[tilespmem:s10+$0x170] =	vst v3;
	v5 =	vmul.f32 $1.131370830e+01, v7;
	v3 =	vld [tilespmem:s10+$0x1E0]  }
0x217: {  	s10 =	sadd.s32 $0x200, s10;
	v4 =	vld [tilespmem:s6+$0x0];
	[tilespmem:s6+$0x180] =	vst v6;
	v6 =	vmul.f32 $1.131370830e+01, v8  }
0x218: {  	[tilespmem:s6+$0x190] =	vst v5;
	v0 =	vmul.f32 $1.131370830e+01, v0  }
0x219: {  	[tilespmem:s6+$0x1A0] =	vst v6;
	v1 =	vmul.f32 $1.131370830e+01, v1  }
0x21a: {  	[tilespmem:s6+$0x1B0] =	vst v0;
	v0 =	vmul.f32 $1.131370830e+01, v2  }
0x21b: {  	[tilespmem:s6+$0x1C0] =	vst v1;
	v1 =	vmul.f32 $1.131370830e+01, v3  }
0x21c: {  	v2 =	vmul.f32 $1.131370830e+01, v4;
	[tilespmem:s6+$0x1D0] =	vst v0  }
0x21d: {  	[tilespmem:s6+$0x1E0] =	vst v1  }
0x21e: {  	[tilespmem:s6+$0x0] =	vst v2  }
0x21f: {  	s6 =	rddreg [dreg:$0x7]  }
0x220: {  	[hbm4b:s6+s4] =	stream.linear.scatter [tilespmem:s25], [sflag:$0x6], $0x6400, $0x38;
	[tilespmem:$0x1AC00] =	vst v63  }
0x221: {  	_ =	swait.ge [sflag:s19], $0x6400  }
0x222: {  	[sflag:s19] =	ssyncset.done $0x0  }
0x223: {  	[sflag:s19] =	ssyncadd.s32 $0xFFFF9C00  }
0x224: {  	_ =	swait.ge [sflag:s29], $0x4000  }
0x225: {  	[sflag:s29] =	ssyncset.done $0x0  }
0x226: {  	[sflag:s29] =	ssyncadd.s32 $0xFFFFC000  }
0x227: {  	_ =	swait.ge [sflag:s29], $0x2400  }
0x228: {  	[sflag:s29] =	ssyncset.done $0x0  }
0x229: {  	s6 =	simm.s32 $0x8100;
	[sflag:s29] =	ssyncadd.s32 $0xFFFFDC00  }
0x22a: {  	v0 =	vld [tilespmem:s6+$0xF0]  }
0x22b: {  	v1 =	vld [tilespmem:s6+$0xFFFFFF10]  }
0x22c: {  	v2 =	vld [tilespmem:s6+$0xFFFFFF20]  }
0x22d: {  	v3 =	vld [tilespmem:s6+$0xFFFFFF30]  }
0x22e: {  	v6 =	vld [tilespmem:s6+$0xFFFFFF60]  }
0x22f: {  	v4 =	vld [tilespmem:s6+$0xFFFFFF40]  }
0x230: {  	v5 =	vld [tilespmem:s6+$0xFFFFFF50];
	v0 =	vmul.f32 $1.131370830e+01, v0  }
0x231: {  	v8 =	vld [tilespmem:s6+$0xFFFFFF80];
	v1 =	vmul.f32 $1.131370830e+01, v1  }
0x232: {  	v7 =	vld [tilespmem:s6+$0xFFFFFF70];
	v2 =	vmul.f32 $1.131370830e+01, v2;
	[tilespmem:s6+$0xF0] =	vst v0  }
0x233: {  	v6 =	vmul.f32 $1.131370830e+01, v6;
	v0 =	vld [tilespmem:s6+$0xFFFFFF90];
	[tilespmem:s6+$0xFFFFFF10] =	vst v1  }
0x234: {  	v1 =	vmul.f32 $1.131370830e+01, v3;
	v3 =	vld [tilespmem:s6+$0xFFFFFFA0];
	[tilespmem:s6+$0xFFFFFF20] =	vst v2;
	v2 =	vmul.f32 $1.131370830e+01, v4  }
0x235: {  	[tilespmem:s6+$0xFFFFFF60] =	vst v6;
	v6 =	vld [tilespmem:s6+$0xFFFFFFF0]  }
0x236: {  	v4 =	vld [tilespmem:s6+$0xFFFFFFB0];
	[tilespmem:s6+$0xFFFFFF40] =	vst v2;
	v2 =	vmul.f32 $1.131370830e+01, v8  }
0x237: {  	[tilespmem:s6+$0xFFFFFF30] =	vst v1;
	v1 =	vmul.f32 $1.131370830e+01, v5;
	v5 =	vld [tilespmem:s6+$0xFFFFFFC0]  }
0x238: {  	v8 =	vld [tilespmem:s6+$0xFFFFFFD0];
	[tilespmem:s6+$0xFFFFFF80] =	vst v2;
	v2 =	vmul.f32 $1.131370830e+01, v7  }
0x239: {  	[tilespmem:s6+$0xFFFFFF50] =	vst v1;
	v1 =	vld [tilespmem:s6+$0xFFFFFFE0];
	v0 =	vmul.f32 $1.131370830e+01, v0  }
0x23a: {  	v7 =	vld [tilespmem:s6+$0x30];
	v6 =	vmul.f32 $1.131370830e+01, v6;
	[tilespmem:s6+$0xFFFFFF70] =	vst v2  }
0x23b: {  	v2 =	vmul.f32 $1.131370830e+01, v3;
	v3 =	vld [tilespmem:s6+$0x0];
	[tilespmem:s6+$0xFFFFFF90] =	vst v0  }
0x23c: {  	v0 =	vmul.f32 $1.131370830e+01, v4;
	v4 =	vld [tilespmem:s6+$0x10];
	[tilespmem:s6+$0xFFFFFFF0] =	vst v6  }
0x23d: {  	[tilespmem:s6+$0xFFFFFFA0] =	vst v2;
	v2 =	vmul.f32 $1.131370830e+01, v5;
	v5 =	vld [tilespmem:s6+$0x20]  }
0x23e: {  	v6 =	vld [tilespmem:s6+$0x80];
	[tilespmem:s6+$0xFFFFFFB0] =	vst v0;
	v0 =	vmul.f32 $1.131370830e+01, v8  }
0x23f: {  	v1 =	vmul.f32 $1.131370830e+01, v1;
	[tilespmem:s6+$0xFFFFFFC0] =	vst v2;
	v2 =	vld [tilespmem:s6+$0x40]  }
0x240: {  	[tilespmem:s6+$0xFFFFFFD0] =	vst v0;
	v0 =	vmul.f32 $1.131370830e+01, v3  }
0x241: {  	v3 =	vld [tilespmem:s6+$0x50];
	[tilespmem:s6+$0xFFFFFFE0] =	vst v1;
	v4 =	vmul.f32 $1.131370830e+01, v4  }
0x242: {  	v1 =	vld [tilespmem:s6+$0x60];
	[tilespmem:s6+$0x0] =	vst v0;
	v0 =	vmul.f32 $1.131370830e+01, v5  }
0x243: {  	v6 =	vmul.f32 $1.131370830e+01, v6;
	v5 =	vld [tilespmem:s6+$0x70];
	[tilespmem:s6+$0x10] =	vst v4  }
0x244: {  	v4 =	vmul.f32 $1.131370830e+01, v7;
	v7 =	vld [tilespmem:s6+$0x90];
	[tilespmem:s6+$0x20] =	vst v0;
	v0 =	vmul.f32 $1.131370830e+01, v2  }
0x245: {  	v8 =	vld [tilespmem:s6+$0xA0];
	[tilespmem:s6+$0x80] =	vst v6  }
0x246: {  	v2 =	vmul.f32 $1.131370830e+01, v3;
	[tilespmem:s6+$0x40] =	vst v0;
	v0 =	vld [tilespmem:s6+$0xB0]  }
0x247: {  	[tilespmem:s6+$0x30] =	vst v4;
	v3 =	vmul.f32 $1.131370830e+01, v1;
	v1 =	vld [tilespmem:s6+$0xC0]  }
0x248: {  	[tilespmem:s6+$0x50] =	vst v2;
	v4 =	vmul.f32 $1.131370830e+01, v5;
	v2 =	vld [tilespmem:s6+$0xD0]  }
0x249: {  	[tilespmem:s6+$0x60] =	vst v3;
	v3 =	vld [tilespmem:s6+$0xE0];
	v5 =	vmul.f32 $1.131370830e+01, v7  }
0x24a: {  	s7 =	simm.s32 $0x0;
	s10 =	simm.s32 $0x8300;
	v6 =	vmul.f32 $1.131370830e+01, v8;
	[tilespmem:s6+$0x70] =	vst v4;
	v4 =	vld [tilespmem:s6+$0xFFFFFF00]  }
.LBB2_16:
0x24b: {  	v7 =	vld [tilespmem:s10+$0xF0];
	s7 =	sadd.s32 $0x4, s7;
	[tilespmem:s6+$0x90] =	vst v5;
	v0 =	vmul.f32 $1.131370830e+01, v0  }
0x24c: {  	v5 =	vld [tilespmem:s10+$0xFFFFFF10];
	p0 =	slt.u32 s7, $0xC4;
	[tilespmem:s6+$0xA0] =	vst v6;
	v1 =	vmul.f32 $1.131370830e+01, v1  }
0x24d: {  	v6 =	vld [tilespmem:s10+$0xFFFFFF20];
	[tilespmem:s6+$0xB0] =	vst v0;
	v0 =	vmul.f32 $1.131370830e+01, v2  }
0x24e: {  	v2 =	vld [tilespmem:s10+$0xFFFFFF30];
	[tilespmem:s6+$0xC0] =	vst v1;
	v1 =	vmul.f32 $1.131370830e+01, v3  }
0x24f: {  	v3 =	vld [tilespmem:s10+$0xFFFFFF40];
	v4 =	vmul.f32 $1.131370830e+01, v4;
	[tilespmem:s6+$0xD0] =	vst v0  }
0x250: {  	v0 =	vld [tilespmem:s10+$0xFFFFFF50];
	v7 =	vmul.f32 $1.131370830e+01, v7;
	[tilespmem:s6+$0xE0] =	vst v1  }
0x251: {  	v1 =	vmul.f32 $1.131370830e+01, v5;
	v5 =	vld [tilespmem:s10+$0xFFFFFF60];
	[tilespmem:s6+$0xFFFFFF00] =	vst v4;
	s6 =	smov.u32 s10  }
0x252: {  	v4 =	vmul.f32 $1.131370830e+01, v6;
	v6 =	vld [tilespmem:s10+$0xFFFFFF70];
	[tilespmem:s10+$0xF0] =	vst v7  }
0x253: {  	[tilespmem:s10+$0xFFFFFF10] =	vst v1;
	v1 =	vmul.f32 $1.131370830e+01, v2;
	v2 =	vld [tilespmem:s10+$0xFFFFFF80]  }
0x254: {  	[tilespmem:s10+$0xFFFFFF20] =	vst v4;
	v3 =	vmul.f32 $1.131370830e+01, v3;
	v4 =	vld [tilespmem:s10+$0xFFFFFF90]  }
0x255: {  	[tilespmem:s10+$0xFFFFFF30] =	vst v1;
	v0 =	vmul.f32 $1.131370830e+01, v0;
	v1 =	vld [tilespmem:s10+$0xFFFFFFA0]  }
0x256: {  	[tilespmem:s10+$0xFFFFFF40] =	vst v3;
	v3 =	vmul.f32 $1.131370830e+01, v5;
	v5 =	vld [tilespmem:s10+$0xFFFFFFB0]  }
0x257: {  	[tilespmem:s10+$0xFFFFFF50] =	vst v0;
	v0 =	vmul.f32 $1.131370830e+01, v6;
	v6 =	vld [tilespmem:s10+$0xFFFFFFC0]  }
0x258: {  	[tilespmem:s10+$0xFFFFFF60] =	vst v3;
	v2 =	vmul.f32 $1.131370830e+01, v2;
	v3 =	vld [tilespmem:s10+$0xFFFFFFD0]  }
0x259: {  	[tilespmem:s10+$0xFFFFFF70] =	vst v0;
	v0 =	vmul.f32 $1.131370830e+01, v4;
	v4 =	vld [tilespmem:s10+$0xFFFFFFE0]  }
0x25a: {  	[tilespmem:s10+$0xFFFFFF80] =	vst v2;
	v1 =	vmul.f32 $1.131370830e+01, v1;
	v2 =	vld [tilespmem:s10+$0xFFFFFFF0]  }
0x25b: {  	[tilespmem:s10+$0xFFFFFF90] =	vst v0;
	v0 =	vmul.f32 $1.131370830e+01, v5;
	v5 =	vld [tilespmem:s10+$0x0]  }
0x25c: {  	[tilespmem:s10+$0xFFFFFFA0] =	vst v1;
	v1 =	vmul.f32 $1.131370830e+01, v6;
	v6 =	vld [tilespmem:s10+$0x10]  }
0x25d: {  	[tilespmem:s10+$0xFFFFFFB0] =	vst v0;
	v0 =	vmul.f32 $1.131370830e+01, v3;
	v3 =	vld [tilespmem:s10+$0x20]  }
0x25e: {  	[tilespmem:s10+$0xFFFFFFC0] =	vst v1;
	v1 =	vmul.f32 $1.131370830e+01, v4;
	v4 =	vld [tilespmem:s10+$0x30]  }
0x25f: {  	[tilespmem:s10+$0xFFFFFFD0] =	vst v0;
	v0 =	vmul.f32 $1.131370830e+01, v2;
	v2 =	vld [tilespmem:s10+$0x40]  }
0x260: {  	[tilespmem:s10+$0xFFFFFFE0] =	vst v1;
	v1 =	vmul.f32 $1.131370830e+01, v5;
	v5 =	vld [tilespmem:s10+$0x50]  }
0x261: {  	[tilespmem:s10+$0xFFFFFFF0] =	vst v0;
	v0 =	vmul.f32 $1.131370830e+01, v6;
	v6 =	vld [tilespmem:s10+$0x60]  }
0x262: {  	[tilespmem:s10+$0x0] =	vst v1;
	v1 =	vmul.f32 $1.131370830e+01, v3;
	v3 =	vld [tilespmem:s10+$0x70]  }
0x263: {  	[tilespmem:s10+$0x10] =	vst v0;
	v0 =	vmul.f32 $1.131370830e+01, v4;
	v4 =	vld [tilespmem:s10+$0x80]  }
0x264: {  	[tilespmem:s10+$0x20] =	vst v1;
	v1 =	vmul.f32 $1.131370830e+01, v2;
	v7 =	vld [tilespmem:s10+$0x90]  }
0x265: {  	[tilespmem:s10+$0x30] =	vst v0;
	v2 =	vmul.f32 $1.131370830e+01, v5;
	v8 =	vld [tilespmem:s10+$0xA0]  }
.Ltmp7:
0x266: {  	[tilespmem:s10+$0x40] =	vst v1;
	v5 =	vmul.f32 $1.131370830e+01, v6;
	v0 =	vld [tilespmem:s10+$0xB0];
	(pc) =	sbr.rel @p0 .LBB2_16-.Ltmp7, $4  }
0x267: {  	[tilespmem:s10+$0x50] =	vst v2;
	v3 =	vmul.f32 $1.131370830e+01, v3;
	v1 =	vld [tilespmem:s10+$0xC0]  }
0x268: {  	[tilespmem:s10+$0x60] =	vst v5;
	v6 =	vmul.f32 $1.131370830e+01, v4;
	v2 =	vld [tilespmem:s10+$0xD0]  }
0x269: {  	[tilespmem:s10+$0x70] =	vst v3;
	v5 =	vmul.f32 $1.131370830e+01, v7;
	v3 =	vld [tilespmem:s10+$0xE0]  }
0x26a: {  	s10 =	sadd.s32 $0x200, s10;
	v4 =	vld [tilespmem:s6+$0xFFFFFF00];
	[tilespmem:s6+$0x80] =	vst v6;
	v6 =	vmul.f32 $1.131370830e+01, v8  }
0x26b: {  	[tilespmem:s6+$0x90] =	vst v5;
	v0 =	vmul.f32 $1.131370830e+01, v0  }
0x26c: {  	[tilespmem:s6+$0xA0] =	vst v6;
	v1 =	vmul.f32 $1.131370830e+01, v1  }
0x26d: {  	[tilespmem:s6+$0xB0] =	vst v0;
	v0 =	vmul.f32 $1.131370830e+01, v2  }
0x26e: {  	[tilespmem:s6+$0xC0] =	vst v1;
	v1 =	vmul.f32 $1.131370830e+01, v3  }
0x26f: {  	v2 =	vmul.f32 $1.131370830e+01, v4;
	[tilespmem:s6+$0xD0] =	vst v0  }
0x270: {  	[tilespmem:s6+$0xE0] =	vst v1  }
0x271: {  	[tilespmem:s6+$0xFFFFFF00] =	vst v2  }
0x272: {  	s6 =	rddreg [dreg:$0x8]  }
0x273: {  	[hbm4b:s6+s4] =	stream.linear.scatter [tilespmem:s17], [sflag:$0x4], $0x6400, $0x38;
	[tilespmem:$0x1AC00] =	vst v63  }
0x274: {  	_ =	swait.ge [sflag:s30], $0x6400  }
0x275: {  	[sflag:s30] =	ssyncset.done $0x0  }
0x276: {  	[sflag:s30] =	ssyncadd.s32 $0xFFFF9C00  }
0x277: {  	_ =	swait.ge [sflag:s31], $0x4000  }
0x278: {  	[sflag:s31] =	ssyncset.done $0x0  }
0x279: {  	[sflag:s31] =	ssyncadd.s32 $0xFFFFC000  }
0x27a: {  	_ =	swait.ge [sflag:s31], $0x2400  }
0x27b: {  	[sflag:s31] =	ssyncset.done $0x0  }
0x27c: {  	s6 =	simm.s32 $0xE400;
	[sflag:s31] =	ssyncadd.s32 $0xFFFFDC00  }
0x27d: {  	v0 =	vld [tilespmem:s6+$0x1F0]  }
0x27e: {  	v1 =	vld [tilespmem:s6+$0x10]  }
0x27f: {  	v2 =	vld [tilespmem:s6+$0x20]  }
0x280: {  	v3 =	vld [tilespmem:s6+$0x30]  }
0x281: {  	v6 =	vld [tilespmem:s6+$0x60]  }
0x282: {  	v4 =	vld [tilespmem:s6+$0x40]  }
0x283: {  	v5 =	vld [tilespmem:s6+$0x50];
	v0 =	vmul.f32 $1.131370830e+01, v0  }
0x284: {  	v8 =	vld [tilespmem:s6+$0x80];
	v1 =	vmul.f32 $1.131370830e+01, v1  }
0x285: {  	v7 =	vld [tilespmem:s6+$0x70];
	v2 =	vmul.f32 $1.131370830e+01, v2;
	[tilespmem:s6+$0x1F0] =	vst v0  }
0x286: {  	v6 =	vmul.f32 $1.131370830e+01, v6;
	v0 =	vld [tilespmem:s6+$0x90];
	[tilespmem:s6+$0x10] =	vst v1  }
0x287: {  	v1 =	vmul.f32 $1.131370830e+01, v3;
	v3 =	vld [tilespmem:s6+$0xA0];
	[tilespmem:s6+$0x20] =	vst v2;
	v2 =	vmul.f32 $1.131370830e+01, v4  }
0x288: {  	[tilespmem:s6+$0x60] =	vst v6;
	v6 =	vld [tilespmem:s6+$0xF0]  }
0x289: {  	v4 =	vld [tilespmem:s6+$0xB0];
	[tilespmem:s6+$0x40] =	vst v2;
	v2 =	vmul.f32 $1.131370830e+01, v8  }
0x28a: {  	[tilespmem:s6+$0x30] =	vst v1;
	v1 =	vmul.f32 $1.131370830e+01, v5;
	v5 =	vld [tilespmem:s6+$0xC0]  }
0x28b: {  	v8 =	vld [tilespmem:s6+$0xD0];
	[tilespmem:s6+$0x80] =	vst v2;
	v2 =	vmul.f32 $1.131370830e+01, v7  }
0x28c: {  	[tilespmem:s6+$0x50] =	vst v1;
	v1 =	vld [tilespmem:s6+$0xE0];
	v0 =	vmul.f32 $1.131370830e+01, v0  }
0x28d: {  	v7 =	vld [tilespmem:s6+$0x130];
	v6 =	vmul.f32 $1.131370830e+01, v6;
	[tilespmem:s6+$0x70] =	vst v2  }
0x28e: {  	v2 =	vmul.f32 $1.131370830e+01, v3;
	v3 =	vld [tilespmem:s6+$0x100];
	[tilespmem:s6+$0x90] =	vst v0  }
0x28f: {  	v0 =	vmul.f32 $1.131370830e+01, v4;
	v4 =	vld [tilespmem:s6+$0x110];
	[tilespmem:s6+$0xF0] =	vst v6  }
0x290: {  	[tilespmem:s6+$0xA0] =	vst v2;
	v2 =	vmul.f32 $1.131370830e+01, v5;
	v5 =	vld [tilespmem:s6+$0x120]  }
0x291: {  	v6 =	vld [tilespmem:s6+$0x180];
	[tilespmem:s6+$0xB0] =	vst v0;
	v0 =	vmul.f32 $1.131370830e+01, v8  }
0x292: {  	v1 =	vmul.f32 $1.131370830e+01, v1;
	[tilespmem:s6+$0xC0] =	vst v2;
	v2 =	vld [tilespmem:s6+$0x140]  }
0x293: {  	[tilespmem:s6+$0xD0] =	vst v0;
	v0 =	vmul.f32 $1.131370830e+01, v3  }
0x294: {  	v3 =	vld [tilespmem:s6+$0x150];
	[tilespmem:s6+$0xE0] =	vst v1;
	v4 =	vmul.f32 $1.131370830e+01, v4  }
0x295: {  	v1 =	vld [tilespmem:s6+$0x160];
	[tilespmem:s6+$0x100] =	vst v0;
	v0 =	vmul.f32 $1.131370830e+01, v5  }
0x296: {  	v6 =	vmul.f32 $1.131370830e+01, v6;
	v5 =	vld [tilespmem:s6+$0x170];
	[tilespmem:s6+$0x110] =	vst v4  }
0x297: {  	v4 =	vmul.f32 $1.131370830e+01, v7;
	v7 =	vld [tilespmem:s6+$0x190];
	[tilespmem:s6+$0x120] =	vst v0;
	v0 =	vmul.f32 $1.131370830e+01, v2  }
0x298: {  	v8 =	vld [tilespmem:s6+$0x1A0];
	[tilespmem:s6+$0x180] =	vst v6  }
0x299: {  	v2 =	vmul.f32 $1.131370830e+01, v3;
	[tilespmem:s6+$0x140] =	vst v0;
	v0 =	vld [tilespmem:s6+$0x1B0]  }
0x29a: {  	[tilespmem:s6+$0x130] =	vst v4;
	v3 =	vmul.f32 $1.131370830e+01, v1;
	v1 =	vld [tilespmem:s6+$0x1C0]  }
0x29b: {  	[tilespmem:s6+$0x150] =	vst v2;
	v4 =	vmul.f32 $1.131370830e+01, v5;
	v2 =	vld [tilespmem:s6+$0x1D0]  }
0x29c: {  	[tilespmem:s6+$0x160] =	vst v3;
	v3 =	vld [tilespmem:s6+$0x1E0];
	v5 =	vmul.f32 $1.131370830e+01, v7  }
0x29d: {  	s7 =	simm.s32 $0x0;
	s10 =	simm.s32 $0xE600;
	v6 =	vmul.f32 $1.131370830e+01, v8;
	[tilespmem:s6+$0x170] =	vst v4;
	v4 =	vld [tilespmem:s6+$0x0]  }
.LBB2_18:
0x29e: {  	v7 =	vld [tilespmem:s10+$0x1F0];
	s7 =	sadd.s32 $0x4, s7;
	[tilespmem:s6+$0x190] =	vst v5;
	v0 =	vmul.f32 $1.131370830e+01, v0  }
0x29f: {  	v5 =	vld [tilespmem:s10+$0x10];
	p0 =	slt.u32 s7, $0xC4;
	[tilespmem:s6+$0x1A0] =	vst v6;
	v1 =	vmul.f32 $1.131370830e+01, v1  }
0x2a0: {  	v6 =	vld [tilespmem:s10+$0x20];
	[tilespmem:s6+$0x1B0] =	vst v0;
	v0 =	vmul.f32 $1.131370830e+01, v2  }
0x2a1: {  	v2 =	vld [tilespmem:s10+$0x30];
	[tilespmem:s6+$0x1C0] =	vst v1;
	v1 =	vmul.f32 $1.131370830e+01, v3  }
0x2a2: {  	v3 =	vld [tilespmem:s10+$0x40];
	v4 =	vmul.f32 $1.131370830e+01, v4;
	[tilespmem:s6+$0x1D0] =	vst v0  }
0x2a3: {  	v0 =	vld [tilespmem:s10+$0x50];
	v7 =	vmul.f32 $1.131370830e+01, v7;
	[tilespmem:s6+$0x1E0] =	vst v1  }
0x2a4: {  	v1 =	vmul.f32 $1.131370830e+01, v5;
	v5 =	vld [tilespmem:s10+$0x60];
	[tilespmem:s6+$0x0] =	vst v4;
	s6 =	smov.u32 s10  }
0x2a5: {  	v4 =	vmul.f32 $1.131370830e+01, v6;
	v6 =	vld [tilespmem:s10+$0x70];
	[tilespmem:s10+$0x1F0] =	vst v7  }
0x2a6: {  	[tilespmem:s10+$0x10] =	vst v1;
	v1 =	vmul.f32 $1.131370830e+01, v2;
	v2 =	vld [tilespmem:s10+$0x80]  }
0x2a7: {  	[tilespmem:s10+$0x20] =	vst v4;
	v3 =	vmul.f32 $1.131370830e+01, v3;
	v4 =	vld [tilespmem:s10+$0x90]  }
0x2a8: {  	[tilespmem:s10+$0x30] =	vst v1;
	v0 =	vmul.f32 $1.131370830e+01, v0;
	v1 =	vld [tilespmem:s10+$0xA0]  }
0x2a9: {  	[tilespmem:s10+$0x40] =	vst v3;
	v3 =	vmul.f32 $1.131370830e+01, v5;
	v5 =	vld [tilespmem:s10+$0xB0]  }
0x2aa: {  	[tilespmem:s10+$0x50] =	vst v0;
	v0 =	vmul.f32 $1.131370830e+01, v6;
	v6 =	vld [tilespmem:s10+$0xC0]  }
0x2ab: {  	[tilespmem:s10+$0x60] =	vst v3;
	v2 =	vmul.f32 $1.131370830e+01, v2;
	v3 =	vld [tilespmem:s10+$0xD0]  }
0x2ac: {  	[tilespmem:s10+$0x70] =	vst v0;
	v0 =	vmul.f32 $1.131370830e+01, v4;
	v4 =	vld [tilespmem:s10+$0xE0]  }
0x2ad: {  	[tilespmem:s10+$0x80] =	vst v2;
	v1 =	vmul.f32 $1.131370830e+01, v1;
	v2 =	vld [tilespmem:s10+$0xF0]  }
0x2ae: {  	[tilespmem:s10+$0x90] =	vst v0;
	v0 =	vmul.f32 $1.131370830e+01, v5;
	v5 =	vld [tilespmem:s10+$0x100]  }
0x2af: {  	[tilespmem:s10+$0xA0] =	vst v1;
	v1 =	vmul.f32 $1.131370830e+01, v6;
	v6 =	vld [tilespmem:s10+$0x110]  }
0x2b0: {  	[tilespmem:s10+$0xB0] =	vst v0;
	v0 =	vmul.f32 $1.131370830e+01, v3;
	v3 =	vld [tilespmem:s10+$0x120]  }
0x2b1: {  	[tilespmem:s10+$0xC0] =	vst v1;
	v1 =	vmul.f32 $1.131370830e+01, v4;
	v4 =	vld [tilespmem:s10+$0x130]  }
0x2b2: {  	[tilespmem:s10+$0xD0] =	vst v0;
	v0 =	vmul.f32 $1.131370830e+01, v2;
	v2 =	vld [tilespmem:s10+$0x140]  }
0x2b3: {  	[tilespmem:s10+$0xE0] =	vst v1;
	v1 =	vmul.f32 $1.131370830e+01, v5;
	v5 =	vld [tilespmem:s10+$0x150]  }
0x2b4: {  	[tilespmem:s10+$0xF0] =	vst v0;
	v0 =	vmul.f32 $1.131370830e+01, v6;
	v6 =	vld [tilespmem:s10+$0x160]  }
0x2b5: {  	[tilespmem:s10+$0x100] =	vst v1;
	v1 =	vmul.f32 $1.131370830e+01, v3;
	v3 =	vld [tilespmem:s10+$0x170]  }
0x2b6: {  	[tilespmem:s10+$0x110] =	vst v0;
	v0 =	vmul.f32 $1.131370830e+01, v4;
	v4 =	vld [tilespmem:s10+$0x180]  }
0x2b7: {  	[tilespmem:s10+$0x120] =	vst v1;
	v1 =	vmul.f32 $1.131370830e+01, v2;
	v7 =	vld [tilespmem:s10+$0x190]  }
0x2b8: {  	[tilespmem:s10+$0x130] =	vst v0;
	v2 =	vmul.f32 $1.131370830e+01, v5;
	v8 =	vld [tilespmem:s10+$0x1A0]  }
.Ltmp8:
0x2b9: {  	[tilespmem:s10+$0x140] =	vst v1;
	v5 =	vmul.f32 $1.131370830e+01, v6;
	v0 =	vld [tilespmem:s10+$0x1B0];
	(pc) =	sbr.rel @p0 .LBB2_18-.Ltmp8, $4  }
0x2ba: {  	[tilespmem:s10+$0x150] =	vst v2;
	v3 =	vmul.f32 $1.131370830e+01, v3;
	v1 =	vld [tilespmem:s10+$0x1C0]  }
0x2bb: {  	[tilespmem:s10+$0x160] =	vst v5;
	v6 =	vmul.f32 $1.131370830e+01, v4;
	v2 =	vld [tilespmem:s10+$0x1D0]  }
0x2bc: {  	[tilespmem:s10+$0x170] =	vst v3;
	v5 =	vmul.f32 $1.131370830e+01, v7;
	v3 =	vld [tilespmem:s10+$0x1E0]  }
0x2bd: {  	s10 =	sadd.s32 $0x200, s10;
	v4 =	vld [tilespmem:s6+$0x0];
	[tilespmem:s6+$0x180] =	vst v6;
	v6 =	vmul.f32 $1.131370830e+01, v8  }
0x2be: {  	[tilespmem:s6+$0x190] =	vst v5;
	v0 =	vmul.f32 $1.131370830e+01, v0  }
0x2bf: {  	[tilespmem:s6+$0x1A0] =	vst v6;
	v1 =	vmul.f32 $1.131370830e+01, v1  }
0x2c0: {  	[tilespmem:s6+$0x1B0] =	vst v0;
	v61 =	vmul.f32 $1.131370830e+01, v2  }
0x2c1: {  	[tilespmem:s6+$0x1C0] =	vst v1;
	v62 =	vmul.f32 $1.131370830e+01, v3  }
0x2c2: {  	s24 =	sadd.s32 $0x1, s24;
	v63 =	vmul.f32 $1.131370830e+01, v4;
	[tilespmem:s6+$0x1D0] =	vst v61  }
0x2c3: {  	p0 =	sne.s32 s24, s14;
	[tilespmem:s6+$0x1E0] =	vst v62  }
.Ltmp9:
0x2c4: {  	[tilespmem:s6+$0x0] =	vst v63;
	(pc) =	sbr.rel @p0 .LBB2_1-.Ltmp9, $4  }
0x2c5: {  	[hbm4b:s13+s4] =	stream.linear.scatter [tilespmem:s21], [sflag:$0x5], $0x6400, $0x38;
	[tilespmem:$0x1AC00] =	vst v63  }
0x2c6: {  	_ =	swait.ge [sflag:s0], $0x6400  }
0x2c7: {  	[sflag:s0] =	ssyncset.done $0x0  }
0x2c8: {  	[sflag:s0] =	ssyncadd.s32 $0xFFFF9C00  }
0x2c9: {  	_ =	sfence.sel $0x180000  }
0x2ca: {  	[bflag:$0x0] =	sbarrier.arrive $0xFFFF  }
0x2cb: {  	_ =	strace $0x90000047  }
0x2cc: {  	s0 =	stileid.u32;
	[bflag:$0x2] =	sbarrier.arrive $0xFFFF  }
0x2cd: {  	p0 =	sne.s32 s0, $0x0;
	s0 =	rddreg [dreg:$0x3]  }
0x2ce: {  	s0 =	sadd.s32 @!p0 $0x100000, s0  }
0x2cf: {  	[sflag:s0] =	ssyncadd.tile.s32 @!p0 $0x1;
	_ =	shalt  }
.Lfunc_end2:
_tile_overlayer_lowered:
.L_overlay_start_2:
0x2d0: {  	(tag) =	ssettag $0x2  }
0x2d1: {  	s0 =	rddreg [dreg:$0x0];
	s2 =	stileid.u32  }
0x2d2: {  	s1 =	rddreg [dreg:$0x1];
	p0 =	sne.s32 s2, $0x0  }
0x2d3: {  	s3 =	rddreg [dreg:$0x2];
	[bflag:$0x3] =	sbarrier.arrive $0xFFFF;
	s2 =	simm.s32 @!p0 $0x1C07  }
0x2d4: {  	[timem:s3], [sflag:s2] =	dma.local @!p0 [hbm:s0], s1  }
0x2d5: {  	s0 =	simm.s32 @!p0 $0x7  }
0x2d6: {  	_ =	swait.ge @!p0 [sflag:s0], s1  }
0x2d7: {  	s1 =	ssub.s32 @!p0 $0x0, s1;
	[sflag:s0] =	ssyncset.done @!p0 $0x0  }
0x2d8: {  	[sflag:s0] =	ssyncadd.s32 @!p0 s1  }
0x2d9: {  	[bflag:$0x3] =	sbarrier.arrive $0xFFFF  }
0x2da: {  	_ =	shalt  }

</sc_bundles>
